<compile_context>
chip_gen: v7x
topology: tpu7x:2x2x1
jax: 0.10.2.dev20260603
libtpu: 0.0.44.dev20260713+nightly
codegen_flags: <defaults>
</compile_context>

<pallas_src>
import functools

import jax
import jax.numpy as jnp
from jax import lax
from jax.experimental import pallas as pl
from jax.experimental.pallas import tpu as pltpu
from jax.experimental.pallas import tpu_sc as plsc

N = 10000
E = 320000
IN_CH = 128
OUT_CH = 128

NPAD = 10112
ROWS_PER_SUB = 632
NUM_CORES = 2
NUM_SUBCORES = 16
NW = NUM_CORES * NUM_SUBCORES
CHUNK = 125
CPW = 80
WIN = 16
GROUPS = CPW // WIN


def _sc_segment_sum(x, ei3):
  mesh = plsc.VectorSubcoreMesh(
      core_axis_name="c", subcore_axis_name="s",
      num_cores=NUM_CORES, num_subcores=NUM_SUBCORES)

  @functools.partial(
      pl.kernel,
      out_type=(
          jax.ShapeDtypeStruct((NUM_CORES, NPAD, IN_CH), jnp.float32),
          jax.ShapeDtypeStruct((NW, NPAD), jnp.float32),
      ),
      mesh=mesh,
      compiler_params=pltpu.CompilerParams(use_tc_tiling_on_sc=False,
                                           needs_layout_passes=False),
      scratch_types=[
          pltpu.VMEM((WIN, CHUNK), jnp.int32),
          pltpu.VMEM((WIN, CHUNK), jnp.int32),
          pltpu.VMEM((CHUNK, IN_CH), jnp.float32),
          pltpu.VMEM((CHUNK, IN_CH), jnp.float32),
          pltpu.VMEM((NPAD,), jnp.float32),
          pltpu.VMEM_SHARED((NPAD, IN_CH), jnp.float32),
          pltpu.SemaphoreType.DMA,
          pltpu.SemaphoreType.DMA,
          pltpu.SemaphoreType.DMA,
          pltpu.SemaphoreType.DMA,
          pltpu.SemaphoreType.DMA,
      ],
  )
  def k(x_hbm, ei_hbm, out_hbm, cnt_hbm, src_v, dst_v,
        gb0, gb1, hist, acc, sg0, sg1, ss0, ss1, sr):
    src_hbm = ei_hbm.at[0]
    dst_hbm = ei_hbm.at[1]
    cid = lax.axis_index("c")
    sid = lax.axis_index("s")
    wid = cid * NUM_SUBCORES + sid
    base = sid * ROWS_PER_SUB

    zeros16 = jnp.zeros((16,), jnp.float32)
    ones16 = jnp.ones((16,), jnp.float32)
    tail_mask = lax.iota(jnp.int32, 16) >= 3

    gbs = (gb0, gb1)
    sgs = (sg0, sg1)
    sss = (ss0, ss1)

    def zrow(r, carry):
      for j in range(IN_CH // 16):
        gb0[r, pl.ds(j * 16, 16)] = zeros16
      return carry

    lax.fori_loop(0, 120, zrow, 0)

    for t in range(5):
      pltpu.async_copy(gb0.at[pl.ds(0, 120)],
                       acc.at[pl.ds(base + t * 120, 120)], sg0)
    pltpu.async_copy(gb0.at[pl.ds(0, 32)], acc.at[pl.ds(base + 600, 32)],
                     sg1)
    pltpu.async_copy(src_hbm.at[pl.ds(wid * CPW, WIN)], src_v, sr)
    pltpu.async_copy(dst_hbm.at[pl.ds(wid * CPW, WIN)], dst_v, sr)

    def hrow(r, carry):
      hist[pl.ds(pl.multiple_of(r * 16, 16), 16)] = zeros16
      return carry

    lax.fori_loop(0, NPAD // 16, hrow, 0)

    for t in range(5):
      pltpu.make_async_copy(gb0.at[pl.ds(0, 120)],
                            acc.at[pl.ds(base + t * 120, 120)], sg0).wait()
    pltpu.make_async_copy(gb0.at[pl.ds(0, 32)],
                          acc.at[pl.ds(base + 600, 32)], sg1).wait()
    pltpu.make_async_copy(src_hbm.at[pl.ds(wid * CPW, WIN)], src_v,
                          sr).wait()
    pltpu.make_async_copy(dst_hbm.at[pl.ds(wid * CPW, WIN)], dst_v,
                          sr).wait()

    plsc.subcore_barrier()

    def fire_gather(c, b):
      pltpu.async_copy(x_hbm.at[src_v.at[c, pl.ds(0, 64)]],
                       gbs[b].at[pl.ds(0, 64)], sgs[b])
      pltpu.async_copy(x_hbm.at[src_v.at[c, pl.ds(64, 61)]],
                       gbs[b].at[pl.ds(64, 61)], sgs[b])

    def wait_gather(c, b):
      pltpu.make_async_copy(x_hbm.at[src_v.at[c, pl.ds(0, 64)]],
                            gbs[b].at[pl.ds(0, 64)], sgs[b]).wait()
      pltpu.make_async_copy(x_hbm.at[src_v.at[c, pl.ds(64, 61)]],
                            gbs[b].at[pl.ds(64, 61)], sgs[b]).wait()

    fire_gather(0, 0)
    fire_gather(1, 1)

    def hist_chunk(c):
      for j in range(7):
        idx = dst_v[c, pl.ds(j * 16, 16)]
        plsc.addupdate_scatter(hist, [idx], ones16)
      idx = dst_v[c, pl.ds(109, 16)]
      plsc.addupdate_scatter(hist, [idx], ones16, mask=tail_mask)

    def group(i, carry):
      last = i == GROUPS - 1
      for c in range(WIN):
        b = c % 2
        wait_gather(c, b)
        pltpu.async_copy(gbs[b], acc.at[dst_v.at[c]], sss[b], add=True)
        if c == 0:
          row0 = wid * CPW + i * WIN + 8
          pltpu.async_copy(src_hbm.at[pl.ds(row0, 8)],
                           src_v.at[pl.ds(8, 8)], sr)
          pltpu.async_copy(dst_hbm.at[pl.ds(row0, 8)],
                           dst_v.at[pl.ds(8, 8)], sr)
        if c == 8:
          @pl.when(jnp.logical_not(last))
          def _():
            row0 = wid * CPW + (i + 1) * WIN
            pltpu.async_copy(src_hbm.at[pl.ds(row0, 8)],
                             src_v.at[pl.ds(0, 8)], sr)
            pltpu.async_copy(dst_hbm.at[pl.ds(row0, 8)],
                             dst_v.at[pl.ds(0, 8)], sr)
        hist_chunk(c)
        if c == 5:
          pltpu.make_async_copy(src_hbm.at[pl.ds(0, 8)],
                                src_v.at[pl.ds(8, 8)], sr).wait()
          pltpu.make_async_copy(dst_hbm.at[pl.ds(0, 8)],
                                dst_v.at[pl.ds(8, 8)], sr).wait()
        if c == 13:
          @pl.when(jnp.logical_not(last))
          def _():
            pltpu.make_async_copy(src_hbm.at[pl.ds(0, 8)],
                                  src_v.at[pl.ds(0, 8)], sr).wait()
            pltpu.make_async_copy(dst_hbm.at[pl.ds(0, 8)],
                                  dst_v.at[pl.ds(0, 8)], sr).wait()
        pltpu.make_async_copy(gbs[b], acc.at[dst_v.at[c]], sss[b]).wait()
        if c + 2 < WIN:
          fire_gather(c + 2, b)
        else:
          @pl.when(jnp.logical_not(last))
          def _():
            fire_gather(c + 2 - WIN, b)
      return carry

    lax.fori_loop(0, GROUPS, group, 0)

    plsc.subcore_barrier()

    pltpu.async_copy(acc.at[pl.ds(base, ROWS_PER_SUB)],
                     out_hbm.at[cid, pl.ds(base, ROWS_PER_SUB)], sg0)
    pltpu.async_copy(hist, cnt_hbm.at[wid], sg1)
    pltpu.make_async_copy(acc.at[pl.ds(base, ROWS_PER_SUB)],
                          out_hbm.at[cid, pl.ds(base, ROWS_PER_SUB)],
                          sg0).wait()
    pltpu.make_async_copy(hist, cnt_hbm.at[wid], sg1).wait()

  return k(x, ei3)


def _tc_combine_body(p_ref, c_ref, x_ref, wl_ref, wr_ref, b_ref, o_ref):
  s = p_ref[0] + p_ref[1]
  cnt = lax.dot_general(c_ref[...], jnp.ones((NW, 1), jnp.float32),
                        (((0,), (0,)), ((), ())),
                        preferred_element_type=jnp.float32)
  mean = s / jnp.maximum(cnt, 1.0)
  dims = (((1,), (1,)), ((), ()))
  o_ref[...] = (
      lax.dot_general(mean, wl_ref[...], dims,
                      preferred_element_type=jnp.float32)
      + b_ref[...]
      + lax.dot_general(x_ref[...], wr_ref[...], dims,
                        preferred_element_type=jnp.float32))


def _tc_combine(part, cnt, x, w_l, w_r, b_l):
  blk = 2560
  grid = pl.cdiv(N, blk)
  return pl.pallas_call(
      _tc_combine_body,
      grid=(grid,),
      in_specs=[
          pl.BlockSpec((NUM_CORES, blk, IN_CH), lambda i: (0, i, 0)),
          pl.BlockSpec((NW, blk), lambda i: (0, i)),
          pl.BlockSpec((blk, IN_CH), lambda i: (i, 0)),
          pl.BlockSpec((OUT_CH, IN_CH), lambda i: (0, 0)),
          pl.BlockSpec((OUT_CH, IN_CH), lambda i: (0, 0)),
          pl.BlockSpec((1, OUT_CH), lambda i: (0, 0)),
      ],
      out_specs=pl.BlockSpec((blk, OUT_CH), lambda i: (i, 0)),
      out_shape=jax.ShapeDtypeStruct((N, OUT_CH), jnp.float32),
  )(part, cnt, x, w_l, w_r, b_l)


def kernel(x, edge_index, W_l, b_l, W_r):
  ei3 = edge_index.reshape(2, NW * CPW, CHUNK)
  part, cnt = _sc_segment_sum(x, ei3)
  return _tc_combine(part, cnt, x, W_l, W_r, b_l.reshape(1, OUT_CH))

# --- scband reference (transcript-rebuilt; emitter-appended) ---
"""Pipeline reference for scband-custom-sageconv-58437325029517 (READ-ONLY COPY).

The authoritative reference and input builder live on the scoring server;
editing this copy changes nothing except your own understanding.
"""

import jax, jax.numpy as jnp
import numpy as np

N = 10000
E = 320000
IN_CH = 128
OUT_CH = 128

def setup_inputs(seed: int = 0) -> dict:
    key = jax.random.key(seed)
    k1, k2, k3, k4, k5 = jax.random.split(key, 5)
    x = jax.random.normal(k1, (N, IN_CH), dtype=jnp.float32)
    edge_index = jax.random.randint(k2, (2, E), 0, N, dtype=jnp.int32)
    # SAGEConv parameters (PyG default: aggr='mean', root_weight=True, bias on lin_l path)
    scale = 1.0 / np.sqrt(IN_CH)
    W_l = jax.random.uniform(k3, (OUT_CH, IN_CH), dtype=jnp.float32, minval=-scale, maxval=scale)
    b_l = jnp.zeros((OUT_CH,), dtype=jnp.float32)
    W_r = jax.random.uniform(k4, (OUT_CH, IN_CH), dtype=jnp.float32, minval=-scale, maxval=scale)
    return {"x": x, "edge_index": edge_index, "W_l": W_l, "b_l": b_l, "W_r": W_r}

def reference(x, edge_index, W_l, b_l, W_r):
    # PyG SAGEConv: out = lin_l(mean_{j in N(i)} x_j) + lin_r(x_i)
    src = edge_index[0]
    dst = edge_index[1]
    msgs = jnp.take(x, src, axis=0)                       # gather source node features [E, IN]
    summed = jax.ops.segment_sum(msgs, dst, num_segments=N)  # scatter-add by destination
    counts = jax.ops.segment_sum(jnp.ones((E,), dtype=jnp.float32), dst, num_segments=N)
    mean_agg = summed / jnp.clip(counts, 1.0, None)[:, None]
    out = mean_agg @ W_l.T + b_l + x @ W_r.T
    return out

if __name__ == "__main__":
    import jax
    _d = setup_inputs()
    print(jax.jit(kernel)(*tuple(_d.values())))

</pallas_src>

<mosaic_0001>
#map = affine_map<(d0, d1) -> (0, 0)>
#map1 = affine_map<(d0, d1) -> (0, 0, 0)>
module attributes {stable_mosaic.version = 14 : i64} {
  func.func @k(%arg0: i32, %arg1: i32, %arg2: memref<10000x128xf32, #tpu.memory_space<hbm>>, %arg3: memref<2x2560x125xi32, #tpu.memory_space<hbm>>, %arg4: memref<2x10112x128xf32, #tpu.memory_space<hbm>>, %arg5: memref<32x10112xf32, #tpu.memory_space<hbm>>, %arg6: memref<16x125xi32, #tpu.memory_space<vmem>>, %arg7: memref<16x125xi32, #tpu.memory_space<vmem>>, %arg8: memref<125x128xf32, #tpu.memory_space<vmem>>, %arg9: memref<125x128xf32, #tpu.memory_space<vmem>>, %arg10: memref<10112xf32, #tpu.memory_space<vmem>>, %arg11: memref<10112x128xf32, #tpu.memory_space<vmem_shared>>, %arg12: memref<!tpu.dma_semaphore, #tpu.memory_space<semaphore_mem>>, %arg13: memref<!tpu.dma_semaphore, #tpu.memory_space<semaphore_mem>>, %arg14: memref<!tpu.dma_semaphore, #tpu.memory_space<semaphore_mem>>, %arg15: memref<!tpu.dma_semaphore, #tpu.memory_space<semaphore_mem>>, %arg16: memref<!tpu.dma_semaphore, #tpu.memory_space<semaphore_mem>>) attributes {dimension_semantics = [#tpu.dimension_semantics<core_parallel>, #tpu.dimension_semantics<subcore_parallel>], iteration_bounds = array<i64: 2, 16>, scalar_prefetch = 0 : i64, scratch_operands = 11 : i64, tpu.core_type = #tpu.core_type<sc_vector_subcore>, window_params = [{transform_indices = #map}, {transform_indices = #map1}, {transform_indices = #map1}, {transform_indices = #map}]} {
    %mul3A = arith.constant 16 : i32
    %mul3A_0 = arith.muli %arg0, %mul3A : i32
    %add3A = arith.addi %mul3A_0, %arg1 : i32
    %mul3A_1 = arith.constant 632 : i32
    %mul3A_2 = arith.muli %arg1, %mul3A_1 : i32
    %broadcast_in_dim3A = arith.constant 0.000000e+00 : f32
    %broadcast_in_dim3A_3 = vector.broadcast %broadcast_in_dim3A : f32 to vector<16xf32>
    %broadcast_in_dim3A_4 = arith.constant 1.000000e+00 : f32
    %broadcast_in_dim3A_5 = vector.broadcast %broadcast_in_dim3A_4 : f32 to vector<16xf32>
    %iota3A = tpu.iota {dimensions = array<i32: 0>} : vector<16xi32>
    %ge3A = arith.constant 3 : i32
    %ge3A_6 = vector.broadcast %ge3A : i32 to vector<16xi32>
    %ge3A_7 = arith.cmpi sge, %iota3A, %ge3A_6 : vector<16xi32>
    %scan3A = arith.constant 0 : i32
    %scan3A_8 = arith.constant 0 : i32
    %scan3A_9 = arith.constant 120 : i32
    %scan3A_10 = arith.addi %scan3A_8, %scan3A_9 : i32
    %scan3A_11 = arith.constant 1 : i32
    scf.for %scan3A_292 = %scan3A_8 to %scan3A_10 step %scan3A_11  : i32 {
      %swap3A = arith.index_cast %scan3A_292 : i32 to index
      %swap3A_293 = arith.constant 0 : index
      %swap3A_294 = tpu.vector_load %arg8[%swap3A, %swap3A_293] {strides = array<i32>} : memref<125x128xf32, #tpu.memory_space<vmem>>, vector<16xf32>,
      tpu.vector_store %arg8[%swap3A, %swap3A_293], %broadcast_in_dim3A_3 {strides = array<i32>} : memref<125x128xf32, #tpu.memory_space<vmem>>, vector<16xf32>,
      %swap3A_295 = arith.index_cast %scan3A_292 : i32 to index
      %swap3A_296 = arith.constant 16 : index
      %swap3A_297 = tpu.vector_load %arg8[%swap3A_295, %swap3A_296] {strides = array<i32>} : memref<125x128xf32, #tpu.memory_space<vmem>>, vector<16xf32>,
      tpu.vector_store %arg8[%swap3A_295, %swap3A_296], %broadcast_in_dim3A_3 {strides = array<i32>} : memref<125x128xf32, #tpu.memory_space<vmem>>, vector<16xf32>,
      %swap3A_298 = arith.index_cast %scan3A_292 : i32 to index
      %swap3A_299 = arith.constant 32 : index
      %swap3A_300 = tpu.vector_load %arg8[%swap3A_298, %swap3A_299] {strides = array<i32>} : memref<125x128xf32, #tpu.memory_space<vmem>>, vector<16xf32>,
      tpu.vector_store %arg8[%swap3A_298, %swap3A_299], %broadcast_in_dim3A_3 {strides = array<i32>} : memref<125x128xf32, #tpu.memory_space<vmem>>, vector<16xf32>,
      %swap3A_301 = arith.index_cast %scan3A_292 : i32 to index
      %swap3A_302 = arith.constant 48 : index
      %swap3A_303 = tpu.vector_load %arg8[%swap3A_301, %swap3A_302] {strides = array<i32>} : memref<125x128xf32, #tpu.memory_space<vmem>>, vector<16xf32>,
      tpu.vector_store %arg8[%swap3A_301, %swap3A_302], %broadcast_in_dim3A_3 {strides = array<i32>} : memref<125x128xf32, #tpu.memory_space<vmem>>, vector<16xf32>,
      %swap3A_304 = arith.index_cast %scan3A_292 : i32 to index
      %swap3A_305 = arith.constant 64 : index
      %swap3A_306 = tpu.vector_load %arg8[%swap3A_304, %swap3A_305] {strides = array<i32>} : memref<125x128xf32, #tpu.memory_space<vmem>>, vector<16xf32>,
      tpu.vector_store %arg8[%swap3A_304, %swap3A_305], %broadcast_in_dim3A_3 {strides = array<i32>} : memref<125x128xf32, #tpu.memory_space<vmem>>, vector<16xf32>,
      %swap3A_307 = arith.index_cast %scan3A_292 : i32 to index
      %swap3A_308 = arith.constant 80 : index
      %swap3A_309 = tpu.vector_load %arg8[%swap3A_307, %swap3A_308] {strides = array<i32>} : memref<125x128xf32, #tpu.memory_space<vmem>>, vector<16xf32>,
      tpu.vector_store %arg8[%swap3A_307, %swap3A_308], %broadcast_in_dim3A_3 {strides = array<i32>} : memref<125x128xf32, #tpu.memory_space<vmem>>, vector<16xf32>,
      %swap3A_310 = arith.index_cast %scan3A_292 : i32 to index
      %swap3A_311 = arith.constant 96 : index
      %swap3A_312 = tpu.vector_load %arg8[%swap3A_310, %swap3A_311] {strides = array<i32>} : memref<125x128xf32, #tpu.memory_space<vmem>>, vector<16xf32>,
      tpu.vector_store %arg8[%swap3A_310, %swap3A_311], %broadcast_in_dim3A_3 {strides = array<i32>} : memref<125x128xf32, #tpu.memory_space<vmem>>, vector<16xf32>,
      %swap3A_313 = arith.index_cast %scan3A_292 : i32 to index
      %swap3A_314 = arith.constant 112 : index
      %swap3A_315 = tpu.vector_load %arg8[%swap3A_313, %swap3A_314] {strides = array<i32>} : memref<125x128xf32, #tpu.memory_space<vmem>>, vector<16xf32>,
      tpu.vector_store %arg8[%swap3A_313, %swap3A_314], %broadcast_in_dim3A_3 {strides = array<i32>} : memref<125x128xf32, #tpu.memory_space<vmem>>, vector<16xf32>,
    }
    %scan3A_12 = arith.constant 120 : i32
    %add3A_13 = arith.constant 0 : i32
    %add3A_14 = arith.addi %mul3A_2, %add3A_13 : i32
    %dma_start3A = arith.constant 0 : i32
    %dma_start3A_15 = arith.constant 0 : i32
    %dma_start3A_16 = tpu.memref_slice %arg8[%dma_start3A, %dma_start3A_15] : memref<125x128xf32, #tpu.memory_space<vmem>> -> memref<120x128xf32, #tpu.memory_space<vmem>>
    %dma_start3A_17 = arith.constant 0 : i32
    %dma_start3A_18 = tpu.memref_slice %arg11[%add3A_14, %dma_start3A_17] : memref<10112x128xf32, #tpu.memory_space<vmem_shared>> -> memref<120x128xf32, #tpu.memory_space<vmem_shared>>
    %dma_start3A_19 = arith.constant 0 : i32
    %dma_start3A_20 = tpu.memref_slice %arg11[%add3A_14, %dma_start3A_19] : memref<10112x128xf32, #tpu.memory_space<vmem_shared>> -> memref<120x128xf32, #tpu.memory_space<vmem_shared>>
    %dma_start3A_21 = arith.constant 0 : i32
    %dma_start3A_22 = arith.constant 0 : i32
    %dma_start3A_23 = tpu.memref_slice %arg8[%dma_start3A_21, %dma_start3A_22] : memref<125x128xf32, #tpu.memory_space<vmem>> -> memref<120x128xf32, #tpu.memory_space<vmem>>
    tpu.enqueue_dma source(%dma_start3A_23 : memref<120x128xf32, #tpu.memory_space<vmem>>) target(%dma_start3A_20 : memref<120x128xf32, #tpu.memory_space<vmem_shared>>) target_semaphore(%arg12 : memref<!tpu.dma_semaphore, #tpu.memory_space<semaphore_mem>>)
    %add3A_24 = arith.constant 120 : i32
    %add3A_25 = arith.addi %mul3A_2, %add3A_24 : i32
    %dma_start3A_26 = arith.constant 0 : i32
    %dma_start3A_27 = arith.constant 0 : i32
    %dma_start3A_28 = tpu.memref_slice %arg8[%dma_start3A_26, %dma_start3A_27] : memref<125x128xf32, #tpu.memory_space<vmem>> -> memref<120x128xf32, #tpu.memory_space<vmem>>
    %dma_start3A_29 = arith.constant 0 : i32
    %dma_start3A_30 = tpu.memref_slice %arg11[%add3A_25, %dma_start3A_29] : memref<10112x128xf32, #tpu.memory_space<vmem_shared>> -> memref<120x128xf32, #tpu.memory_space<vmem_shared>>
    %dma_start3A_31 = arith.constant 0 : i32
    %dma_start3A_32 = tpu.memref_slice %arg11[%add3A_25, %dma_start3A_31] : memref<10112x128xf32, #tpu.memory_space<vmem_shared>> -> memref<120x128xf32, #tpu.memory_space<vmem_shared>>
    %dma_start3A_33 = arith.constant 0 : i32
    %dma_start3A_34 = arith.constant 0 : i32
    %dma_start3A_35 = tpu.memref_slice %arg8[%dma_start3A_33, %dma_start3A_34] : memref<125x128xf32, #tpu.memory_space<vmem>> -> memref<120x128xf32, #tpu.memory_space<vmem>>
    tpu.enqueue_dma source(%dma_start3A_35 : memref<120x128xf32, #tpu.memory_space<vmem>>) target(%dma_start3A_32 : memref<120x128xf32, #tpu.memory_space<vmem_shared>>) target_semaphore(%arg12 : memref<!tpu.dma_semaphore, #tpu.memory_space<semaphore_mem>>)
    %add3A_36 = arith.constant 240 : i32
    %add3A_37 = arith.addi %mul3A_2, %add3A_36 : i32
    %dma_start3A_38 = arith.constant 0 : i32
    %dma_start3A_39 = arith.constant 0 : i32
    %dma_start3A_40 = tpu.memref_slice %arg8[%dma_start3A_38, %dma_start3A_39] : memref<125x128xf32, #tpu.memory_space<vmem>> -> memref<120x128xf32, #tpu.memory_space<vmem>>
    %dma_start3A_41 = arith.constant 0 : i32
    %dma_start3A_42 = tpu.memref_slice %arg11[%add3A_37, %dma_start3A_41] : memref<10112x128xf32, #tpu.memory_space<vmem_shared>> -> memref<120x128xf32, #tpu.memory_space<vmem_shared>>
    %dma_start3A_43 = arith.constant 0 : i32
    %dma_start3A_44 = tpu.memref_slice %arg11[%add3A_37, %dma_start3A_43] : memref<10112x128xf32, #tpu.memory_space<vmem_shared>> -> memref<120x128xf32, #tpu.memory_space<vmem_shared>>
    %dma_start3A_45 = arith.constant 0 : i32
    %dma_start3A_46 = arith.constant 0 : i32
    %dma_start3A_47 = tpu.memref_slice %arg8[%dma_start3A_45, %dma_start3A_46] : memref<125x128xf32, #tpu.memory_space<vmem>> -> memref<120x128xf32, #tpu.memory_space<vmem>>
    tpu.enqueue_dma source(%dma_start3A_47 : memref<120x128xf32, #tpu.memory_space<vmem>>) target(%dma_start3A_44 : memref<120x128xf32, #tpu.memory_space<vmem_shared>>) target_semaphore(%arg12 : memref<!tpu.dma_semaphore, #tpu.memory_space<semaphore_mem>>)
    %add3A_48 = arith.constant 360 : i32
    %add3A_49 = arith.addi %mul3A_2, %add3A_48 : i32
    %dma_start3A_50 = arith.constant 0 : i32
    %dma_start3A_51 = arith.constant 0 : i32
    %dma_start3A_52 = tpu.memref_slice %arg8[%dma_start3A_50, %dma_start3A_51] : memref<125x128xf32, #tpu.memory_space<vmem>> -> memref<120x128xf32, #tpu.memory_space<vmem>>
    %dma_start3A_53 = arith.constant 0 : i32
    %dma_start3A_54 = tpu.memref_slice %arg11[%add3A_49, %dma_start3A_53] : memref<10112x128xf32, #tpu.memory_space<vmem_shared>> -> memref<120x128xf32, #tpu.memory_space<vmem_shared>>
    %dma_start3A_55 = arith.constant 0 : i32
    %dma_start3A_56 = tpu.memref_slice %arg11[%add3A_49, %dma_start3A_55] : memref<10112x128xf32, #tpu.memory_space<vmem_shared>> -> memref<120x128xf32, #tpu.memory_space<vmem_shared>>
    %dma_start3A_57 = arith.constant 0 : i32
    %dma_start3A_58 = arith.constant 0 : i32
    %dma_start3A_59 = tpu.memref_slice %arg8[%dma_start3A_57, %dma_start3A_58] : memref<125x128xf32, #tpu.memory_space<vmem>> -> memref<120x128xf32, #tpu.memory_space<vmem>>
    tpu.enqueue_dma source(%dma_start3A_59 : memref<120x128xf32, #tpu.memory_space<vmem>>) target(%dma_start3A_56 : memref<120x128xf32, #tpu.memory_space<vmem_shared>>) target_semaphore(%arg12 : memref<!tpu.dma_semaphore, #tpu.memory_space<semaphore_mem>>)
    %add3A_60 = arith.constant 480 : i32
    %add3A_61 = arith.addi %mul3A_2, %add3A_60 : i32
    %dma_start3A_62 = arith.constant 0 : i32
    %dma_start3A_63 = arith.constant 0 : i32
    %dma_start3A_64 = tpu.memref_slice %arg8[%dma_start3A_62, %dma_start3A_63] : memref<125x128xf32, #tpu.memory_space<vmem>> -> memref<120x128xf32, #tpu.memory_space<vmem>>
    %dma_start3A_65 = arith.constant 0 : i32
    %dma_start3A_66 = tpu.memref_slice %arg11[%add3A_61, %dma_start3A_65] : memref<10112x128xf32, #tpu.memory_space<vmem_shared>> -> memref<120x128xf32, #tpu.memory_space<vmem_shared>>
    %dma_start3A_67 = arith.constant 0 : i32
    %dma_start3A_68 = tpu.memref_slice %arg11[%add3A_61, %dma_start3A_67] : memref<10112x128xf32, #tpu.memory_space<vmem_shared>> -> memref<120x128xf32, #tpu.memory_space<vmem_shared>>
    %dma_start3A_69 = arith.constant 0 : i32
    %dma_start3A_70 = arith.constant 0 : i32
    %dma_start3A_71 = tpu.memref_slice %arg8[%dma_start3A_69, %dma_start3A_70] : memref<125x128xf32, #tpu.memory_space<vmem>> -> memref<120x128xf32, #tpu.memory_space<vmem>>
    tpu.enqueue_dma source(%dma_start3A_71 : memref<120x128xf32, #tpu.memory_space<vmem>>) target(%dma_start3A_68 : memref<120x128xf32, #tpu.memory_space<vmem_shared>>) target_semaphore(%arg12 : memref<!tpu.dma_semaphore, #tpu.memory_space<semaphore_mem>>)
    %add3A_72 = arith.constant 600 : i32
    %add3A_73 = arith.addi %mul3A_2, %add3A_72 : i32
    %dma_start3A_74 = arith.constant 0 : i32
    %dma_start3A_75 = arith.constant 0 : i32
    %dma_start3A_76 = tpu.memref_slice %arg8[%dma_start3A_74, %dma_start3A_75] : memref<125x128xf32, #tpu.memory_space<vmem>> -> memref<32x128xf32, #tpu.memory_space<vmem>>
    %dma_start3A_77 = arith.constant 0 : i32
    %dma_start3A_78 = tpu.memref_slice %arg11[%add3A_73, %dma_start3A_77] : memref<10112x128xf32, #tpu.memory_space<vmem_shared>> -> memref<32x128xf32, #tpu.memory_space<vmem_shared>>
    %dma_start3A_79 = arith.constant 0 : i32
    %dma_start3A_80 = tpu.memref_slice %arg11[%add3A_73, %dma_start3A_79] : memref<10112x128xf32, #tpu.memory_space<vmem_shared>> -> memref<32x128xf32, #tpu.memory_space<vmem_shared>>
    %dma_start3A_81 = arith.constant 0 : i32
    %dma_start3A_82 = arith.constant 0 : i32
    %dma_start3A_83 = tpu.memref_slice %arg8[%dma_start3A_81, %dma_start3A_82] : memref<125x128xf32, #tpu.memory_space<vmem>> -> memref<32x128xf32, #tpu.memory_space<vmem>>
    tpu.enqueue_dma source(%dma_start3A_83 : memref<32x128xf32, #tpu.memory_space<vmem>>) target(%dma_start3A_80 : memref<32x128xf32, #tpu.memory_space<vmem_shared>>) target_semaphore(%arg13 : memref<!tpu.dma_semaphore, #tpu.memory_space<semaphore_mem>>)
    %mul3A_84 = arith.constant 80 : i32
    %mul3A_85 = arith.muli %add3A, %mul3A_84 : i32
    %dma_start3A_86 = arith.constant 0 : i32
    %dma_start3A_87 = arith.constant 0 : i32
    %dma_start3A_88 = arith.constant 0 : i32
    %dma_start3A_89 = tpu.memref_slice %arg3[%dma_start3A_86, %dma_start3A_87, %dma_start3A_88] : memref<2x2560x125xi32, #tpu.memory_space<hbm>> -> memref<1x2560x125xi32, #tpu.memory_space<hbm>>
    %dma_start3A_90 = tpu.memref_squeeze %dma_start3A_89 : memref<1x2560x125xi32, #tpu.memory_space<hbm>> -> memref<2560x125xi32, #tpu.memory_space<hbm>>
    %dma_start3A_91 = arith.constant 0 : i32
    %dma_start3A_92 = tpu.memref_slice %dma_start3A_90[%mul3A_85, %dma_start3A_91] : memref<2560x125xi32, #tpu.memory_space<hbm>> -> memref<16x125xi32, #tpu.memory_space<hbm>>
    %dma_start3A_93 = arith.constant 0 : i32
    %dma_start3A_94 = arith.constant 0 : i32
    %dma_start3A_95 = tpu.memref_slice %arg3[%dma_start3A_86, %dma_start3A_93, %dma_start3A_94] : memref<2x2560x125xi32, #tpu.memory_space<hbm>> -> memref<1x2560x125xi32, #tpu.memory_space<hbm>>
    %dma_start3A_96 = tpu.memref_squeeze %dma_start3A_95 : memref<1x2560x125xi32, #tpu.memory_space<hbm>> -> memref<2560x125xi32, #tpu.memory_space<hbm>>
    %dma_start3A_97 = arith.constant 0 : i32
    %dma_start3A_98 = tpu.memref_slice %dma_start3A_96[%mul3A_85, %dma_start3A_97] : memref<2560x125xi32, #tpu.memory_space<hbm>> -> memref<16x125xi32, #tpu.memory_space<hbm>>
    tpu.enqueue_dma source(%dma_start3A_98 : memref<16x125xi32, #tpu.memory_space<hbm>>) target(%arg6 : memref<16x125xi32, #tpu.memory_space<vmem>>) target_semaphore(%arg16 : memref<!tpu.dma_semaphore, #tpu.memory_space<semaphore_mem>>)
    %mul3A_99 = arith.constant 80 : i32
    %mul3A_100 = arith.muli %add3A, %mul3A_99 : i32
    %dma_start3A_101 = arith.constant 1 : i32
    %dma_start3A_102 = arith.constant 0 : i32
    %dma_start3A_103 = arith.constant 0 : i32
    %dma_start3A_104 = tpu.memref_slice %arg3[%dma_start3A_101, %dma_start3A_102, %dma_start3A_103] : memref<2x2560x125xi32, #tpu.memory_space<hbm>> -> memref<1x2560x125xi32, #tpu.memory_space<hbm>>
    %dma_start3A_105 = tpu.memref_squeeze %dma_start3A_104 : memref<1x2560x125xi32, #tpu.memory_space<hbm>> -> memref<2560x125xi32, #tpu.memory_space<hbm>>
    %dma_start3A_106 = arith.constant 0 : i32
    %dma_start3A_107 = tpu.memref_slice %dma_start3A_105[%mul3A_100, %dma_start3A_106] : memref<2560x125xi32, #tpu.memory_space<hbm>> -> memref<16x125xi32, #tpu.memory_space<hbm>>
    %dma_start3A_108 = arith.constant 0 : i32
    %dma_start3A_109 = arith.constant 0 : i32
    %dma_start3A_110 = tpu.memref_slice %arg3[%dma_start3A_101, %dma_start3A_108, %dma_start3A_109] : memref<2x2560x125xi32, #tpu.memory_space<hbm>> -> memref<1x2560x125xi32, #tpu.memory_space<hbm>>
    %dma_start3A_111 = tpu.memref_squeeze %dma_start3A_110 : memref<1x2560x125xi32, #tpu.memory_space<hbm>> -> memref<2560x125xi32, #tpu.memory_space<hbm>>
    %dma_start3A_112 = arith.constant 0 : i32
    %dma_start3A_113 = tpu.memref_slice %dma_start3A_111[%mul3A_100, %dma_start3A_112] : memref<2560x125xi32, #tpu.memory_space<hbm>> -> memref<16x125xi32, #tpu.memory_space<hbm>>
    tpu.enqueue_dma source(%dma_start3A_113 : memref<16x125xi32, #tpu.memory_space<hbm>>) target(%arg7 : memref<16x125xi32, #tpu.memory_space<vmem>>) target_semaphore(%arg16 : memref<!tpu.dma_semaphore, #tpu.memory_space<semaphore_mem>>)
    %scan3A_114 = arith.constant 0 : i32
    %scan3A_115 = arith.constant 0 : i32
    %scan3A_116 = arith.constant 632 : i32
    %scan3A_117 = arith.addi %scan3A_115, %scan3A_116 : i32
    %scan3A_118 = arith.constant 1 : i32
    scf.for %scan3A_292 = %scan3A_115 to %scan3A_117 step %scan3A_118  : i32 {
      %mul3A_293 = arith.constant 16 : i32
      %mul3A_294 = arith.muli %scan3A_292, %mul3A_293 : i32
      %multiple_of3A = tpu.assume_multiple %mul3A_294, 16 : i32
      %swap3A = arith.index_cast %multiple_of3A : i32 to index
      %swap3A_295 = tpu.vector_load %arg10[%swap3A] {strides = array<i32>} : memref<10112xf32, #tpu.memory_space<vmem>>, vector<16xf32>,
      tpu.vector_store %arg10[%swap3A], %broadcast_in_dim3A_3 {strides = array<i32>} : memref<10112xf32, #tpu.memory_space<vmem>>, vector<16xf32>,
    }
    %scan3A_119 = arith.constant 632 : i32
    %add3A_120 = arith.constant 0 : i32
    %add3A_121 = arith.addi %mul3A_2, %add3A_120 : i32
    %dma_wait3A = arith.constant 0 : i32
    %dma_wait3A_122 = arith.constant 0 : i32
    %dma_wait3A_123 = tpu.memref_slice %arg8[%dma_wait3A, %dma_wait3A_122] : memref<125x128xf32, #tpu.memory_space<vmem>> -> memref<120x128xf32, #tpu.memory_space<vmem>>
    %dma_wait3A_124 = arith.constant 0 : i32
    %dma_wait3A_125 = tpu.memref_slice %arg11[%add3A_121, %dma_wait3A_124] : memref<10112x128xf32, #tpu.memory_space<vmem_shared>> -> memref<120x128xf32, #tpu.memory_space<vmem_shared>>
    %dma_wait3A_126 = arith.constant 0 : i32
    %dma_wait3A_127 = tpu.memref_slice %arg11[%add3A_121, %dma_wait3A_126] : memref<10112x128xf32, #tpu.memory_space<vmem_shared>> -> memref<120x128xf32, #tpu.memory_space<vmem_shared>>
    %dma_wait3A_128 = arith.constant 0 : i32
    %dma_wait3A_129 = arith.constant 0 : i32
    %dma_wait3A_130 = tpu.memref_slice %arg8[%dma_wait3A_128, %dma_wait3A_129] : memref<125x128xf32, #tpu.memory_space<vmem>> -> memref<120x128xf32, #tpu.memory_space<vmem>>
    tpu.wait_dma2 semaphore(%arg12 : memref<!tpu.dma_semaphore, #tpu.memory_space<semaphore_mem>>) src(%dma_wait3A_130 : memref<120x128xf32, #tpu.memory_space<vmem>>) dst(%dma_wait3A_127 : memref<120x128xf32, #tpu.memory_space<vmem_shared>>)
    %add3A_131 = arith.constant 120 : i32
    %add3A_132 = arith.addi %mul3A_2, %add3A_131 : i32
    %dma_wait3A_133 = arith.constant 0 : i32
    %dma_wait3A_134 = arith.constant 0 : i32
    %dma_wait3A_135 = tpu.memref_slice %arg8[%dma_wait3A_133, %dma_wait3A_134] : memref<125x128xf32, #tpu.memory_space<vmem>> -> memref<120x128xf32, #tpu.memory_space<vmem>>
    %dma_wait3A_136 = arith.constant 0 : i32
    %dma_wait3A_137 = tpu.memref_slice %arg11[%add3A_132, %dma_wait3A_136] : memref<10112x128xf32, #tpu.memory_space<vmem_shared>> -> memref<120x128xf32, #tpu.memory_space<vmem_shared>>
    %dma_wait3A_138 = arith.constant 0 : i32
    %dma_wait3A_139 = tpu.memref_slice %arg11[%add3A_132, %dma_wait3A_138] : memref<10112x128xf32, #tpu.memory_space<vmem_shared>> -> memref<120x128xf32, #tpu.memory_space<vmem_shared>>
    %dma_wait3A_140 = arith.constant 0 : i32
    %dma_wait3A_141 = arith.constant 0 : i32
    %dma_wait3A_142 = tpu.memref_slice %arg8[%dma_wait3A_140, %dma_wait3A_141] : memref<125x128xf32, #tpu.memory_space<vmem>> -> memref<120x128xf32, #tpu.memory_space<vmem>>
    tpu.wait_dma2 semaphore(%arg12 : memref<!tpu.dma_semaphore, #tpu.memory_space<semaphore_mem>>) src(%dma_wait3A_142 : memref<120x128xf32, #tpu.memory_space<vmem>>) dst(%dma_wait3A_139 : memref<120x128xf32, #tpu.memory_space<vmem_shared>>)
    %add3A_143 = arith.constant 240 : i32
    %add3A_144 = arith.addi %mul3A_2, %add3A_143 : i32
    %dma_wait3A_145 = arith.constant 0 : i32
    %dma_wait3A_146 = arith.constant 0 : i32
    %dma_wait3A_147 = tpu.memref_slice %arg8[%dma_wait3A_145, %dma_wait3A_146] : memref<125x128xf32, #tpu.memory_space<vmem>> -> memref<120x128xf32, #tpu.memory_space<vmem>>
    %dma_wait3A_148 = arith.constant 0 : i32
    %dma_wait3A_149 = tpu.memref_slice %arg11[%add3A_144, %dma_wait3A_148] : memref<10112x128xf32, #tpu.memory_space<vmem_shared>> -> memref<120x128xf32, #tpu.memory_space<vmem_shared>>
    %dma_wait3A_150 = arith.constant 0 : i32
    %dma_wait3A_151 = tpu.memref_slice %arg11[%add3A_144, %dma_wait3A_150] : memref<10112x128xf32, #tpu.memory_space<vmem_shared>> -> memref<120x128xf32, #tpu.memory_space<vmem_shared>>
    %dma_wait3A_152 = arith.constant 0 : i32
    %dma_wait3A_153 = arith.constant 0 : i32
    %dma_wait3A_154 = tpu.memref_slice %arg8[%dma_wait3A_152, %dma_wait3A_153] : memref<125x128xf32, #tpu.memory_space<vmem>> -> memref<120x128xf32, #tpu.memory_space<vmem>>
    tpu.wait_dma2 semaphore(%arg12 : memref<!tpu.dma_semaphore, #tpu.memory_space<semaphore_mem>>) src(%dma_wait3A_154 : memref<120x128xf32, #tpu.memory_space<vmem>>) dst(%dma_wait3A_151 : memref<120x128xf32, #tpu.memory_space<vmem_shared>>)
    %add3A_155 = arith.constant 360 : i32
    %add3A_156 = arith.addi %mul3A_2, %add3A_155 : i32
    %dma_wait3A_157 = arith.constant 0 : i32
    %dma_wait3A_158 = arith.constant 0 : i32
    %dma_wait3A_159 = tpu.memref_slice %arg8[%dma_wait3A_157, %dma_wait3A_158] : memref<125x128xf32, #tpu.memory_space<vmem>> -> memref<120x128xf32, #tpu.memory_space<vmem>>
    %dma_wait3A_160 = arith.constant 0 : i32
    %dma_wait3A_161 = tpu.memref_slice %arg11[%add3A_156, %dma_wait3A_160] : memref<10112x128xf32, #tpu.memory_space<vmem_shared>> -> memref<120x128xf32, #tpu.memory_space<vmem_shared>>
    %dma_wait3A_162 = arith.constant 0 : i32
    %dma_wait3A_163 = tpu.memref_slice %arg11[%add3A_156, %dma_wait3A_162] : memref<10112x128xf32, #tpu.memory_space<vmem_shared>> -> memref<120x128xf32, #tpu.memory_space<vmem_shared>>
    %dma_wait3A_164 = arith.constant 0 : i32
    %dma_wait3A_165 = arith.constant 0 : i32
    %dma_wait3A_166 = tpu.memref_slice %arg8[%dma_wait3A_164, %dma_wait3A_165] : memref<125x128xf32, #tpu.memory_space<vmem>> -> memref<120x128xf32, #tpu.memory_space<vmem>>
    tpu.wait_dma2 semaphore(%arg12 : memref<!tpu.dma_semaphore, #tpu.memory_space<semaphore_mem>>) src(%dma_wait3A_166 : memref<120x128xf32, #tpu.memory_space<vmem>>) dst(%dma_wait3A_163 : memref<120x128xf32, #tpu.memory_space<vmem_shared>>)
    %add3A_167 = arith.constant 480 : i32
    %add3A_168 = arith.addi %mul3A_2, %add3A_167 : i32
    %dma_wait3A_169 = arith.constant 0 : i32
    %dma_wait3A_170 = arith.constant 0 : i32
    %dma_wait3A_171 = tpu.memref_slice %arg8[%dma_wait3A_169, %dma_wait3A_170] : memref<125x128xf32, #tpu.memory_space<vmem>> -> memref<120x128xf32, #tpu.memory_space<vmem>>
    %dma_wait3A_172 = arith.constant 0 : i32
    %dma_wait3A_173 = tpu.memref_slice %arg11[%add3A_168, %dma_wait3A_172] : memref<10112x128xf32, #tpu.memory_space<vmem_shared>> -> memref<120x128xf32, #tpu.memory_space<vmem_shared>>
    %dma_wait3A_174 = arith.constant 0 : i32
    %dma_wait3A_175 = tpu.memref_slice %arg11[%add3A_168, %dma_wait3A_174] : memref<10112x128xf32, #tpu.memory_space<vmem_shared>> -> memref<120x128xf32, #tpu.memory_space<vmem_shared>>
    %dma_wait3A_176 = arith.constant 0 : i32
    %dma_wait3A_177 = arith.constant 0 : i32
    %dma_wait3A_178 = tpu.memref_slice %arg8[%dma_wait3A_176, %dma_wait3A_177] : memref<125x128xf32, #tpu.memory_space<vmem>> -> memref<120x128xf32, #tpu.memory_space<vmem>>
    tpu.wait_dma2 semaphore(%arg12 : memref<!tpu.dma_semaphore, #tpu.memory_space<semaphore_mem>>) src(%dma_wait3A_178 : memref<120x128xf32, #tpu.memory_space<vmem>>) dst(%dma_wait3A_175 : memref<120x128xf32, #tpu.memory_space<vmem_shared>>)
    %add3A_179 = arith.constant 600 : i32
    %add3A_180 = arith.addi %mul3A_2, %add3A_179 : i32
    %dma_wait3A_181 = arith.constant 0 : i32
    %dma_wait3A_182 = arith.constant 0 : i32
    %dma_wait3A_183 = tpu.memref_slice %arg8[%dma_wait3A_181, %dma_wait3A_182] : memref<125x128xf32, #tpu.memory_space<vmem>> -> memref<32x128xf32, #tpu.memory_space<vmem>>
    %dma_wait3A_184 = arith.constant 0 : i32
    %dma_wait3A_185 = tpu.memref_slice %arg11[%add3A_180, %dma_wait3A_184] : memref<10112x128xf32, #tpu.memory_space<vmem_shared>> -> memref<32x128xf32, #tpu.memory_space<vmem_shared>>
    %dma_wait3A_186 = arith.constant 0 : i32
    %dma_wait3A_187 = tpu.memref_slice %arg11[%add3A_180, %dma_wait3A_186] : memref<10112x128xf32, #tpu.memory_space<vmem_shared>> -> memref<32x128xf32, #tpu.memory_space<vmem_shared>>
    %dma_wait3A_188 = arith.constant 0 : i32
    %dma_wait3A_189 = arith.constant 0 : i32
    %dma_wait3A_190 = tpu.memref_slice %arg8[%dma_wait3A_188, %dma_wait3A_189] : memref<125x128xf32, #tpu.memory_space<vmem>> -> memref<32x128xf32, #tpu.memory_space<vmem>>
    tpu.wait_dma2 semaphore(%arg13 : memref<!tpu.dma_semaphore, #tpu.memory_space<semaphore_mem>>) src(%dma_wait3A_190 : memref<32x128xf32, #tpu.memory_space<vmem>>) dst(%dma_wait3A_187 : memref<32x128xf32, #tpu.memory_space<vmem_shared>>)
    %mul3A_191 = arith.constant 80 : i32
    %mul3A_192 = arith.muli %add3A, %mul3A_191 : i32
    %dma_wait3A_193 = arith.constant 0 : i32
    %dma_wait3A_194 = arith.constant 0 : i32
    %dma_wait3A_195 = arith.constant 0 : i32
    %dma_wait3A_196 = tpu.memref_slice %arg3[%dma_wait3A_193, %dma_wait3A_194, %dma_wait3A_195] : memref<2x2560x125xi32, #tpu.memory_space<hbm>> -> memref<1x2560x125xi32, #tpu.memory_space<hbm>>
    %dma_wait3A_197 = tpu.memref_squeeze %dma_wait3A_196 : memref<1x2560x125xi32, #tpu.memory_space<hbm>> -> memref<2560x125xi32, #tpu.memory_space<hbm>>
    %dma_wait3A_198 = arith.constant 0 : i32
    %dma_wait3A_199 = tpu.memref_slice %dma_wait3A_197[%mul3A_192, %dma_wait3A_198] : memref<2560x125xi32, #tpu.memory_space<hbm>> -> memref<16x125xi32, #tpu.memory_space<hbm>>
    %dma_wait3A_200 = arith.constant 0 : i32
    %dma_wait3A_201 = arith.constant 0 : i32
    %dma_wait3A_202 = tpu.memref_slice %arg3[%dma_wait3A_193, %dma_wait3A_200, %dma_wait3A_201] : memref<2x2560x125xi32, #tpu.memory_space<hbm>> -> memref<1x2560x125xi32, #tpu.memory_space<hbm>>
    %dma_wait3A_203 = tpu.memref_squeeze %dma_wait3A_202 : memref<1x2560x125xi32, #tpu.memory_space<hbm>> -> memref<2560x125xi32, #tpu.memory_space<hbm>>
    %dma_wait3A_204 = arith.constant 0 : i32
    %dma_wait3A_205 = tpu.memref_slice %dma_wait3A_203[%mul3A_192, %dma_wait3A_204] : memref<2560x125xi32, #tpu.memory_space<hbm>> -> memref<16x125xi32, #tpu.memory_space<hbm>>
    tpu.wait_dma2 semaphore(%arg16 : memref<!tpu.dma_semaphore, #tpu.memory_space<semaphore_mem>>) src(%dma_wait3A_205 : memref<16x125xi32, #tpu.memory_space<hbm>>) dst(%arg6 : memref<16x125xi32, #tpu.memory_space<vmem>>)
    %mul3A_206 = arith.constant 80 : i32
    %mul3A_207 = arith.muli %add3A, %mul3A_206 : i32
    %dma_wait3A_208 = arith.constant 1 : i32
    %dma_wait3A_209 = arith.constant 0 : i32
    %dma_wait3A_210 = arith.constant 0 : i32
    %dma_wait3A_211 = tpu.memref_slice %arg3[%dma_wait3A_208, %dma_wait3A_209, %dma_wait3A_210] : memref<2x2560x125xi32, #tpu.memory_space<hbm>> -> memref<1x2560x125xi32, #tpu.memory_space<hbm>>
    %dma_wait3A_212 = tpu.memref_squeeze %dma_wait3A_211 : memref<1x2560x125xi32, #tpu.memory_space<hbm>> -> memref<2560x125xi32, #tpu.memory_space<hbm>>
    %dma_wait3A_213 = arith.constant 0 : i32
    %dma_wait3A_214 = tpu.memref_slice %dma_wait3A_212[%mul3A_207, %dma_wait3A_213] : memref<2560x125xi32, #tpu.memory_space<hbm>> -> memref<16x125xi32, #tpu.memory_space<hbm>>
    %dma_wait3A_215 = arith.constant 0 : i32
    %dma_wait3A_216 = arith.constant 0 : i32
    %dma_wait3A_217 = tpu.memref_slice %arg3[%dma_wait3A_208, %dma_wait3A_215, %dma_wait3A_216] : memref<2x2560x125xi32, #tpu.memory_space<hbm>> -> memref<1x2560x125xi32, #tpu.memory_space<hbm>>
    %dma_wait3A_218 = tpu.memref_squeeze %dma_wait3A_217 : memref<1x2560x125xi32, #tpu.memory_space<hbm>> -> memref<2560x125xi32, #tpu.memory_space<hbm>>
    %dma_wait3A_219 = arith.constant 0 : i32
    %dma_wait3A_220 = tpu.memref_slice %dma_wait3A_218[%mul3A_207, %dma_wait3A_219] : memref<2560x125xi32, #tpu.memory_space<hbm>> -> memref<16x125xi32, #tpu.memory_space<hbm>>
    tpu.wait_dma2 semaphore(%arg16 : memref<!tpu.dma_semaphore, #tpu.memory_space<semaphore_mem>>) src(%dma_wait3A_220 : memref<16x125xi32, #tpu.memory_space<hbm>>) dst(%arg7 : memref<16x125xi32, #tpu.memory_space<vmem>>)
    %barrier3A = arith.constant 0 : index
    tpu.barrier barrier_id(%barrier3A)
    %dma_start3A_221 = arith.constant 0 : i32
    %dma_start3A_222 = arith.constant 0 : i32
    %dma_start3A_223 = arith.constant 0 : i32
    %dma_start3A_224 = tpu.memref_slice %arg8[%dma_start3A_222, %dma_start3A_223] : memref<125x128xf32, #tpu.memory_space<vmem>> -> memref<64x128xf32, #tpu.memory_space<vmem>>
    %dma_start3A_225 = arith.constant 0 : i32
    %dma_start3A_226 = tpu.memref_slice %arg6[%dma_start3A_221, %dma_start3A_225] : memref<16x125xi32, #tpu.memory_space<vmem>> -> memref<1x64xi32, #tpu.memory_space<vmem>>
    %dma_start3A_227 = tpu.memref_squeeze %dma_start3A_226 : memref<1x64xi32, #tpu.memory_space<vmem>> -> memref<64xi32, #tpu.memory_space<vmem>>
    %dma_start3A_228 = arith.constant 0 : i32
    %dma_start3A_229 = arith.constant 0 : i32
    %dma_start3A_230 = tpu.memref_slice %arg2[%dma_start3A_228, %dma_start3A_229] : memref<10000x128xf32, #tpu.memory_space<hbm>> -> memref<10000x128xf32, #tpu.memory_space<hbm>>
    tpu.enqueue_indirect_dma source(%dma_start3A_230 : memref<10000x128xf32, #tpu.memory_space<hbm>>) target(%dma_start3A_224 : memref<64x128xf32, #tpu.memory_space<vmem>>) offsets(%dma_start3A_227 : memref<64xi32, #tpu.memory_space<vmem>>) semaphore(%arg12 : memref<!tpu.dma_semaphore, #tpu.memory_space<semaphore_mem>>)
    %dma_start3A_231 = arith.constant 0 : i32
    %dma_start3A_232 = arith.constant 64 : i32
    %dma_start3A_233 = arith.constant 0 : i32
    %dma_start3A_234 = tpu.memref_slice %arg8[%dma_start3A_232, %dma_start3A_233] : memref<125x128xf32, #tpu.memory_space<vmem>> -> memref<61x128xf32, #tpu.memory_space<vmem>>
    %dma_start3A_235 = arith.constant 64 : i32
    %dma_start3A_236 = tpu.memref_slice %arg6[%dma_start3A_231, %dma_start3A_235] : memref<16x125xi32, #tpu.memory_space<vmem>> -> memref<1x61xi32, #tpu.memory_space<vmem>>
    %dma_start3A_237 = tpu.memref_squeeze %dma_start3A_236 : memref<1x61xi32, #tpu.memory_space<vmem>> -> memref<61xi32, #tpu.memory_space<vmem>>
    %dma_start3A_238 = arith.constant 0 : i32
    %dma_start3A_239 = arith.constant 0 : i32
    %dma_start3A_240 = tpu.memref_slice %arg2[%dma_start3A_238, %dma_start3A_239] : memref<10000x128xf32, #tpu.memory_space<hbm>> -> memref<10000x128xf32, #tpu.memory_space<hbm>>
    tpu.enqueue_indirect_dma source(%dma_start3A_240 : memref<10000x128xf32, #tpu.memory_space<hbm>>) target(%dma_start3A_234 : memref<61x128xf32, #tpu.memory_space<vmem>>) offsets(%dma_start3A_237 : memref<61xi32, #tpu.memory_space<vmem>>) semaphore(%arg12 : memref<!tpu.dma_semaphore, #tpu.memory_space<semaphore_mem>>)
    %dma_start3A_241 = arith.constant 1 : i32
    %dma_start3A_242 = arith.constant 0 : i32
    %dma_start3A_243 = arith.constant 0 : i32
    %dma_start3A_244 = tpu.memref_slice %arg9[%dma_start3A_242, %dma_start3A_243] : memref<125x128xf32, #tpu.memory_space<vmem>> -> memref<64x128xf32, #tpu.memory_space<vmem>>
    %dma_start3A_245 = arith.constant 0 : i32
    %dma_start3A_246 = tpu.memref_slice %arg6[%dma_start3A_241, %dma_start3A_245] : memref<16x125xi32, #tpu.memory_space<vmem>> -> memref<1x64xi32, #tpu.memory_space<vmem>>
    %dma_start3A_247 = tpu.memref_squeeze %dma_start3A_246 : memref<1x64xi32, #tpu.memory_space<vmem>> -> memref<64xi32, #tpu.memory_space<vmem>>
    %dma_start3A_248 = arith.constant 0 : i32
    %dma_start3A_249 = arith.constant 0 : i32
    %dma_start3A_250 = tpu.memref_slice %arg2[%dma_start3A_248, %dma_start3A_249] : memref<10000x128xf32, #tpu.memory_space<hbm>> -> memref<10000x128xf32, #tpu.memory_space<hbm>>
    tpu.enqueue_indirect_dma source(%dma_start3A_250 : memref<10000x128xf32, #tpu.memory_space<hbm>>) target(%dma_start3A_244 : memref<64x128xf32, #tpu.memory_space<vmem>>) offsets(%dma_start3A_247 : memref<64xi32, #tpu.memory_space<vmem>>) semaphore(%arg13 : memref<!tpu.dma_semaphore, #tpu.memory_space<semaphore_mem>>)
    %dma_start3A_251 = arith.constant 1 : i32
    %dma_start3A_252 = arith.constant 64 : i32
    %dma_start3A_253 = arith.constant 0 : i32
    %dma_start3A_254 = tpu.memref_slice %arg9[%dma_start3A_252, %dma_start3A_253] : memref<125x128xf32, #tpu.memory_space<vmem>> -> memref<61x128xf32, #tpu.memory_space<vmem>>
    %dma_start3A_255 = arith.constant 64 : i32
    %dma_start3A_256 = tpu.memref_slice %arg6[%dma_start3A_251, %dma_start3A_255] : memref<16x125xi32, #tpu.memory_space<vmem>> -> memref<1x61xi32, #tpu.memory_space<vmem>>
    %dma_start3A_257 = tpu.memref_squeeze %dma_start3A_256 : memref<1x61xi32, #tpu.memory_space<vmem>> -> memref<61xi32, #tpu.memory_space<vmem>>
    %dma_start3A_258 = arith.constant 0 : i32
    %dma_start3A_259 = arith.constant 0 : i32
    %dma_start3A_260 = tpu.memref_slice %arg2[%dma_start3A_258, %dma_start3A_259] : memref<10000x128xf32, #tpu.memory_space<hbm>> -> memref<10000x128xf32, #tpu.memory_space<hbm>>
    tpu.enqueue_indirect_dma source(%dma_start3A_260 : memref<10000x128xf32, #tpu.memory_space<hbm>>) target(%dma_start3A_254 : memref<61x128xf32, #tpu.memory_space<vmem>>) offsets(%dma_start3A_257 : memref<61xi32, #tpu.memory_space<vmem>>) semaphore(%arg13 : memref<!tpu.dma_semaphore, #tpu.memory_space<semaphore_mem>>)
    %scan3A_261 = arith.constant 0 : i32
    %scan3A_262 = arith.constant 0 : i32
    %scan3A_263 = arith.constant 1 : i32
    %scan3A_264 = arith.constant 0 : i32
    %scan3A_265 = arith.constant 5 : i32
    %scan3A_266 = arith.addi %scan3A_264, %scan3A_265 : i32
    %scan3A_267 = arith.constant 1 : i32
    scf.for %scan3A_292 = %scan3A_264 to %scan3A_266 step %scan3A_267  : i32 {
      %eq3A = arith.constant 4 : i32
      %eq3A_293 = arith.cmpi eq, %scan3A_292, %eq3A : i32
      %dma_wait3A_294 = arith.constant 0 : i32
      %dma_wait3A_295 = arith.constant 0 : i32
      %dma_wait3A_296 = arith.constant 0 : i32
      %dma_wait3A_297 = tpu.memref_slice %arg8[%dma_wait3A_295, %dma_wait3A_296] : memref<125x128xf32, #tpu.memory_space<vmem>> -> memref<64x128xf32, #tpu.memory_space<vmem>>
      %dma_wait3A_298 = arith.constant 0 : i32
      %dma_wait3A_299 = tpu.memref_slice %arg6[%dma_wait3A_294, %dma_wait3A_298] : memref<16x125xi32, #tpu.memory_space<vmem>> -> memref<1x64xi32, #tpu.memory_space<vmem>>
      %dma_wait3A_300 = tpu.memref_squeeze %dma_wait3A_299 : memref<1x64xi32, #tpu.memory_space<vmem>> -> memref<64xi32, #tpu.memory_space<vmem>>
      %dma_wait3A_301 = arith.constant 0 : i32
      %dma_wait3A_302 = arith.constant 0 : i32
      %dma_wait3A_303 = tpu.memref_slice %arg2[%dma_wait3A_301, %dma_wait3A_302] : memref<10000x128xf32, #tpu.memory_space<hbm>> -> memref<10000x128xf32, #tpu.memory_space<hbm>>
      tpu.wait_indirect_dma semaphore(%arg12 : memref<!tpu.dma_semaphore, #tpu.memory_space<semaphore_mem>>) src(%dma_wait3A_303 : memref<10000x128xf32, #tpu.memory_space<hbm>>) dst(%dma_wait3A_297 : memref<64x128xf32, #tpu.memory_space<vmem>>)
      %dma_wait3A_304 = arith.constant 0 : i32
      %dma_wait3A_305 = arith.constant 64 : i32
      %dma_wait3A_306 = arith.constant 0 : i32
      %dma_wait3A_307 = tpu.memref_slice %arg8[%dma_wait3A_305, %dma_wait3A_306] : memref<125x128xf32, #tpu.memory_space<vmem>> -> memref<61x128xf32, #tpu.memory_space<vmem>>
      %dma_wait3A_308 = arith.constant 64 : i32
      %dma_wait3A_309 = tpu.memref_slice %arg6[%dma_wait3A_304, %dma_wait3A_308] : memref<16x125xi32, #tpu.memory_space<vmem>> -> memref<1x61xi32, #tpu.memory_space<vmem>>
      %dma_wait3A_310 = tpu.memref_squeeze %dma_wait3A_309 : memref<1x61xi32, #tpu.memory_space<vmem>> -> memref<61xi32, #tpu.memory_space<vmem>>
      %dma_wait3A_311 = arith.constant 0 : i32
      %dma_wait3A_312 = arith.constant 0 : i32
      %dma_wait3A_313 = tpu.memref_slice %arg2[%dma_wait3A_311, %dma_wait3A_312] : memref<10000x128xf32, #tpu.memory_space<hbm>> -> memref<10000x128xf32, #tpu.memory_space<hbm>>
      tpu.wait_indirect_dma semaphore(%arg12 : memref<!tpu.dma_semaphore, #tpu.memory_space<semaphore_mem>>) src(%dma_wait3A_313 : memref<10000x128xf32, #tpu.memory_space<hbm>>) dst(%dma_wait3A_307 : memref<61x128xf32, #tpu.memory_space<vmem>>)
      %dma_start3A_314 = arith.constant 0 : i32
      %dma_start3A_315 = arith.constant 0 : i32
      %dma_start3A_316 = tpu.memref_slice %arg7[%dma_start3A_314, %dma_start3A_315] : memref<16x125xi32, #tpu.memory_space<vmem>> -> memref<1x125xi32, #tpu.memory_space<vmem>>
      %dma_start3A_317 = tpu.memref_squeeze %dma_start3A_316 : memref<1x125xi32, #tpu.memory_space<vmem>> -> memref<125xi32, #tpu.memory_space<vmem>>
      %dma_start3A_318 = arith.constant 0 : i32
      %dma_start3A_319 = arith.constant 0 : i32
      %dma_start3A_320 = tpu.memref_slice %arg11[%dma_start3A_318, %dma_start3A_319] : memref<10112x128xf32, #tpu.memory_space<vmem_shared>> -> memref<10112x128xf32, #tpu.memory_space<vmem_shared>>
      tpu.enqueue_indirect_dma source(%arg8 : memref<125x128xf32, #tpu.memory_space<vmem>>) target(%dma_start3A_320 : memref<10112x128xf32, #tpu.memory_space<vmem_shared>>) offsets(%dma_start3A_317 : memref<125xi32, #tpu.memory_space<vmem>>) semaphore(%arg14 : memref<!tpu.dma_semaphore, #tpu.memory_space<semaphore_mem>>) {add = true}
      %mul3A_321 = arith.constant 80 : i32
      %mul3A_322 = arith.muli %add3A, %mul3A_321 : i32
      %mul3A_323 = arith.constant 16 : i32
      %mul3A_324 = arith.muli %scan3A_292, %mul3A_323 : i32
      %add3A_325 = arith.addi %mul3A_322, %mul3A_324 : i32
      %add3A_326 = arith.constant 8 : i32
      %add3A_327 = arith.addi %add3A_325, %add3A_326 : i32
      %dma_start3A_328 = arith.constant 8 : i32
      %dma_start3A_329 = arith.constant 0 : i32
      %dma_start3A_330 = tpu.memref_slice %arg6[%dma_start3A_328, %dma_start3A_329] : memref<16x125xi32, #tpu.memory_space<vmem>> -> memref<8x125xi32, #tpu.memory_space<vmem>>
      %dma_start3A_331 = arith.constant 0 : i32
      %dma_start3A_332 = arith.constant 0 : i32
      %dma_start3A_333 = tpu.memref_slice %arg3[%scan3A_262, %dma_start3A_331, %dma_start3A_332] : memref<2x2560x125xi32, #tpu.memory_space<hbm>> -> memref<1x2560x125xi32, #tpu.memory_space<hbm>>
      %dma_start3A_334 = tpu.memref_squeeze %dma_start3A_333 : memref<1x2560x125xi32, #tpu.memory_space<hbm>> -> memref<2560x125xi32, #tpu.memory_space<hbm>>
      %dma_start3A_335 = arith.constant 0 : i32
      %dma_start3A_336 = tpu.memref_slice %dma_start3A_334[%add3A_327, %dma_start3A_335] : memref<2560x125xi32, #tpu.memory_space<hbm>> -> memref<8x125xi32, #tpu.memory_space<hbm>>
      %dma_start3A_337 = arith.constant 8 : i32
      %dma_start3A_338 = arith.constant 0 : i32
      %dma_start3A_339 = tpu.memref_slice %arg6[%dma_start3A_337, %dma_start3A_338] : memref<16x125xi32, #tpu.memory_space<vmem>> -> memref<8x125xi32, #tpu.memory_space<vmem>>
      %dma_start3A_340 = arith.constant 0 : i32
      %dma_start3A_341 = arith.constant 0 : i32
      %dma_start3A_342 = tpu.memref_slice %arg3[%scan3A_262, %dma_start3A_340, %dma_start3A_341] : memref<2x2560x125xi32, #tpu.memory_space<hbm>> -> memref<1x2560x125xi32, #tpu.memory_space<hbm>>
      %dma_start3A_343 = tpu.memref_squeeze %dma_start3A_342 : memref<1x2560x125xi32, #tpu.memory_space<hbm>> -> memref<2560x125xi32, #tpu.memory_space<hbm>>
      %dma_start3A_344 = arith.constant 0 : i32
      %dma_start3A_345 = tpu.memref_slice %dma_start3A_343[%add3A_327, %dma_start3A_344] : memref<2560x125xi32, #tpu.memory_space<hbm>> -> memref<8x125xi32, #tpu.memory_space<hbm>>
      tpu.enqueue_dma source(%dma_start3A_345 : memref<8x125xi32, #tpu.memory_space<hbm>>) target(%dma_start3A_339 : memref<8x125xi32, #tpu.memory_space<vmem>>) target_semaphore(%arg16 : memref<!tpu.dma_semaphore, #tpu.memory_space<semaphore_mem>>)
      %dma_start3A_346 = arith.constant 8 : i32
      %dma_start3A_347 = arith.constant 0 : i32
      %dma_start3A_348 = tpu.memref_slice %arg7[%dma_start3A_346, %dma_start3A_347] : memref<16x125xi32, #tpu.memory_space<vmem>> -> memref<8x125xi32, #tpu.memory_space<vmem>>
      %dma_start3A_349 = arith.constant 0 : i32
      %dma_start3A_350 = arith.constant 0 : i32
      %dma_start3A_351 = tpu.memref_slice %arg3[%scan3A_263, %dma_start3A_349, %dma_start3A_350] : memref<2x2560x125xi32, #tpu.memory_space<hbm>> -> memref<1x2560x125xi32, #tpu.memory_space<hbm>>
      %dma_start3A_352 = tpu.memref_squeeze %dma_start3A_351 : memref<1x2560x125xi32, #tpu.memory_space<hbm>> -> memref<2560x125xi32, #tpu.memory_space<hbm>>
      %dma_start3A_353 = arith.constant 0 : i32
      %dma_start3A_354 = tpu.memref_slice %dma_start3A_352[%add3A_327, %dma_start3A_353] : memref<2560x125xi32, #tpu.memory_space<hbm>> -> memref<8x125xi32, #tpu.memory_space<hbm>>
      %dma_start3A_355 = arith.constant 8 : i32
      %dma_start3A_356 = arith.constant 0 : i32
      %dma_start3A_357 = tpu.memref_slice %arg7[%dma_start3A_355, %dma_start3A_356] : memref<16x125xi32, #tpu.memory_space<vmem>> -> memref<8x125xi32, #tpu.memory_space<vmem>>
      %dma_start3A_358 = arith.constant 0 : i32
      %dma_start3A_359 = arith.constant 0 : i32
      %dma_start3A_360 = tpu.memref_slice %arg3[%scan3A_263, %dma_start3A_358, %dma_start3A_359] : memref<2x2560x125xi32, #tpu.memory_space<hbm>> -> memref<1x2560x125xi32, #tpu.memory_space<hbm>>
      %dma_start3A_361 = tpu.memref_squeeze %dma_start3A_360 : memref<1x2560x125xi32, #tpu.memory_space<hbm>> -> memref<2560x125xi32, #tpu.memory_space<hbm>>
      %dma_start3A_362 = arith.constant 0 : i32
      %dma_start3A_363 = tpu.memref_slice %dma_start3A_361[%add3A_327, %dma_start3A_362] : memref<2560x125xi32, #tpu.memory_space<hbm>> -> memref<8x125xi32, #tpu.memory_space<hbm>>
      tpu.enqueue_dma source(%dma_start3A_363 : memref<8x125xi32, #tpu.memory_space<hbm>>) target(%dma_start3A_357 : memref<8x125xi32, #tpu.memory_space<vmem>>) target_semaphore(%arg16 : memref<!tpu.dma_semaphore, #tpu.memory_space<semaphore_mem>>)
      %get3A = arith.constant 0 : i32
      %get3A_364 = arith.index_cast %get3A : i32 to index
      %get3A_365 = arith.constant 0 : index
      %get3A_366 = tpu.vector_load %arg7[%get3A_364, %get3A_365] {strides = array<i32>} : memref<16x125xi32, #tpu.memory_space<vmem>>, vector<16xi32>,
      tpu.vector_store_idx %arg10[%get3A_366], %broadcast_in_dim3A_5 {add = true} : memref<10112xf32, #tpu.memory_space<vmem>>[vector<16xi32>], vector<16xf32>,
      %get3A_367 = arith.constant 0 : i32
      %get3A_368 = arith.index_cast %get3A_367 : i32 to index
      %get3A_369 = arith.constant 16 : index
      %get3A_370 = tpu.vector_load %arg7[%get3A_368, %get3A_369] {strides = array<i32>} : memref<16x125xi32, #tpu.memory_space<vmem>>, vector<16xi32>,
      tpu.vector_store_idx %arg10[%get3A_370], %broadcast_in_dim3A_5 {add = true} : memref<10112xf32, #tpu.memory_space<vmem>>[vector<16xi32>], vector<16xf32>,
      %get3A_371 = arith.constant 0 : i32
      %get3A_372 = arith.index_cast %get3A_371 : i32 to index
      %get3A_373 = arith.constant 32 : index
      %get3A_374 = tpu.vector_load %arg7[%get3A_372, %get3A_373] {strides = array<i32>} : memref<16x125xi32, #tpu.memory_space<vmem>>, vector<16xi32>,
      tpu.vector_store_idx %arg10[%get3A_374], %broadcast_in_dim3A_5 {add = true} : memref<10112xf32, #tpu.memory_space<vmem>>[vector<16xi32>], vector<16xf32>,
      %get3A_375 = arith.constant 0 : i32
      %get3A_376 = arith.index_cast %get3A_375 : i32 to index
      %get3A_377 = arith.constant 48 : index
      %get3A_378 = tpu.vector_load %arg7[%get3A_376, %get3A_377] {strides = array<i32>} : memref<16x125xi32, #tpu.memory_space<vmem>>, vector<16xi32>,
      tpu.vector_store_idx %arg10[%get3A_378], %broadcast_in_dim3A_5 {add = true} : memref<10112xf32, #tpu.memory_space<vmem>>[vector<16xi32>], vector<16xf32>,
      %get3A_379 = arith.constant 0 : i32
      %get3A_380 = arith.index_cast %get3A_379 : i32 to index
      %get3A_381 = arith.constant 64 : index
      %get3A_382 = tpu.vector_load %arg7[%get3A_380, %get3A_381] {strides = array<i32>} : memref<16x125xi32, #tpu.memory_space<vmem>>, vector<16xi32>,
      tpu.vector_store_idx %arg10[%get3A_382], %broadcast_in_dim3A_5 {add = true} : memref<10112xf32, #tpu.memory_space<vmem>>[vector<16xi32>], vector<16xf32>,
      %get3A_383 = arith.constant 0 : i32
      %get3A_384 = arith.index_cast %get3A_383 : i32 to index
      %get3A_385 = arith.constant 80 : index
      %get3A_386 = tpu.vector_load %arg7[%get3A_384, %get3A_385] {strides = array<i32>} : memref<16x125xi32, #tpu.memory_space<vmem>>, vector<16xi32>,
      tpu.vector_store_idx %arg10[%get3A_386], %broadcast_in_dim3A_5 {add = true} : memref<10112xf32, #tpu.memory_space<vmem>>[vector<16xi32>], vector<16xf32>,
      %get3A_387 = arith.constant 0 : i32
      %get3A_388 = arith.index_cast %get3A_387 : i32 to index
      %get3A_389 = arith.constant 96 : index
      %get3A_390 = tpu.vector_load %arg7[%get3A_388, %get3A_389] {strides = array<i32>} : memref<16x125xi32, #tpu.memory_space<vmem>>, vector<16xi32>,
      tpu.vector_store_idx %arg10[%get3A_390], %broadcast_in_dim3A_5 {add = true} : memref<10112xf32, #tpu.memory_space<vmem>>[vector<16xi32>], vector<16xf32>,
      %get3A_391 = arith.constant 0 : i32
      %get3A_392 = arith.index_cast %get3A_391 : i32 to index
      %get3A_393 = arith.constant 109 : index
      %get3A_394 = tpu.vector_load %arg7[%get3A_392, %get3A_393] {strides = array<i32>} : memref<16x125xi32, #tpu.memory_space<vmem>>, vector<16xi32>,
      tpu.vector_store_idx %arg10[%get3A_394], %broadcast_in_dim3A_5 masked %ge3A_7 {add = true} : memref<10112xf32, #tpu.memory_space<vmem>>[vector<16xi32>], vector<16xf32>, vector<16xi1>
      %dma_wait3A_395 = arith.constant 0 : i32
      %dma_wait3A_396 = arith.constant 0 : i32
      %dma_wait3A_397 = tpu.memref_slice %arg7[%dma_wait3A_395, %dma_wait3A_396] : memref<16x125xi32, #tpu.memory_space<vmem>> -> memref<1x125xi32, #tpu.memory_space<vmem>>
      %dma_wait3A_398 = tpu.memref_squeeze %dma_wait3A_397 : memref<1x125xi32, #tpu.memory_space<vmem>> -> memref<125xi32, #tpu.memory_space<vmem>>
      %dma_wait3A_399 = arith.constant 0 : i32
      %dma_wait3A_400 = arith.constant 0 : i32
      %dma_wait3A_401 = tpu.memref_slice %arg11[%dma_wait3A_399, %dma_wait3A_400] : memref<10112x128xf32, #tpu.memory_space<vmem_shared>> -> memref<10112x128xf32, #tpu.memory_space<vmem_shared>>
      tpu.wait_indirect_dma semaphore(%arg14 : memref<!tpu.dma_semaphore, #tpu.memory_space<semaphore_mem>>) src(%arg8 : memref<125x128xf32, #tpu.memory_space<vmem>>) dst(%dma_wait3A_401 : memref<10112x128xf32, #tpu.memory_space<vmem_shared>>)
      %dma_start3A_402 = arith.constant 2 : i32
      %dma_start3A_403 = arith.constant 0 : i32
      %dma_start3A_404 = arith.constant 0 : i32
      %dma_start3A_405 = tpu.memref_slice %arg8[%dma_start3A_403, %dma_start3A_404] : memref<125x128xf32, #tpu.memory_space<vmem>> -> memref<64x128xf32, #tpu.memory_space<vmem>>
      %dma_start3A_406 = arith.constant 0 : i32
      %dma_start3A_407 = tpu.memref_slice %arg6[%dma_start3A_402, %dma_start3A_406] : memref<16x125xi32, #tpu.memory_space<vmem>> -> memref<1x64xi32, #tpu.memory_space<vmem>>
      %dma_start3A_408 = tpu.memref_squeeze %dma_start3A_407 : memref<1x64xi32, #tpu.memory_space<vmem>> -> memref<64xi32, #tpu.memory_space<vmem>>
      %dma_start3A_409 = arith.constant 0 : i32
      %dma_start3A_410 = arith.constant 0 : i32
      %dma_start3A_411 = tpu.memref_slice %arg2[%dma_start3A_409, %dma_start3A_410] : memref<10000x128xf32, #tpu.memory_space<hbm>> -> memref<10000x128xf32, #tpu.memory_space<hbm>>
      tpu.enqueue_indirect_dma source(%dma_start3A_411 : memref<10000x128xf32, #tpu.memory_space<hbm>>) target(%dma_start3A_405 : memref<64x128xf32, #tpu.memory_space<vmem>>) offsets(%dma_start3A_408 : memref<64xi32, #tpu.memory_space<vmem>>) semaphore(%arg12 : memref<!tpu.dma_semaphore, #tpu.memory_space<semaphore_mem>>)
      %dma_start3A_412 = arith.constant 2 : i32
      %dma_start3A_413 = arith.constant 64 : i32
      %dma_start3A_414 = arith.constant 0 : i32
      %dma_start3A_415 = tpu.memref_slice %arg8[%dma_start3A_413, %dma_start3A_414] : memref<125x128xf32, #tpu.memory_space<vmem>> -> memref<61x128xf32, #tpu.memory_space<vmem>>
      %dma_start3A_416 = arith.constant 64 : i32
      %dma_start3A_417 = tpu.memref_slice %arg6[%dma_start3A_412, %dma_start3A_416] : memref<16x125xi32, #tpu.memory_space<vmem>> -> memref<1x61xi32, #tpu.memory_space<vmem>>
      %dma_start3A_418 = tpu.memref_squeeze %dma_start3A_417 : memref<1x61xi32, #tpu.memory_space<vmem>> -> memref<61xi32, #tpu.memory_space<vmem>>
      %dma_start3A_419 = arith.constant 0 : i32
      %dma_start3A_420 = arith.constant 0 : i32
      %dma_start3A_421 = tpu.memref_slice %arg2[%dma_start3A_419, %dma_start3A_420] : memref<10000x128xf32, #tpu.memory_space<hbm>> -> memref<10000x128xf32, #tpu.memory_space<hbm>>
      tpu.enqueue_indirect_dma source(%dma_start3A_421 : memref<10000x128xf32, #tpu.memory_space<hbm>>) target(%dma_start3A_415 : memref<61x128xf32, #tpu.memory_space<vmem>>) offsets(%dma_start3A_418 : memref<61xi32, #tpu.memory_space<vmem>>) semaphore(%arg12 : memref<!tpu.dma_semaphore, #tpu.memory_space<semaphore_mem>>)
      %dma_wait3A_422 = arith.constant 1 : i32
      %dma_wait3A_423 = arith.constant 0 : i32
      %dma_wait3A_424 = arith.constant 0 : i32
      %dma_wait3A_425 = tpu.memref_slice %arg9[%dma_wait3A_423, %dma_wait3A_424] : memref<125x128xf32, #tpu.memory_space<vmem>> -> memref<64x128xf32, #tpu.memory_space<vmem>>
      %dma_wait3A_426 = arith.constant 0 : i32
      %dma_wait3A_427 = tpu.memref_slice %arg6[%dma_wait3A_422, %dma_wait3A_426] : memref<16x125xi32, #tpu.memory_space<vmem>> -> memref<1x64xi32, #tpu.memory_space<vmem>>
      %dma_wait3A_428 = tpu.memref_squeeze %dma_wait3A_427 : memref<1x64xi32, #tpu.memory_space<vmem>> -> memref<64xi32, #tpu.memory_space<vmem>>
      %dma_wait3A_429 = arith.constant 0 : i32
      %dma_wait3A_430 = arith.constant 0 : i32
      %dma_wait3A_431 = tpu.memref_slice %arg2[%dma_wait3A_429, %dma_wait3A_430] : memref<10000x128xf32, #tpu.memory_space<hbm>> -> memref<10000x128xf32, #tpu.memory_space<hbm>>
      tpu.wait_indirect_dma semaphore(%arg13 : memref<!tpu.dma_semaphore, #tpu.memory_space<semaphore_mem>>) src(%dma_wait3A_431 : memref<10000x128xf32, #tpu.memory_space<hbm>>) dst(%dma_wait3A_425 : memref<64x128xf32, #tpu.memory_space<vmem>>)
      %dma_wait3A_432 = arith.constant 1 : i32
      %dma_wait3A_433 = arith.constant 64 : i32
      %dma_wait3A_434 = arith.constant 0 : i32
      %dma_wait3A_435 = tpu.memref_slice %arg9[%dma_wait3A_433, %dma_wait3A_434] : memref<125x128xf32, #tpu.memory_space<vmem>> -> memref<61x128xf32, #tpu.memory_space<vmem>>
      %dma_wait3A_436 = arith.constant 64 : i32
      %dma_wait3A_437 = tpu.memref_slice %arg6[%dma_wait3A_432, %dma_wait3A_436] : memref<16x125xi32, #tpu.memory_space<vmem>> -> memref<1x61xi32, #tpu.memory_space<vmem>>
      %dma_wait3A_438 = tpu.memref_squeeze %dma_wait3A_437 : memref<1x61xi32, #tpu.memory_space<vmem>> -> memref<61xi32, #tpu.memory_space<vmem>>
      %dma_wait3A_439 = arith.constant 0 : i32
      %dma_wait3A_440 = arith.constant 0 : i32
      %dma_wait3A_441 = tpu.memref_slice %arg2[%dma_wait3A_439, %dma_wait3A_440] : memref<10000x128xf32, #tpu.memory_space<hbm>> -> memref<10000x128xf32, #tpu.memory_space<hbm>>
      tpu.wait_indirect_dma semaphore(%arg13 : memref<!tpu.dma_semaphore, #tpu.memory_space<semaphore_mem>>) src(%dma_wait3A_441 : memref<10000x128xf32, #tpu.memory_space<hbm>>) dst(%dma_wait3A_435 : memref<61x128xf32, #tpu.memory_space<vmem>>)
      %dma_start3A_442 = arith.constant 1 : i32
      %dma_start3A_443 = arith.constant 0 : i32
      %dma_start3A_444 = tpu.memref_slice %arg7[%dma_start3A_442, %dma_start3A_443] : memref<16x125xi32, #tpu.memory_space<vmem>> -> memref<1x125xi32, #tpu.memory_space<vmem>>
      %dma_start3A_445 = tpu.memref_squeeze %dma_start3A_444 : memref<1x125xi32, #tpu.memory_space<vmem>> -> memref<125xi32, #tpu.memory_space<vmem>>
      %dma_start3A_446 = arith.constant 0 : i32
      %dma_start3A_447 = arith.constant 0 : i32
      %dma_start3A_448 = tpu.memref_slice %arg11[%dma_start3A_446, %dma_start3A_447] : memref<10112x128xf32, #tpu.memory_space<vmem_shared>> -> memref<10112x128xf32, #tpu.memory_space<vmem_shared>>
      tpu.enqueue_indirect_dma source(%arg9 : memref<125x128xf32, #tpu.memory_space<vmem>>) target(%dma_start3A_448 : memref<10112x128xf32, #tpu.memory_space<vmem_shared>>) offsets(%dma_start3A_445 : memref<125xi32, #tpu.memory_space<vmem>>) semaphore(%arg15 : memref<!tpu.dma_semaphore, #tpu.memory_space<semaphore_mem>>) {add = true}
      %get3A_449 = arith.constant 1 : i32
      %get3A_450 = arith.index_cast %get3A_449 : i32 to index
      %get3A_451 = arith.constant 0 : index
      %get3A_452 = tpu.vector_load %arg7[%get3A_450, %get3A_451] {strides = array<i32>} : memref<16x125xi32, #tpu.memory_space<vmem>>, vector<16xi32>,
      tpu.vector_store_idx %arg10[%get3A_452], %broadcast_in_dim3A_5 {add = true} : memref<10112xf32, #tpu.memory_space<vmem>>[vector<16xi32>], vector<16xf32>,
      %get3A_453 = arith.constant 1 : i32
      %get3A_454 = arith.index_cast %get3A_453 : i32 to index
      %get3A_455 = arith.constant 16 : index
      %get3A_456 = tpu.vector_load %arg7[%get3A_454, %get3A_455] {strides = array<i32>} : memref<16x125xi32, #tpu.memory_space<vmem>>, vector<16xi32>,
      tpu.vector_store_idx %arg10[%get3A_456], %broadcast_in_dim3A_5 {add = true} : memref<10112xf32, #tpu.memory_space<vmem>>[vector<16xi32>], vector<16xf32>,
      %get3A_457 = arith.constant 1 : i32
      %get3A_458 = arith.index_cast %get3A_457 : i32 to index
      %get3A_459 = arith.constant 32 : index
      %get3A_460 = tpu.vector_load %arg7[%get3A_458, %get3A_459] {strides = array<i32>} : memref<16x125xi32, #tpu.memory_space<vmem>>, vector<16xi32>,
      tpu.vector_store_idx %arg10[%get3A_460], %broadcast_in_dim3A_5 {add = true} : memref<10112xf32, #tpu.memory_space<vmem>>[vector<16xi32>], vector<16xf32>,
      %get3A_461 = arith.constant 1 : i32
      %get3A_462 = arith.index_cast %get3A_461 : i32 to index
      %get3A_463 = arith.constant 48 : index
      %get3A_464 = tpu.vector_load %arg7[%get3A_462, %get3A_463] {strides = array<i32>} : memref<16x125xi32, #tpu.memory_space<vmem>>, vector<16xi32>,
      tpu.vector_store_idx %arg10[%get3A_464], %broadcast_in_dim3A_5 {add = true} : memref<10112xf32, #tpu.memory_space<vmem>>[vector<16xi32>], vector<16xf32>,
      %get3A_465 = arith.constant 1 : i32
      %get3A_466 = arith.index_cast %get3A_465 : i32 to index
      %get3A_467 = arith.constant 64 : index
      %get3A_468 = tpu.vector_load %arg7[%get3A_466, %get3A_467] {strides = array<i32>} : memref<16x125xi32, #tpu.memory_space<vmem>>, vector<16xi32>,
      tpu.vector_store_idx %arg10[%get3A_468], %broadcast_in_dim3A_5 {add = true} : memref<10112xf32, #tpu.memory_space<vmem>>[vector<16xi32>], vector<16xf32>,
      %get3A_469 = arith.constant 1 : i32
      %get3A_470 = arith.index_cast %get3A_469 : i32 to index
      %get3A_471 = arith.constant 80 : index
      %get3A_472 = tpu.vector_load %arg7[%get3A_470, %get3A_471] {strides = array<i32>} : memref<16x125xi32, #tpu.memory_space<vmem>>, vector<16xi32>,
      tpu.vector_store_idx %arg10[%get3A_472], %broadcast_in_dim3A_5 {add = true} : memref<10112xf32, #tpu.memory_space<vmem>>[vector<16xi32>], vector<16xf32>,
      %get3A_473 = arith.constant 1 : i32
      %get3A_474 = arith.index_cast %get3A_473 : i32 to index
      %get3A_475 = arith.constant 96 : index
      %get3A_476 = tpu.vector_load %arg7[%get3A_474, %get3A_475] {strides = array<i32>} : memref<16x125xi32, #tpu.memory_space<vmem>>, vector<16xi32>,
      tpu.vector_store_idx %arg10[%get3A_476], %broadcast_in_dim3A_5 {add = true} : memref<10112xf32, #tpu.memory_space<vmem>>[vector<16xi32>], vector<16xf32>,
      %get3A_477 = arith.constant 1 : i32
      %get3A_478 = arith.index_cast %get3A_477 : i32 to index
      %get3A_479 = arith.constant 109 : index
      %get3A_480 = tpu.vector_load %arg7[%get3A_478, %get3A_479] {strides = array<i32>} : memref<16x125xi32, #tpu.memory_space<vmem>>, vector<16xi32>,
      tpu.vector_store_idx %arg10[%get3A_480], %broadcast_in_dim3A_5 masked %ge3A_7 {add = true} : memref<10112xf32, #tpu.memory_space<vmem>>[vector<16xi32>], vector<16xf32>, vector<16xi1>
      %dma_wait3A_481 = arith.constant 1 : i32
      %dma_wait3A_482 = arith.constant 0 : i32
      %dma_wait3A_483 = tpu.memref_slice %arg7[%dma_wait3A_481, %dma_wait3A_482] : memref<16x125xi32, #tpu.memory_space<vmem>> -> memref<1x125xi32, #tpu.memory_space<vmem>>
      %dma_wait3A_484 = tpu.memref_squeeze %dma_wait3A_483 : memref<1x125xi32, #tpu.memory_space<vmem>> -> memref<125xi32, #tpu.memory_space<vmem>>
      %dma_wait3A_485 = arith.constant 0 : i32
      %dma_wait3A_486 = arith.constant 0 : i32
      %dma_wait3A_487 = tpu.memref_slice %arg11[%dma_wait3A_485, %dma_wait3A_486] : memref<10112x128xf32, #tpu.memory_space<vmem_shared>> -> memref<10112x128xf32, #tpu.memory_space<vmem_shared>>
      tpu.wait_indirect_dma semaphore(%arg15 : memref<!tpu.dma_semaphore, #tpu.memory_space<semaphore_mem>>) src(%arg9 : memref<125x128xf32, #tpu.memory_space<vmem>>) dst(%dma_wait3A_487 : memref<10112x128xf32, #tpu.memory_space<vmem_shared>>)
      %dma_start3A_488 = arith.constant 3 : i32
      %dma_start3A_489 = arith.constant 0 : i32
      %dma_start3A_490 = arith.constant 0 : i32
      %dma_start3A_491 = tpu.memref_slice %arg9[%dma_start3A_489, %dma_start3A_490] : memref<125x128xf32, #tpu.memory_space<vmem>> -> memref<64x128xf32, #tpu.memory_space<vmem>>
      %dma_start3A_492 = arith.constant 0 : i32
      %dma_start3A_493 = tpu.memref_slice %arg6[%dma_start3A_488, %dma_start3A_492] : memref<16x125xi32, #tpu.memory_space<vmem>> -> memref<1x64xi32, #tpu.memory_space<vmem>>
      %dma_start3A_494 = tpu.memref_squeeze %dma_start3A_493 : memref<1x64xi32, #tpu.memory_space<vmem>> -> memref<64xi32, #tpu.memory_space<vmem>>
      %dma_start3A_495 = arith.constant 0 : i32
      %dma_start3A_496 = arith.constant 0 : i32
      %dma_start3A_497 = tpu.memref_slice %arg2[%dma_start3A_495, %dma_start3A_496] : memref<10000x128xf32, #tpu.memory_space<hbm>> -> memref<10000x128xf32, #tpu.memory_space<hbm>>
      tpu.enqueue_indirect_dma source(%dma_start3A_497 : memref<10000x128xf32, #tpu.memory_space<hbm>>) target(%dma_start3A_491 : memref<64x128xf32, #tpu.memory_space<vmem>>) offsets(%dma_start3A_494 : memref<64xi32, #tpu.memory_space<vmem>>) semaphore(%arg13 : memref<!tpu.dma_semaphore, #tpu.memory_space<semaphore_mem>>)
      %dma_start3A_498 = arith.constant 3 : i32
      %dma_start3A_499 = arith.constant 64 : i32
      %dma_start3A_500 = arith.constant 0 : i32
      %dma_start3A_501 = tpu.memref_slice %arg9[%dma_start3A_499, %dma_start3A_500] : memref<125x128xf32, #tpu.memory_space<vmem>> -> memref<61x128xf32, #tpu.memory_space<vmem>>
      %dma_start3A_502 = arith.constant 64 : i32
      %dma_start3A_503 = tpu.memref_slice %arg6[%dma_start3A_498, %dma_start3A_502] : memref<16x125xi32, #tpu.memory_space<vmem>> -> memref<1x61xi32, #tpu.memory_space<vmem>>
      %dma_start3A_504 = tpu.memref_squeeze %dma_start3A_503 : memref<1x61xi32, #tpu.memory_space<vmem>> -> memref<61xi32, #tpu.memory_space<vmem>>
      %dma_start3A_505 = arith.constant 0 : i32
      %dma_start3A_506 = arith.constant 0 : i32
      %dma_start3A_507 = tpu.memref_slice %arg2[%dma_start3A_505, %dma_start3A_506] : memref<10000x128xf32, #tpu.memory_space<hbm>> -> memref<10000x128xf32, #tpu.memory_space<hbm>>
      tpu.enqueue_indirect_dma source(%dma_start3A_507 : memref<10000x128xf32, #tpu.memory_space<hbm>>) target(%dma_start3A_501 : memref<61x128xf32, #tpu.memory_space<vmem>>) offsets(%dma_start3A_504 : memref<61xi32, #tpu.memory_space<vmem>>) semaphore(%arg13 : memref<!tpu.dma_semaphore, #tpu.memory_space<semaphore_mem>>)
      %dma_wait3A_508 = arith.constant 2 : i32
      %dma_wait3A_509 = arith.constant 0 : i32
      %dma_wait3A_510 = arith.constant 0 : i32
      %dma_wait3A_511 = tpu.memref_slice %arg8[%dma_wait3A_509, %dma_wait3A_510] : memref<125x128xf32, #tpu.memory_space<vmem>> -> memref<64x128xf32, #tpu.memory_space<vmem>>
      %dma_wait3A_512 = arith.constant 0 : i32
      %dma_wait3A_513 = tpu.memref_slice %arg6[%dma_wait3A_508, %dma_wait3A_512] : memref<16x125xi32, #tpu.memory_space<vmem>> -> memref<1x64xi32, #tpu.memory_space<vmem>>
      %dma_wait3A_514 = tpu.memref_squeeze %dma_wait3A_513 : memref<1x64xi32, #tpu.memory_space<vmem>> -> memref<64xi32, #tpu.memory_space<vmem>>
      %dma_wait3A_515 = arith.constant 0 : i32
      %dma_wait3A_516 = arith.constant 0 : i32
      %dma_wait3A_517 = tpu.memref_slice %arg2[%dma_wait3A_515, %dma_wait3A_516] : memref<10000x128xf32, #tpu.memory_space<hbm>> -> memref<10000x128xf32, #tpu.memory_space<hbm>>
      tpu.wait_indirect_dma semaphore(%arg12 : memref<!tpu.dma_semaphore, #tpu.memory_space<semaphore_mem>>) src(%dma_wait3A_517 : memref<10000x128xf32, #tpu.memory_space<hbm>>) dst(%dma_wait3A_511 : memref<64x128xf32, #tpu.memory_space<vmem>>)
      %dma_wait3A_518 = arith.constant 2 : i32
      %dma_wait3A_519 = arith.constant 64 : i32
      %dma_wait3A_520 = arith.constant 0 : i32
      %dma_wait3A_521 = tpu.memref_slice %arg8[%dma_wait3A_519, %dma_wait3A_520] : memref<125x128xf32, #tpu.memory_space<vmem>> -> memref<61x128xf32, #tpu.memory_space<vmem>>
      %dma_wait3A_522 = arith.constant 64 : i32
      %dma_wait3A_523 = tpu.memref_slice %arg6[%dma_wait3A_518, %dma_wait3A_522] : memref<16x125xi32, #tpu.memory_space<vmem>> -> memref<1x61xi32, #tpu.memory_space<vmem>>
      %dma_wait3A_524 = tpu.memref_squeeze %dma_wait3A_523 : memref<1x61xi32, #tpu.memory_space<vmem>> -> memref<61xi32, #tpu.memory_space<vmem>>
      %dma_wait3A_525 = arith.constant 0 : i32
      %dma_wait3A_526 = arith.constant 0 : i32
      %dma_wait3A_527 = tpu.memref_slice %arg2[%dma_wait3A_525, %dma_wait3A_526] : memref<10000x128xf32, #tpu.memory_space<hbm>> -> memref<10000x128xf32, #tpu.memory_space<hbm>>
      tpu.wait_indirect_dma semaphore(%arg12 : memref<!tpu.dma_semaphore, #tpu.memory_space<semaphore_mem>>) src(%dma_wait3A_527 : memref<10000x128xf32, #tpu.memory_space<hbm>>) dst(%dma_wait3A_521 : memref<61x128xf32, #tpu.memory_space<vmem>>)
      %dma_start3A_528 = arith.constant 2 : i32
      %dma_start3A_529 = arith.constant 0 : i32
      %dma_start3A_530 = tpu.memref_slice %arg7[%dma_start3A_528, %dma_start3A_529] : memref<16x125xi32, #tpu.memory_space<vmem>> -> memref<1x125xi32, #tpu.memory_space<vmem>>
      %dma_start3A_531 = tpu.memref_squeeze %dma_start3A_530 : memref<1x125xi32, #tpu.memory_space<vmem>> -> memref<125xi32, #tpu.memory_space<vmem>>
      %dma_start3A_532 = arith.constant 0 : i32
      %dma_start3A_533 = arith.constant 0 : i32
      %dma_start3A_534 = tpu.memref_slice %arg11[%dma_start3A_532, %dma_start3A_533] : memref<10112x128xf32, #tpu.memory_space<vmem_shared>> -> memref<10112x128xf32, #tpu.memory_space<vmem_shared>>
      tpu.enqueue_indirect_dma source(%arg8 : memref<125x128xf32, #tpu.memory_space<vmem>>) target(%dma_start3A_534 : memref<10112x128xf32, #tpu.memory_space<vmem_shared>>) offsets(%dma_start3A_531 : memref<125xi32, #tpu.memory_space<vmem>>) semaphore(%arg14 : memref<!tpu.dma_semaphore, #tpu.memory_space<semaphore_mem>>) {add = true}
      %get3A_535 = arith.constant 2 : i32
      %get3A_536 = arith.index_cast %get3A_535 : i32 to index
      %get3A_537 = arith.constant 0 : index
      %get3A_538 = tpu.vector_load %arg7[%get3A_536, %get3A_537] {strides = array<i32>} : memref<16x125xi32, #tpu.memory_space<vmem>>, vector<16xi32>,
      tpu.vector_store_idx %arg10[%get3A_538], %broadcast_in_dim3A_5 {add = true} : memref<10112xf32, #tpu.memory_space<vmem>>[vector<16xi32>], vector<16xf32>,
      %get3A_539 = arith.constant 2 : i32
      %get3A_540 = arith.index_cast %get3A_539 : i32 to index
      %get3A_541 = arith.constant 16 : index
      %get3A_542 = tpu.vector_load %arg7[%get3A_540, %get3A_541] {strides = array<i32>} : memref<16x125xi32, #tpu.memory_space<vmem>>, vector<16xi32>,
      tpu.vector_store_idx %arg10[%get3A_542], %broadcast_in_dim3A_5 {add = true} : memref<10112xf32, #tpu.memory_space<vmem>>[vector<16xi32>], vector<16xf32>,
      %get3A_543 = arith.constant 2 : i32
      %get3A_544 = arith.index_cast %get3A_543 : i32 to index
      %get3A_545 = arith.constant 32 : index
      %get3A_546 = tpu.vector_load %arg7[%get3A_544, %get3A_545] {strides = array<i32>} : memref<16x125xi32, #tpu.memory_space<vmem>>, vector<16xi32>,
      tpu.vector_store_idx %arg10[%get3A_546], %broadcast_in_dim3A_5 {add = true} : memref<10112xf32, #tpu.memory_space<vmem>>[vector<16xi32>], vector<16xf32>,
      %get3A_547 = arith.constant 2 : i32
      %get3A_548 = arith.index_cast %get3A_547 : i32 to index
      %get3A_549 = arith.constant 48 : index
      %get3A_550 = tpu.vector_load %arg7[%get3A_548, %get3A_549] {strides = array<i32>} : memref<16x125xi32, #tpu.memory_space<vmem>>, vector<16xi32>,
      tpu.vector_store_idx %arg10[%get3A_550], %broadcast_in_dim3A_5 {add = true} : memref<10112xf32, #tpu.memory_space<vmem>>[vector<16xi32>], vector<16xf32>,
      %get3A_551 = arith.constant 2 : i32
      %get3A_552 = arith.index_cast %get3A_551 : i32 to index
      %get3A_553 = arith.constant 64 : index
      %get3A_554 = tpu.vector_load %arg7[%get3A_552, %get3A_553] {strides = array<i32>} : memref<16x125xi32, #tpu.memory_space<vmem>>, vector<16xi32>,
      tpu.vector_store_idx %arg10[%get3A_554], %broadcast_in_dim3A_5 {add = true} : memref<10112xf32, #tpu.memory_space<vmem>>[vector<16xi32>], vector<16xf32>,
      %get3A_555 = arith.constant 2 : i32
      %get3A_556 = arith.index_cast %get3A_555 : i32 to index
      %get3A_557 = arith.constant 80 : index
      %get3A_558 = tpu.vector_load %arg7[%get3A_556, %get3A_557] {strides = array<i32>} : memref<16x125xi32, #tpu.memory_space<vmem>>, vector<16xi32>,
      tpu.vector_store_idx %arg10[%get3A_558], %broadcast_in_dim3A_5 {add = true} : memref<10112xf32, #tpu.memory_space<vmem>>[vector<16xi32>], vector<16xf32>,
      %get3A_559 = arith.constant 2 : i32
      %get3A_560 = arith.index_cast %get3A_559 : i32 to index
      %get3A_561 = arith.constant 96 : index
      %get3A_562 = tpu.vector_load %arg7[%get3A_560, %get3A_561] {strides = array<i32>} : memref<16x125xi32, #tpu.memory_space<vmem>>, vector<16xi32>,
      tpu.vector_store_idx %arg10[%get3A_562], %broadcast_in_dim3A_5 {add = true} : memref<10112xf32, #tpu.memory_space<vmem>>[vector<16xi32>], vector<16xf32>,
      %get3A_563 = arith.constant 2 : i32
      %get3A_564 = arith.index_cast %get3A_563 : i32 to index
      %get3A_565 = arith.constant 109 : index
      %get3A_566 = tpu.vector_load %arg7[%get3A_564, %get3A_565] {strides = array<i32>} : memref<16x125xi32, #tpu.memory_space<vmem>>, vector<16xi32>,
      tpu.vector_store_idx %arg10[%get3A_566], %broadcast_in_dim3A_5 masked %ge3A_7 {add = true} : memref<10112xf32, #tpu.memory_space<vmem>>[vector<16xi32>], vector<16xf32>, vector<16xi1>
      %dma_wait3A_567 = arith.constant 2 : i32
      %dma_wait3A_568 = arith.constant 0 : i32
      %dma_wait3A_569 = tpu.memref_slice %arg7[%dma_wait3A_567, %dma_wait3A_568] : memref<16x125xi32, #tpu.memory_space<vmem>> -> memref<1x125xi32, #tpu.memory_space<vmem>>
      %dma_wait3A_570 = tpu.memref_squeeze %dma_wait3A_569 : memref<1x125xi32, #tpu.memory_space<vmem>> -> memref<125xi32, #tpu.memory_space<vmem>>
      %dma_wait3A_571 = arith.constant 0 : i32
      %dma_wait3A_572 = arith.constant 0 : i32
      %dma_wait3A_573 = tpu.memref_slice %arg11[%dma_wait3A_571, %dma_wait3A_572] : memref<10112x128xf32, #tpu.memory_space<vmem_shared>> -> memref<10112x128xf32, #tpu.memory_space<vmem_shared>>
      tpu.wait_indirect_dma semaphore(%arg14 : memref<!tpu.dma_semaphore, #tpu.memory_space<semaphore_mem>>) src(%arg8 : memref<125x128xf32, #tpu.memory_space<vmem>>) dst(%dma_wait3A_573 : memref<10112x128xf32, #tpu.memory_space<vmem_shared>>)
      %dma_start3A_574 = arith.constant 4 : i32
      %dma_start3A_575 = arith.constant 0 : i32
      %dma_start3A_576 = arith.constant 0 : i32
      %dma_start3A_577 = tpu.memref_slice %arg8[%dma_start3A_575, %dma_start3A_576] : memref<125x128xf32, #tpu.memory_space<vmem>> -> memref<64x128xf32, #tpu.memory_space<vmem>>
      %dma_start3A_578 = arith.constant 0 : i32
      %dma_start3A_579 = tpu.memref_slice %arg6[%dma_start3A_574, %dma_start3A_578] : memref<16x125xi32, #tpu.memory_space<vmem>> -> memref<1x64xi32, #tpu.memory_space<vmem>>
      %dma_start3A_580 = tpu.memref_squeeze %dma_start3A_579 : memref<1x64xi32, #tpu.memory_space<vmem>> -> memref<64xi32, #tpu.memory_space<vmem>>
      %dma_start3A_581 = arith.constant 0 : i32
      %dma_start3A_582 = arith.constant 0 : i32
      %dma_start3A_583 = tpu.memref_slice %arg2[%dma_start3A_581, %dma_start3A_582] : memref<10000x128xf32, #tpu.memory_space<hbm>> -> memref<10000x128xf32, #tpu.memory_space<hbm>>
      tpu.enqueue_indirect_dma source(%dma_start3A_583 : memref<10000x128xf32, #tpu.memory_space<hbm>>) target(%dma_start3A_577 : memref<64x128xf32, #tpu.memory_space<vmem>>) offsets(%dma_start3A_580 : memref<64xi32, #tpu.memory_space<vmem>>) semaphore(%arg12 : memref<!tpu.dma_semaphore, #tpu.memory_space<semaphore_mem>>)
      %dma_start3A_584 = arith.constant 4 : i32
      %dma_start3A_585 = arith.constant 64 : i32
      %dma_start3A_586 = arith.constant 0 : i32
      %dma_start3A_587 = tpu.memref_slice %arg8[%dma_start3A_585, %dma_start3A_586] : memref<125x128xf32, #tpu.memory_space<vmem>> -> memref<61x128xf32, #tpu.memory_space<vmem>>
      %dma_start3A_588 = arith.constant 64 : i32
      %dma_start3A_589 = tpu.memref_slice %arg6[%dma_start3A_584, %dma_start3A_588] : memref<16x125xi32, #tpu.memory_space<vmem>> -> memref<1x61xi32, #tpu.memory_space<vmem>>
      %dma_start3A_590 = tpu.memref_squeeze %dma_start3A_589 : memref<1x61xi32, #tpu.memory_space<vmem>> -> memref<61xi32, #tpu.memory_space<vmem>>
      %dma_start3A_591 = arith.constant 0 : i32
      %dma_start3A_592 = arith.constant 0 : i32
      %dma_start3A_593 = tpu.memref_slice %arg2[%dma_start3A_591, %dma_start3A_592] : memref<10000x128xf32, #tpu.memory_space<hbm>> -> memref<10000x128xf32, #tpu.memory_space<hbm>>
      tpu.enqueue_indirect_dma source(%dma_start3A_593 : memref<10000x128xf32, #tpu.memory_space<hbm>>) target(%dma_start3A_587 : memref<61x128xf32, #tpu.memory_space<vmem>>) offsets(%dma_start3A_590 : memref<61xi32, #tpu.memory_space<vmem>>) semaphore(%arg12 : memref<!tpu.dma_semaphore, #tpu.memory_space<semaphore_mem>>)
      %dma_wait3A_594 = arith.constant 3 : i32
      %dma_wait3A_595 = arith.constant 0 : i32
      %dma_wait3A_596 = arith.constant 0 : i32
      %dma_wait3A_597 = tpu.memref_slice %arg9[%dma_wait3A_595, %dma_wait3A_596] : memref<125x128xf32, #tpu.memory_space<vmem>> -> memref<64x128xf32, #tpu.memory_space<vmem>>
      %dma_wait3A_598 = arith.constant 0 : i32
      %dma_wait3A_599 = tpu.memref_slice %arg6[%dma_wait3A_594, %dma_wait3A_598] : memref<16x125xi32, #tpu.memory_space<vmem>> -> memref<1x64xi32, #tpu.memory_space<vmem>>
      %dma_wait3A_600 = tpu.memref_squeeze %dma_wait3A_599 : memref<1x64xi32, #tpu.memory_space<vmem>> -> memref<64xi32, #tpu.memory_space<vmem>>
      %dma_wait3A_601 = arith.constant 0 : i32
      %dma_wait3A_602 = arith.constant 0 : i32
      %dma_wait3A_603 = tpu.memref_slice %arg2[%dma_wait3A_601, %dma_wait3A_602] : memref<10000x128xf32, #tpu.memory_space<hbm>> -> memref<10000x128xf32, #tpu.memory_space<hbm>>
      tpu.wait_indirect_dma semaphore(%arg13 : memref<!tpu.dma_semaphore, #tpu.memory_space<semaphore_mem>>) src(%dma_wait3A_603 : memref<10000x128xf32, #tpu.memory_space<hbm>>) dst(%dma_wait3A_597 : memref<64x128xf32, #tpu.memory_space<vmem>>)
      %dma_wait3A_604 = arith.constant 3 : i32
      %dma_wait3A_605 = arith.constant 64 : i32
      %dma_wait3A_606 = arith.constant 0 : i32
      %dma_wait3A_607 = tpu.memref_slice %arg9[%dma_wait3A_605, %dma_wait3A_606] : memref<125x128xf32, #tpu.memory_space<vmem>> -> memref<61x128xf32, #tpu.memory_space<vmem>>
      %dma_wait3A_608 = arith.constant 64 : i32
      %dma_wait3A_609 = tpu.memref_slice %arg6[%dma_wait3A_604, %dma_wait3A_608] : memref<16x125xi32, #tpu.memory_space<vmem>> -> memref<1x61xi32, #tpu.memory_space<vmem>>
      %dma_wait3A_610 = tpu.memref_squeeze %dma_wait3A_609 : memref<1x61xi32, #tpu.memory_space<vmem>> -> memref<61xi32, #tpu.memory_space<vmem>>
      %dma_wait3A_611 = arith.constant 0 : i32
      %dma_wait3A_612 = arith.constant 0 : i32
      %dma_wait3A_613 = tpu.memref_slice %arg2[%dma_wait3A_611, %dma_wait3A_612] : memref<10000x128xf32, #tpu.memory_space<hbm>> -> memref<10000x128xf32, #tpu.memory_space<hbm>>
      tpu.wait_indirect_dma semaphore(%arg13 : memref<!tpu.dma_semaphore, #tpu.memory_space<semaphore_mem>>) src(%dma_wait3A_613 : memref<10000x128xf32, #tpu.memory_space<hbm>>) dst(%dma_wait3A_607 : memref<61x128xf32, #tpu.memory_space<vmem>>)
      %dma_start3A_614 = arith.constant 3 : i32
      %dma_start3A_615 = arith.constant 0 : i32
      %dma_start3A_616 = tpu.memref_slice %arg7[%dma_start3A_614, %dma_start3A_615] : memref<16x125xi32, #tpu.memory_space<vmem>> -> memref<1x125xi32, #tpu.memory_space<vmem>>
      %dma_start3A_617 = tpu.memref_squeeze %dma_start3A_616 : memref<1x125xi32, #tpu.memory_space<vmem>> -> memref<125xi32, #tpu.memory_space<vmem>>
      %dma_start3A_618 = arith.constant 0 : i32
      %dma_start3A_619 = arith.constant 0 : i32
      %dma_start3A_620 = tpu.memref_slice %arg11[%dma_start3A_618, %dma_start3A_619] : memref<10112x128xf32, #tpu.memory_space<vmem_shared>> -> memref<10112x128xf32, #tpu.memory_space<vmem_shared>>
      tpu.enqueue_indirect_dma source(%arg9 : memref<125x128xf32, #tpu.memory_space<vmem>>) target(%dma_start3A_620 : memref<10112x128xf32, #tpu.memory_space<vmem_shared>>) offsets(%dma_start3A_617 : memref<125xi32, #tpu.memory_space<vmem>>) semaphore(%arg15 : memref<!tpu.dma_semaphore, #tpu.memory_space<semaphore_mem>>) {add = true}
      %get3A_621 = arith.constant 3 : i32
      %get3A_622 = arith.index_cast %get3A_621 : i32 to index
      %get3A_623 = arith.constant 0 : index
      %get3A_624 = tpu.vector_load %arg7[%get3A_622, %get3A_623] {strides = array<i32>} : memref<16x125xi32, #tpu.memory_space<vmem>>, vector<16xi32>,
      tpu.vector_store_idx %arg10[%get3A_624], %broadcast_in_dim3A_5 {add = true} : memref<10112xf32, #tpu.memory_space<vmem>>[vector<16xi32>], vector<16xf32>,
      %get3A_625 = arith.constant 3 : i32
      %get3A_626 = arith.index_cast %get3A_625 : i32 to index
      %get3A_627 = arith.constant 16 : index
      %get3A_628 = tpu.vector_load %arg7[%get3A_626, %get3A_627] {strides = array<i32>} : memref<16x125xi32, #tpu.memory_space<vmem>>, vector<16xi32>,
      tpu.vector_store_idx %arg10[%get3A_628], %broadcast_in_dim3A_5 {add = true} : memref<10112xf32, #tpu.memory_space<vmem>>[vector<16xi32>], vector<16xf32>,
      %get3A_629 = arith.constant 3 : i32
      %get3A_630 = arith.index_cast %get3A_629 : i32 to index
      %get3A_631 = arith.constant 32 : index
      %get3A_632 = tpu.vector_load %arg7[%get3A_630, %get3A_631] {strides = array<i32>} : memref<16x125xi32, #tpu.memory_space<vmem>>, vector<16xi32>,
      tpu.vector_store_idx %arg10[%get3A_632], %broadcast_in_dim3A_5 {add = true} : memref<10112xf32, #tpu.memory_space<vmem>>[vector<16xi32>], vector<16xf32>,
      %get3A_633 = arith.constant 3 : i32
      %get3A_634 = arith.index_cast %get3A_633 : i32 to index
      %get3A_635 = arith.constant 48 : index
      %get3A_636 = tpu.vector_load %arg7[%get3A_634, %get3A_635] {strides = array<i32>} : memref<16x125xi32, #tpu.memory_space<vmem>>, vector<16xi32>,
      tpu.vector_store_idx %arg10[%get3A_636], %broadcast_in_dim3A_5 {add = true} : memref<10112xf32, #tpu.memory_space<vmem>>[vector<16xi32>], vector<16xf32>,
      %get3A_637 = arith.constant 3 : i32
      %get3A_638 = arith.index_cast %get3A_637 : i32 to index
      %get3A_639 = arith.constant 64 : index
      %get3A_640 = tpu.vector_load %arg7[%get3A_638, %get3A_639] {strides = array<i32>} : memref<16x125xi32, #tpu.memory_space<vmem>>, vector<16xi32>,
      tpu.vector_store_idx %arg10[%get3A_640], %broadcast_in_dim3A_5 {add = true} : memref<10112xf32, #tpu.memory_space<vmem>>[vector<16xi32>], vector<16xf32>,
      %get3A_641 = arith.constant 3 : i32
      %get3A_642 = arith.index_cast %get3A_641 : i32 to index
      %get3A_643 = arith.constant 80 : index
      %get3A_644 = tpu.vector_load %arg7[%get3A_642, %get3A_643] {strides = array<i32>} : memref<16x125xi32, #tpu.memory_space<vmem>>, vector<16xi32>,
      tpu.vector_store_idx %arg10[%get3A_644], %broadcast_in_dim3A_5 {add = true} : memref<10112xf32, #tpu.memory_space<vmem>>[vector<16xi32>], vector<16xf32>,
      %get3A_645 = arith.constant 3 : i32
      %get3A_646 = arith.index_cast %get3A_645 : i32 to index
      %get3A_647 = arith.constant 96 : index
      %get3A_648 = tpu.vector_load %arg7[%get3A_646, %get3A_647] {strides = array<i32>} : memref<16x125xi32, #tpu.memory_space<vmem>>, vector<16xi32>,
      tpu.vector_store_idx %arg10[%get3A_648], %broadcast_in_dim3A_5 {add = true} : memref<10112xf32, #tpu.memory_space<vmem>>[vector<16xi32>], vector<16xf32>,
      %get3A_649 = arith.constant 3 : i32
      %get3A_650 = arith.index_cast %get3A_649 : i32 to index
      %get3A_651 = arith.constant 109 : index
      %get3A_652 = tpu.vector_load %arg7[%get3A_650, %get3A_651] {strides = array<i32>} : memref<16x125xi32, #tpu.memory_space<vmem>>, vector<16xi32>,
      tpu.vector_store_idx %arg10[%get3A_652], %broadcast_in_dim3A_5 masked %ge3A_7 {add = true} : memref<10112xf32, #tpu.memory_space<vmem>>[vector<16xi32>], vector<16xf32>, vector<16xi1>
      %dma_wait3A_653 = arith.constant 3 : i32
      %dma_wait3A_654 = arith.constant 0 : i32
      %dma_wait3A_655 = tpu.memref_slice %arg7[%dma_wait3A_653, %dma_wait3A_654] : memref<16x125xi32, #tpu.memory_space<vmem>> -> memref<1x125xi32, #tpu.memory_space<vmem>>
      %dma_wait3A_656 = tpu.memref_squeeze %dma_wait3A_655 : memref<1x125xi32, #tpu.memory_space<vmem>> -> memref<125xi32, #tpu.memory_space<vmem>>
      %dma_wait3A_657 = arith.constant 0 : i32
      %dma_wait3A_658 = arith.constant 0 : i32
      %dma_wait3A_659 = tpu.memref_slice %arg11[%dma_wait3A_657, %dma_wait3A_658] : memref<10112x128xf32, #tpu.memory_space<vmem_shared>> -> memref<10112x128xf32, #tpu.memory_space<vmem_shared>>
      tpu.wait_indirect_dma semaphore(%arg15 : memref<!tpu.dma_semaphore, #tpu.memory_space<semaphore_mem>>) src(%arg9 : memref<125x128xf32, #tpu.memory_space<vmem>>) dst(%dma_wait3A_659 : memref<10112x128xf32, #tpu.memory_space<vmem_shared>>)
      %dma_start3A_660 = arith.constant 5 : i32
      %dma_start3A_661 = arith.constant 0 : i32
      %dma_start3A_662 = arith.constant 0 : i32
      %dma_start3A_663 = tpu.memref_slice %arg9[%dma_start3A_661, %dma_start3A_662] : memref<125x128xf32, #tpu.memory_space<vmem>> -> memref<64x128xf32, #tpu.memory_space<vmem>>
      %dma_start3A_664 = arith.constant 0 : i32
      %dma_start3A_665 = tpu.memref_slice %arg6[%dma_start3A_660, %dma_start3A_664] : memref<16x125xi32, #tpu.memory_space<vmem>> -> memref<1x64xi32, #tpu.memory_space<vmem>>
      %dma_start3A_666 = tpu.memref_squeeze %dma_start3A_665 : memref<1x64xi32, #tpu.memory_space<vmem>> -> memref<64xi32, #tpu.memory_space<vmem>>
      %dma_start3A_667 = arith.constant 0 : i32
      %dma_start3A_668 = arith.constant 0 : i32
      %dma_start3A_669 = tpu.memref_slice %arg2[%dma_start3A_667, %dma_start3A_668] : memref<10000x128xf32, #tpu.memory_space<hbm>> -> memref<10000x128xf32, #tpu.memory_space<hbm>>
      tpu.enqueue_indirect_dma source(%dma_start3A_669 : memref<10000x128xf32, #tpu.memory_space<hbm>>) target(%dma_start3A_663 : memref<64x128xf32, #tpu.memory_space<vmem>>) offsets(%dma_start3A_666 : memref<64xi32, #tpu.memory_space<vmem>>) semaphore(%arg13 : memref<!tpu.dma_semaphore, #tpu.memory_space<semaphore_mem>>)
      %dma_start3A_670 = arith.constant 5 : i32
      %dma_start3A_671 = arith.constant 64 : i32
      %dma_start3A_672 = arith.constant 0 : i32
      %dma_start3A_673 = tpu.memref_slice %arg9[%dma_start3A_671, %dma_start3A_672] : memref<125x128xf32, #tpu.memory_space<vmem>> -> memref<61x128xf32, #tpu.memory_space<vmem>>
      %dma_start3A_674 = arith.constant 64 : i32
      %dma_start3A_675 = tpu.memref_slice %arg6[%dma_start3A_670, %dma_start3A_674] : memref<16x125xi32, #tpu.memory_space<vmem>> -> memref<1x61xi32, #tpu.memory_space<vmem>>
      %dma_start3A_676 = tpu.memref_squeeze %dma_start3A_675 : memref<1x61xi32, #tpu.memory_space<vmem>> -> memref<61xi32, #tpu.memory_space<vmem>>
      %dma_start3A_677 = arith.constant 0 : i32
      %dma_start3A_678 = arith.constant 0 : i32
      %dma_start3A_679 = tpu.memref_slice %arg2[%dma_start3A_677, %dma_start3A_678] : memref<10000x128xf32, #tpu.memory_space<hbm>> -> memref<10000x128xf32, #tpu.memory_space<hbm>>
      tpu.enqueue_indirect_dma source(%dma_start3A_679 : memref<10000x128xf32, #tpu.memory_space<hbm>>) target(%dma_start3A_673 : memref<61x128xf32, #tpu.memory_space<vmem>>) offsets(%dma_start3A_676 : memref<61xi32, #tpu.memory_space<vmem>>) semaphore(%arg13 : memref<!tpu.dma_semaphore, #tpu.memory_space<semaphore_mem>>)
      %dma_wait3A_680 = arith.constant 4 : i32
      %dma_wait3A_681 = arith.constant 0 : i32
      %dma_wait3A_682 = arith.constant 0 : i32
      %dma_wait3A_683 = tpu.memref_slice %arg8[%dma_wait3A_681, %dma_wait3A_682] : memref<125x128xf32, #tpu.memory_space<vmem>> -> memref<64x128xf32, #tpu.memory_space<vmem>>
      %dma_wait3A_684 = arith.constant 0 : i32
      %dma_wait3A_685 = tpu.memref_slice %arg6[%dma_wait3A_680, %dma_wait3A_684] : memref<16x125xi32, #tpu.memory_space<vmem>> -> memref<1x64xi32, #tpu.memory_space<vmem>>
      %dma_wait3A_686 = tpu.memref_squeeze %dma_wait3A_685 : memref<1x64xi32, #tpu.memory_space<vmem>> -> memref<64xi32, #tpu.memory_space<vmem>>
      %dma_wait3A_687 = arith.constant 0 : i32
      %dma_wait3A_688 = arith.constant 0 : i32
      %dma_wait3A_689 = tpu.memref_slice %arg2[%dma_wait3A_687, %dma_wait3A_688] : memref<10000x128xf32, #tpu.memory_space<hbm>> -> memref<10000x128xf32, #tpu.memory_space<hbm>>
      tpu.wait_indirect_dma semaphore(%arg12 : memref<!tpu.dma_semaphore, #tpu.memory_space<semaphore_mem>>) src(%dma_wait3A_689 : memref<10000x128xf32, #tpu.memory_space<hbm>>) dst(%dma_wait3A_683 : memref<64x128xf32, #tpu.memory_space<vmem>>)
      %dma_wait3A_690 = arith.constant 4 : i32
      %dma_wait3A_691 = arith.constant 64 : i32
      %dma_wait3A_692 = arith.constant 0 : i32
      %dma_wait3A_693 = tpu.memref_slice %arg8[%dma_wait3A_691, %dma_wait3A_692] : memref<125x128xf32, #tpu.memory_space<vmem>> -> memref<61x128xf32, #tpu.memory_space<vmem>>
      %dma_wait3A_694 = arith.constant 64 : i32
      %dma_wait3A_695 = tpu.memref_slice %arg6[%dma_wait3A_690, %dma_wait3A_694] : memref<16x125xi32, #tpu.memory_space<vmem>> -> memref<1x61xi32, #tpu.memory_space<vmem>>
      %dma_wait3A_696 = tpu.memref_squeeze %dma_wait3A_695 : memref<1x61xi32, #tpu.memory_space<vmem>> -> memref<61xi32, #tpu.memory_space<vmem>>
      %dma_wait3A_697 = arith.constant 0 : i32
      %dma_wait3A_698 = arith.constant 0 : i32
      %dma_wait3A_699 = tpu.memref_slice %arg2[%dma_wait3A_697, %dma_wait3A_698] : memref<10000x128xf32, #tpu.memory_space<hbm>> -> memref<10000x128xf32, #tpu.memory_space<hbm>>
      tpu.wait_indirect_dma semaphore(%arg12 : memref<!tpu.dma_semaphore, #tpu.memory_space<semaphore_mem>>) src(%dma_wait3A_699 : memref<10000x128xf32, #tpu.memory_space<hbm>>) dst(%dma_wait3A_693 : memref<61x128xf32, #tpu.memory_space<vmem>>)
      %dma_start3A_700 = arith.constant 4 : i32
      %dma_start3A_701 = arith.constant 0 : i32
      %dma_start3A_702 = tpu.memref_slice %arg7[%dma_start3A_700, %dma_start3A_701] : memref<16x125xi32, #tpu.memory_space<vmem>> -> memref<1x125xi32, #tpu.memory_space<vmem>>
      %dma_start3A_703 = tpu.memref_squeeze %dma_start3A_702 : memref<1x125xi32, #tpu.memory_space<vmem>> -> memref<125xi32, #tpu.memory_space<vmem>>
      %dma_start3A_704 = arith.constant 0 : i32
      %dma_start3A_705 = arith.constant 0 : i32
      %dma_start3A_706 = tpu.memref_slice %arg11[%dma_start3A_704, %dma_start3A_705] : memref<10112x128xf32, #tpu.memory_space<vmem_shared>> -> memref<10112x128xf32, #tpu.memory_space<vmem_shared>>
      tpu.enqueue_indirect_dma source(%arg8 : memref<125x128xf32, #tpu.memory_space<vmem>>) target(%dma_start3A_706 : memref<10112x128xf32, #tpu.memory_space<vmem_shared>>) offsets(%dma_start3A_703 : memref<125xi32, #tpu.memory_space<vmem>>) semaphore(%arg14 : memref<!tpu.dma_semaphore, #tpu.memory_space<semaphore_mem>>) {add = true}
      %get3A_707 = arith.constant 4 : i32
      %get3A_708 = arith.index_cast %get3A_707 : i32 to index
      %get3A_709 = arith.constant 0 : index
      %get3A_710 = tpu.vector_load %arg7[%get3A_708, %get3A_709] {strides = array<i32>} : memref<16x125xi32, #tpu.memory_space<vmem>>, vector<16xi32>,
      tpu.vector_store_idx %arg10[%get3A_710], %broadcast_in_dim3A_5 {add = true} : memref<10112xf32, #tpu.memory_space<vmem>>[vector<16xi32>], vector<16xf32>,
      %get3A_711 = arith.constant 4 : i32
      %get3A_712 = arith.index_cast %get3A_711 : i32 to index
      %get3A_713 = arith.constant 16 : index
      %get3A_714 = tpu.vector_load %arg7[%get3A_712, %get3A_713] {strides = array<i32>} : memref<16x125xi32, #tpu.memory_space<vmem>>, vector<16xi32>,
      tpu.vector_store_idx %arg10[%get3A_714], %broadcast_in_dim3A_5 {add = true} : memref<10112xf32, #tpu.memory_space<vmem>>[vector<16xi32>], vector<16xf32>,
      %get3A_715 = arith.constant 4 : i32
      %get3A_716 = arith.index_cast %get3A_715 : i32 to index
      %get3A_717 = arith.constant 32 : index
      %get3A_718 = tpu.vector_load %arg7[%get3A_716, %get3A_717] {strides = array<i32>} : memref<16x125xi32, #tpu.memory_space<vmem>>, vector<16xi32>,
      tpu.vector_store_idx %arg10[%get3A_718], %broadcast_in_dim3A_5 {add = true} : memref<10112xf32, #tpu.memory_space<vmem>>[vector<16xi32>], vector<16xf32>,
      %get3A_719 = arith.constant 4 : i32
      %get3A_720 = arith.index_cast %get3A_719 : i32 to index
      %get3A_721 = arith.constant 48 : index
      %get3A_722 = tpu.vector_load %arg7[%get3A_720, %get3A_721] {strides = array<i32>} : memref<16x125xi32, #tpu.memory_space<vmem>>, vector<16xi32>,
      tpu.vector_store_idx %arg10[%get3A_722], %broadcast_in_dim3A_5 {add = true} : memref<10112xf32, #tpu.memory_space<vmem>>[vector<16xi32>], vector<16xf32>,
      %get3A_723 = arith.constant 4 : i32
      %get3A_724 = arith.index_cast %get3A_723 : i32 to index
      %get3A_725 = arith.constant 64 : index
      %get3A_726 = tpu.vector_load %arg7[%get3A_724, %get3A_725] {strides = array<i32>} : memref<16x125xi32, #tpu.memory_space<vmem>>, vector<16xi32>,
      tpu.vector_store_idx %arg10[%get3A_726], %broadcast_in_dim3A_5 {add = true} : memref<10112xf32, #tpu.memory_space<vmem>>[vector<16xi32>], vector<16xf32>,
      %get3A_727 = arith.constant 4 : i32
      %get3A_728 = arith.index_cast %get3A_727 : i32 to index
      %get3A_729 = arith.constant 80 : index
      %get3A_730 = tpu.vector_load %arg7[%get3A_728, %get3A_729] {strides = array<i32>} : memref<16x125xi32, #tpu.memory_space<vmem>>, vector<16xi32>,
      tpu.vector_store_idx %arg10[%get3A_730], %broadcast_in_dim3A_5 {add = true} : memref<10112xf32, #tpu.memory_space<vmem>>[vector<16xi32>], vector<16xf32>,
      %get3A_731 = arith.constant 4 : i32
      %get3A_732 = arith.index_cast %get3A_731 : i32 to index
      %get3A_733 = arith.constant 96 : index
      %get3A_734 = tpu.vector_load %arg7[%get3A_732, %get3A_733] {strides = array<i32>} : memref<16x125xi32, #tpu.memory_space<vmem>>, vector<16xi32>,
      tpu.vector_store_idx %arg10[%get3A_734], %broadcast_in_dim3A_5 {add = true} : memref<10112xf32, #tpu.memory_space<vmem>>[vector<16xi32>], vector<16xf32>,
      %get3A_735 = arith.constant 4 : i32
      %get3A_736 = arith.index_cast %get3A_735 : i32 to index
      %get3A_737 = arith.constant 109 : index
      %get3A_738 = tpu.vector_load %arg7[%get3A_736, %get3A_737] {strides = array<i32>} : memref<16x125xi32, #tpu.memory_space<vmem>>, vector<16xi32>,
      tpu.vector_store_idx %arg10[%get3A_738], %broadcast_in_dim3A_5 masked %ge3A_7 {add = true} : memref<10112xf32, #tpu.memory_space<vmem>>[vector<16xi32>], vector<16xf32>, vector<16xi1>
      %dma_wait3A_739 = arith.constant 4 : i32
      %dma_wait3A_740 = arith.constant 0 : i32
      %dma_wait3A_741 = tpu.memref_slice %arg7[%dma_wait3A_739, %dma_wait3A_740] : memref<16x125xi32, #tpu.memory_space<vmem>> -> memref<1x125xi32, #tpu.memory_space<vmem>>
      %dma_wait3A_742 = tpu.memref_squeeze %dma_wait3A_741 : memref<1x125xi32, #tpu.memory_space<vmem>> -> memref<125xi32, #tpu.memory_space<vmem>>
      %dma_wait3A_743 = arith.constant 0 : i32
      %dma_wait3A_744 = arith.constant 0 : i32
      %dma_wait3A_745 = tpu.memref_slice %arg11[%dma_wait3A_743, %dma_wait3A_744] : memref<10112x128xf32, #tpu.memory_space<vmem_shared>> -> memref<10112x128xf32, #tpu.memory_space<vmem_shared>>
      tpu.wait_indirect_dma semaphore(%arg14 : memref<!tpu.dma_semaphore, #tpu.memory_space<semaphore_mem>>) src(%arg8 : memref<125x128xf32, #tpu.memory_space<vmem>>) dst(%dma_wait3A_745 : memref<10112x128xf32, #tpu.memory_space<vmem_shared>>)
      %dma_start3A_746 = arith.constant 6 : i32
      %dma_start3A_747 = arith.constant 0 : i32
      %dma_start3A_748 = arith.constant 0 : i32
      %dma_start3A_749 = tpu.memref_slice %arg8[%dma_start3A_747, %dma_start3A_748] : memref<125x128xf32, #tpu.memory_space<vmem>> -> memref<64x128xf32, #tpu.memory_space<vmem>>
      %dma_start3A_750 = arith.constant 0 : i32
      %dma_start3A_751 = tpu.memref_slice %arg6[%dma_start3A_746, %dma_start3A_750] : memref<16x125xi32, #tpu.memory_space<vmem>> -> memref<1x64xi32, #tpu.memory_space<vmem>>
      %dma_start3A_752 = tpu.memref_squeeze %dma_start3A_751 : memref<1x64xi32, #tpu.memory_space<vmem>> -> memref<64xi32, #tpu.memory_space<vmem>>
      %dma_start3A_753 = arith.constant 0 : i32
      %dma_start3A_754 = arith.constant 0 : i32
      %dma_start3A_755 = tpu.memref_slice %arg2[%dma_start3A_753, %dma_start3A_754] : memref<10000x128xf32, #tpu.memory_space<hbm>> -> memref<10000x128xf32, #tpu.memory_space<hbm>>
      tpu.enqueue_indirect_dma source(%dma_start3A_755 : memref<10000x128xf32, #tpu.memory_space<hbm>>) target(%dma_start3A_749 : memref<64x128xf32, #tpu.memory_space<vmem>>) offsets(%dma_start3A_752 : memref<64xi32, #tpu.memory_space<vmem>>) semaphore(%arg12 : memref<!tpu.dma_semaphore, #tpu.memory_space<semaphore_mem>>)
      %dma_start3A_756 = arith.constant 6 : i32
      %dma_start3A_757 = arith.constant 64 : i32
      %dma_start3A_758 = arith.constant 0 : i32
      %dma_start3A_759 = tpu.memref_slice %arg8[%dma_start3A_757, %dma_start3A_758] : memref<125x128xf32, #tpu.memory_space<vmem>> -> memref<61x128xf32, #tpu.memory_space<vmem>>
      %dma_start3A_760 = arith.constant 64 : i32
      %dma_start3A_761 = tpu.memref_slice %arg6[%dma_start3A_756, %dma_start3A_760] : memref<16x125xi32, #tpu.memory_space<vmem>> -> memref<1x61xi32, #tpu.memory_space<vmem>>
      %dma_start3A_762 = tpu.memref_squeeze %dma_start3A_761 : memref<1x61xi32, #tpu.memory_space<vmem>> -> memref<61xi32, #tpu.memory_space<vmem>>
      %dma_start3A_763 = arith.constant 0 : i32
      %dma_start3A_764 = arith.constant 0 : i32
      %dma_start3A_765 = tpu.memref_slice %arg2[%dma_start3A_763, %dma_start3A_764] : memref<10000x128xf32, #tpu.memory_space<hbm>> -> memref<10000x128xf32, #tpu.memory_space<hbm>>
      tpu.enqueue_indirect_dma source(%dma_start3A_765 : memref<10000x128xf32, #tpu.memory_space<hbm>>) target(%dma_start3A_759 : memref<61x128xf32, #tpu.memory_space<vmem>>) offsets(%dma_start3A_762 : memref<61xi32, #tpu.memory_space<vmem>>) semaphore(%arg12 : memref<!tpu.dma_semaphore, #tpu.memory_space<semaphore_mem>>)
      %dma_wait3A_766 = arith.constant 5 : i32
      %dma_wait3A_767 = arith.constant 0 : i32
      %dma_wait3A_768 = arith.constant 0 : i32
      %dma_wait3A_769 = tpu.memref_slice %arg9[%dma_wait3A_767, %dma_wait3A_768] : memref<125x128xf32, #tpu.memory_space<vmem>> -> memref<64x128xf32, #tpu.memory_space<vmem>>
      %dma_wait3A_770 = arith.constant 0 : i32
      %dma_wait3A_771 = tpu.memref_slice %arg6[%dma_wait3A_766, %dma_wait3A_770] : memref<16x125xi32, #tpu.memory_space<vmem>> -> memref<1x64xi32, #tpu.memory_space<vmem>>
      %dma_wait3A_772 = tpu.memref_squeeze %dma_wait3A_771 : memref<1x64xi32, #tpu.memory_space<vmem>> -> memref<64xi32, #tpu.memory_space<vmem>>
      %dma_wait3A_773 = arith.constant 0 : i32
      %dma_wait3A_774 = arith.constant 0 : i32
      %dma_wait3A_775 = tpu.memref_slice %arg2[%dma_wait3A_773, %dma_wait3A_774] : memref<10000x128xf32, #tpu.memory_space<hbm>> -> memref<10000x128xf32, #tpu.memory_space<hbm>>
      tpu.wait_indirect_dma semaphore(%arg13 : memref<!tpu.dma_semaphore, #tpu.memory_space<semaphore_mem>>) src(%dma_wait3A_775 : memref<10000x128xf32, #tpu.memory_space<hbm>>) dst(%dma_wait3A_769 : memref<64x128xf32, #tpu.memory_space<vmem>>)
      %dma_wait3A_776 = arith.constant 5 : i32
      %dma_wait3A_777 = arith.constant 64 : i32
      %dma_wait3A_778 = arith.constant 0 : i32
      %dma_wait3A_779 = tpu.memref_slice %arg9[%dma_wait3A_777, %dma_wait3A_778] : memref<125x128xf32, #tpu.memory_space<vmem>> -> memref<61x128xf32, #tpu.memory_space<vmem>>
      %dma_wait3A_780 = arith.constant 64 : i32
      %dma_wait3A_781 = tpu.memref_slice %arg6[%dma_wait3A_776, %dma_wait3A_780] : memref<16x125xi32, #tpu.memory_space<vmem>> -> memref<1x61xi32, #tpu.memory_space<vmem>>
      %dma_wait3A_782 = tpu.memref_squeeze %dma_wait3A_781 : memref<1x61xi32, #tpu.memory_space<vmem>> -> memref<61xi32, #tpu.memory_space<vmem>>
      %dma_wait3A_783 = arith.constant 0 : i32
      %dma_wait3A_784 = arith.constant 0 : i32
      %dma_wait3A_785 = tpu.memref_slice %arg2[%dma_wait3A_783, %dma_wait3A_784] : memref<10000x128xf32, #tpu.memory_space<hbm>> -> memref<10000x128xf32, #tpu.memory_space<hbm>>
      tpu.wait_indirect_dma semaphore(%arg13 : memref<!tpu.dma_semaphore, #tpu.memory_space<semaphore_mem>>) src(%dma_wait3A_785 : memref<10000x128xf32, #tpu.memory_space<hbm>>) dst(%dma_wait3A_779 : memref<61x128xf32, #tpu.memory_space<vmem>>)
      %dma_start3A_786 = arith.constant 5 : i32
      %dma_start3A_787 = arith.constant 0 : i32
      %dma_start3A_788 = tpu.memref_slice %arg7[%dma_start3A_786, %dma_start3A_787] : memref<16x125xi32, #tpu.memory_space<vmem>> -> memref<1x125xi32, #tpu.memory_space<vmem>>
      %dma_start3A_789 = tpu.memref_squeeze %dma_start3A_788 : memref<1x125xi32, #tpu.memory_space<vmem>> -> memref<125xi32, #tpu.memory_space<vmem>>
      %dma_start3A_790 = arith.constant 0 : i32
      %dma_start3A_791 = arith.constant 0 : i32
      %dma_start3A_792 = tpu.memref_slice %arg11[%dma_start3A_790, %dma_start3A_791] : memref<10112x128xf32, #tpu.memory_space<vmem_shared>> -> memref<10112x128xf32, #tpu.memory_space<vmem_shared>>
      tpu.enqueue_indirect_dma source(%arg9 : memref<125x128xf32, #tpu.memory_space<vmem>>) target(%dma_start3A_792 : memref<10112x128xf32, #tpu.memory_space<vmem_shared>>) offsets(%dma_start3A_789 : memref<125xi32, #tpu.memory_space<vmem>>) semaphore(%arg15 : memref<!tpu.dma_semaphore, #tpu.memory_space<semaphore_mem>>) {add = true}
      %get3A_793 = arith.constant 5 : i32
      %get3A_794 = arith.index_cast %get3A_793 : i32 to index
      %get3A_795 = arith.constant 0 : index
      %get3A_796 = tpu.vector_load %arg7[%get3A_794, %get3A_795] {strides = array<i32>} : memref<16x125xi32, #tpu.memory_space<vmem>>, vector<16xi32>,
      tpu.vector_store_idx %arg10[%get3A_796], %broadcast_in_dim3A_5 {add = true} : memref<10112xf32, #tpu.memory_space<vmem>>[vector<16xi32>], vector<16xf32>,
      %get3A_797 = arith.constant 5 : i32
      %get3A_798 = arith.index_cast %get3A_797 : i32 to index
      %get3A_799 = arith.constant 16 : index
      %get3A_800 = tpu.vector_load %arg7[%get3A_798, %get3A_799] {strides = array<i32>} : memref<16x125xi32, #tpu.memory_space<vmem>>, vector<16xi32>,
      tpu.vector_store_idx %arg10[%get3A_800], %broadcast_in_dim3A_5 {add = true} : memref<10112xf32, #tpu.memory_space<vmem>>[vector<16xi32>], vector<16xf32>,
      %get3A_801 = arith.constant 5 : i32
      %get3A_802 = arith.index_cast %get3A_801 : i32 to index
      %get3A_803 = arith.constant 32 : index
      %get3A_804 = tpu.vector_load %arg7[%get3A_802, %get3A_803] {strides = array<i32>} : memref<16x125xi32, #tpu.memory_space<vmem>>, vector<16xi32>,
      tpu.vector_store_idx %arg10[%get3A_804], %broadcast_in_dim3A_5 {add = true} : memref<10112xf32, #tpu.memory_space<vmem>>[vector<16xi32>], vector<16xf32>,
      %get3A_805 = arith.constant 5 : i32
      %get3A_806 = arith.index_cast %get3A_805 : i32 to index
      %get3A_807 = arith.constant 48 : index
      %get3A_808 = tpu.vector_load %arg7[%get3A_806, %get3A_807] {strides = array<i32>} : memref<16x125xi32, #tpu.memory_space<vmem>>, vector<16xi32>,
      tpu.vector_store_idx %arg10[%get3A_808], %broadcast_in_dim3A_5 {add = true} : memref<10112xf32, #tpu.memory_space<vmem>>[vector<16xi32>], vector<16xf32>,
      %get3A_809 = arith.constant 5 : i32
      %get3A_810 = arith.index_cast %get3A_809 : i32 to index
      %get3A_811 = arith.constant 64 : index
      %get3A_812 = tpu.vector_load %arg7[%get3A_810, %get3A_811] {strides = array<i32>} : memref<16x125xi32, #tpu.memory_space<vmem>>, vector<16xi32>,
      tpu.vector_store_idx %arg10[%get3A_812], %broadcast_in_dim3A_5 {add = true} : memref<10112xf32, #tpu.memory_space<vmem>>[vector<16xi32>], vector<16xf32>,
      %get3A_813 = arith.constant 5 : i32
      %get3A_814 = arith.index_cast %get3A_813 : i32 to index
      %get3A_815 = arith.constant 80 : index
      %get3A_816 = tpu.vector_load %arg7[%get3A_814, %get3A_815] {strides = array<i32>} : memref<16x125xi32, #tpu.memory_space<vmem>>, vector<16xi32>,
      tpu.vector_store_idx %arg10[%get3A_816], %broadcast_in_dim3A_5 {add = true} : memref<10112xf32, #tpu.memory_space<vmem>>[vector<16xi32>], vector<16xf32>,
      %get3A_817 = arith.constant 5 : i32
      %get3A_818 = arith.index_cast %get3A_817 : i32 to index
      %get3A_819 = arith.constant 96 : index
      %get3A_820 = tpu.vector_load %arg7[%get3A_818, %get3A_819] {strides = array<i32>} : memref<16x125xi32, #tpu.memory_space<vmem>>, vector<16xi32>,
      tpu.vector_store_idx %arg10[%get3A_820], %broadcast_in_dim3A_5 {add = true} : memref<10112xf32, #tpu.memory_space<vmem>>[vector<16xi32>], vector<16xf32>,
      %get3A_821 = arith.constant 5 : i32
      %get3A_822 = arith.index_cast %get3A_821 : i32 to index
      %get3A_823 = arith.constant 109 : index
      %get3A_824 = tpu.vector_load %arg7[%get3A_822, %get3A_823] {strides = array<i32>} : memref<16x125xi32, #tpu.memory_space<vmem>>, vector<16xi32>,
      tpu.vector_store_idx %arg10[%get3A_824], %broadcast_in_dim3A_5 masked %ge3A_7 {add = true} : memref<10112xf32, #tpu.memory_space<vmem>>[vector<16xi32>], vector<16xf32>, vector<16xi1>
      %dma_wait3A_825 = arith.constant 8 : i32
      %dma_wait3A_826 = arith.constant 0 : i32
      %dma_wait3A_827 = tpu.memref_slice %arg6[%dma_wait3A_825, %dma_wait3A_826] : memref<16x125xi32, #tpu.memory_space<vmem>> -> memref<8x125xi32, #tpu.memory_space<vmem>>
      %dma_wait3A_828 = arith.constant 0 : i32
      %dma_wait3A_829 = arith.constant 0 : i32
      %dma_wait3A_830 = tpu.memref_slice %arg3[%scan3A_262, %dma_wait3A_828, %dma_wait3A_829] : memref<2x2560x125xi32, #tpu.memory_space<hbm>> -> memref<1x2560x125xi32, #tpu.memory_space<hbm>>
      %dma_wait3A_831 = tpu.memref_squeeze %dma_wait3A_830 : memref<1x2560x125xi32, #tpu.memory_space<hbm>> -> memref<2560x125xi32, #tpu.memory_space<hbm>>
      %dma_wait3A_832 = arith.constant 0 : i32
      %dma_wait3A_833 = arith.constant 0 : i32
      %dma_wait3A_834 = tpu.memref_slice %dma_wait3A_831[%dma_wait3A_832, %dma_wait3A_833] : memref<2560x125xi32, #tpu.memory_space<hbm>> -> memref<8x125xi32, #tpu.memory_space<hbm>>
      %dma_wait3A_835 = arith.constant 8 : i32
      %dma_wait3A_836 = arith.constant 0 : i32
      %dma_wait3A_837 = tpu.memref_slice %arg6[%dma_wait3A_835, %dma_wait3A_836] : memref<16x125xi32, #tpu.memory_space<vmem>> -> memref<8x125xi32, #tpu.memory_space<vmem>>
      %dma_wait3A_838 = arith.constant 0 : i32
      %dma_wait3A_839 = arith.constant 0 : i32
      %dma_wait3A_840 = tpu.memref_slice %arg3[%scan3A_262, %dma_wait3A_838, %dma_wait3A_839] : memref<2x2560x125xi32, #tpu.memory_space<hbm>> -> memref<1x2560x125xi32, #tpu.memory_space<hbm>>
      %dma_wait3A_841 = tpu.memref_squeeze %dma_wait3A_840 : memref<1x2560x125xi32, #tpu.memory_space<hbm>> -> memref<2560x125xi32, #tpu.memory_space<hbm>>
      %dma_wait3A_842 = arith.constant 0 : i32
      %dma_wait3A_843 = arith.constant 0 : i32
      %dma_wait3A_844 = tpu.memref_slice %dma_wait3A_841[%dma_wait3A_842, %dma_wait3A_843] : memref<2560x125xi32, #tpu.memory_space<hbm>> -> memref<8x125xi32, #tpu.memory_space<hbm>>
      tpu.wait_dma2 semaphore(%arg16 : memref<!tpu.dma_semaphore, #tpu.memory_space<semaphore_mem>>) src(%dma_wait3A_844 : memref<8x125xi32, #tpu.memory_space<hbm>>) dst(%dma_wait3A_837 : memref<8x125xi32, #tpu.memory_space<vmem>>)
      %dma_wait3A_845 = arith.constant 8 : i32
      %dma_wait3A_846 = arith.constant 0 : i32
      %dma_wait3A_847 = tpu.memref_slice %arg7[%dma_wait3A_845, %dma_wait3A_846] : memref<16x125xi32, #tpu.memory_space<vmem>> -> memref<8x125xi32, #tpu.memory_space<vmem>>
      %dma_wait3A_848 = arith.constant 0 : i32
      %dma_wait3A_849 = arith.constant 0 : i32
      %dma_wait3A_850 = tpu.memref_slice %arg3[%scan3A_263, %dma_wait3A_848, %dma_wait3A_849] : memref<2x2560x125xi32, #tpu.memory_space<hbm>> -> memref<1x2560x125xi32, #tpu.memory_space<hbm>>
      %dma_wait3A_851 = tpu.memref_squeeze %dma_wait3A_850 : memref<1x2560x125xi32, #tpu.memory_space<hbm>> -> memref<2560x125xi32, #tpu.memory_space<hbm>>
      %dma_wait3A_852 = arith.constant 0 : i32
      %dma_wait3A_853 = arith.constant 0 : i32
      %dma_wait3A_854 = tpu.memref_slice %dma_wait3A_851[%dma_wait3A_852, %dma_wait3A_853] : memref<2560x125xi32, #tpu.memory_space<hbm>> -> memref<8x125xi32, #tpu.memory_space<hbm>>
      %dma_wait3A_855 = arith.constant 8 : i32
      %dma_wait3A_856 = arith.constant 0 : i32
      %dma_wait3A_857 = tpu.memref_slice %arg7[%dma_wait3A_855, %dma_wait3A_856] : memref<16x125xi32, #tpu.memory_space<vmem>> -> memref<8x125xi32, #tpu.memory_space<vmem>>
      %dma_wait3A_858 = arith.constant 0 : i32
      %dma_wait3A_859 = arith.constant 0 : i32
      %dma_wait3A_860 = tpu.memref_slice %arg3[%scan3A_263, %dma_wait3A_858, %dma_wait3A_859] : memref<2x2560x125xi32, #tpu.memory_space<hbm>> -> memref<1x2560x125xi32, #tpu.memory_space<hbm>>
      %dma_wait3A_861 = tpu.memref_squeeze %dma_wait3A_860 : memref<1x2560x125xi32, #tpu.memory_space<hbm>> -> memref<2560x125xi32, #tpu.memory_space<hbm>>
      %dma_wait3A_862 = arith.constant 0 : i32
      %dma_wait3A_863 = arith.constant 0 : i32
      %dma_wait3A_864 = tpu.memref_slice %dma_wait3A_861[%dma_wait3A_862, %dma_wait3A_863] : memref<2560x125xi32, #tpu.memory_space<hbm>> -> memref<8x125xi32, #tpu.memory_space<hbm>>
      tpu.wait_dma2 semaphore(%arg16 : memref<!tpu.dma_semaphore, #tpu.memory_space<semaphore_mem>>) src(%dma_wait3A_864 : memref<8x125xi32, #tpu.memory_space<hbm>>) dst(%dma_wait3A_857 : memref<8x125xi32, #tpu.memory_space<vmem>>)
      %dma_wait3A_865 = arith.constant 5 : i32
      %dma_wait3A_866 = arith.constant 0 : i32
      %dma_wait3A_867 = tpu.memref_slice %arg7[%dma_wait3A_865, %dma_wait3A_866] : memref<16x125xi32, #tpu.memory_space<vmem>> -> memref<1x125xi32, #tpu.memory_space<vmem>>
      %dma_wait3A_868 = tpu.memref_squeeze %dma_wait3A_867 : memref<1x125xi32, #tpu.memory_space<vmem>> -> memref<125xi32, #tpu.memory_space<vmem>>
      %dma_wait3A_869 = arith.constant 0 : i32
      %dma_wait3A_870 = arith.constant 0 : i32
      %dma_wait3A_871 = tpu.memref_slice %arg11[%dma_wait3A_869, %dma_wait3A_870] : memref<10112x128xf32, #tpu.memory_space<vmem_shared>> -> memref<10112x128xf32, #tpu.memory_space<vmem_shared>>
      tpu.wait_indirect_dma semaphore(%arg15 : memref<!tpu.dma_semaphore, #tpu.memory_space<semaphore_mem>>) src(%arg9 : memref<125x128xf32, #tpu.memory_space<vmem>>) dst(%dma_wait3A_871 : memref<10112x128xf32, #tpu.memory_space<vmem_shared>>)
      %dma_start3A_872 = arith.constant 7 : i32
      %dma_start3A_873 = arith.constant 0 : i32
      %dma_start3A_874 = arith.constant 0 : i32
      %dma_start3A_875 = tpu.memref_slice %arg9[%dma_start3A_873, %dma_start3A_874] : memref<125x128xf32, #tpu.memory_space<vmem>> -> memref<64x128xf32, #tpu.memory_space<vmem>>
      %dma_start3A_876 = arith.constant 0 : i32
      %dma_start3A_877 = tpu.memref_slice %arg6[%dma_start3A_872, %dma_start3A_876] : memref<16x125xi32, #tpu.memory_space<vmem>> -> memref<1x64xi32, #tpu.memory_space<vmem>>
      %dma_start3A_878 = tpu.memref_squeeze %dma_start3A_877 : memref<1x64xi32, #tpu.memory_space<vmem>> -> memref<64xi32, #tpu.memory_space<vmem>>
      %dma_start3A_879 = arith.constant 0 : i32
      %dma_start3A_880 = arith.constant 0 : i32
      %dma_start3A_881 = tpu.memref_slice %arg2[%dma_start3A_879, %dma_start3A_880] : memref<10000x128xf32, #tpu.memory_space<hbm>> -> memref<10000x128xf32, #tpu.memory_space<hbm>>
      tpu.enqueue_indirect_dma source(%dma_start3A_881 : memref<10000x128xf32, #tpu.memory_space<hbm>>) target(%dma_start3A_875 : memref<64x128xf32, #tpu.memory_space<vmem>>) offsets(%dma_start3A_878 : memref<64xi32, #tpu.memory_space<vmem>>) semaphore(%arg13 : memref<!tpu.dma_semaphore, #tpu.memory_space<semaphore_mem>>)
      %dma_start3A_882 = arith.constant 7 : i32
      %dma_start3A_883 = arith.constant 64 : i32
      %dma_start3A_884 = arith.constant 0 : i32
      %dma_start3A_885 = tpu.memref_slice %arg9[%dma_start3A_883, %dma_start3A_884] : memref<125x128xf32, #tpu.memory_space<vmem>> -> memref<61x128xf32, #tpu.memory_space<vmem>>
      %dma_start3A_886 = arith.constant 64 : i32
      %dma_start3A_887 = tpu.memref_slice %arg6[%dma_start3A_882, %dma_start3A_886] : memref<16x125xi32, #tpu.memory_space<vmem>> -> memref<1x61xi32, #tpu.memory_space<vmem>>
      %dma_start3A_888 = tpu.memref_squeeze %dma_start3A_887 : memref<1x61xi32, #tpu.memory_space<vmem>> -> memref<61xi32, #tpu.memory_space<vmem>>
      %dma_start3A_889 = arith.constant 0 : i32
      %dma_start3A_890 = arith.constant 0 : i32
      %dma_start3A_891 = tpu.memref_slice %arg2[%dma_start3A_889, %dma_start3A_890] : memref<10000x128xf32, #tpu.memory_space<hbm>> -> memref<10000x128xf32, #tpu.memory_space<hbm>>
      tpu.enqueue_indirect_dma source(%dma_start3A_891 : memref<10000x128xf32, #tpu.memory_space<hbm>>) target(%dma_start3A_885 : memref<61x128xf32, #tpu.memory_space<vmem>>) offsets(%dma_start3A_888 : memref<61xi32, #tpu.memory_space<vmem>>) semaphore(%arg13 : memref<!tpu.dma_semaphore, #tpu.memory_space<semaphore_mem>>)
      %dma_wait3A_892 = arith.constant 6 : i32
      %dma_wait3A_893 = arith.constant 0 : i32
      %dma_wait3A_894 = arith.constant 0 : i32
      %dma_wait3A_895 = tpu.memref_slice %arg8[%dma_wait3A_893, %dma_wait3A_894] : memref<125x128xf32, #tpu.memory_space<vmem>> -> memref<64x128xf32, #tpu.memory_space<vmem>>
      %dma_wait3A_896 = arith.constant 0 : i32
      %dma_wait3A_897 = tpu.memref_slice %arg6[%dma_wait3A_892, %dma_wait3A_896] : memref<16x125xi32, #tpu.memory_space<vmem>> -> memref<1x64xi32, #tpu.memory_space<vmem>>
      %dma_wait3A_898 = tpu.memref_squeeze %dma_wait3A_897 : memref<1x64xi32, #tpu.memory_space<vmem>> -> memref<64xi32, #tpu.memory_space<vmem>>
      %dma_wait3A_899 = arith.constant 0 : i32
      %dma_wait3A_900 = arith.constant 0 : i32
      %dma_wait3A_901 = tpu.memref_slice %arg2[%dma_wait3A_899, %dma_wait3A_900] : memref<10000x128xf32, #tpu.memory_space<hbm>> -> memref<10000x128xf32, #tpu.memory_space<hbm>>
      tpu.wait_indirect_dma semaphore(%arg12 : memref<!tpu.dma_semaphore, #tpu.memory_space<semaphore_mem>>) src(%dma_wait3A_901 : memref<10000x128xf32, #tpu.memory_space<hbm>>) dst(%dma_wait3A_895 : memref<64x128xf32, #tpu.memory_space<vmem>>)
      %dma_wait3A_902 = arith.constant 6 : i32
      %dma_wait3A_903 = arith.constant 64 : i32
      %dma_wait3A_904 = arith.constant 0 : i32
      %dma_wait3A_905 = tpu.memref_slice %arg8[%dma_wait3A_903, %dma_wait3A_904] : memref<125x128xf32, #tpu.memory_space<vmem>> -> memref<61x128xf32, #tpu.memory_space<vmem>>
      %dma_wait3A_906 = arith.constant 64 : i32
      %dma_wait3A_907 = tpu.memref_slice %arg6[%dma_wait3A_902, %dma_wait3A_906] : memref<16x125xi32, #tpu.memory_space<vmem>> -> memref<1x61xi32, #tpu.memory_space<vmem>>
      %dma_wait3A_908 = tpu.memref_squeeze %dma_wait3A_907 : memref<1x61xi32, #tpu.memory_space<vmem>> -> memref<61xi32, #tpu.memory_space<vmem>>
      %dma_wait3A_909 = arith.constant 0 : i32
      %dma_wait3A_910 = arith.constant 0 : i32
      %dma_wait3A_911 = tpu.memref_slice %arg2[%dma_wait3A_909, %dma_wait3A_910] : memref<10000x128xf32, #tpu.memory_space<hbm>> -> memref<10000x128xf32, #tpu.memory_space<hbm>>
      tpu.wait_indirect_dma semaphore(%arg12 : memref<!tpu.dma_semaphore, #tpu.memory_space<semaphore_mem>>) src(%dma_wait3A_911 : memref<10000x128xf32, #tpu.memory_space<hbm>>) dst(%dma_wait3A_905 : memref<61x128xf32, #tpu.memory_space<vmem>>)
      %dma_start3A_912 = arith.constant 6 : i32
      %dma_start3A_913 = arith.constant 0 : i32
      %dma_start3A_914 = tpu.memref_slice %arg7[%dma_start3A_912, %dma_start3A_913] : memref<16x125xi32, #tpu.memory_space<vmem>> -> memref<1x125xi32, #tpu.memory_space<vmem>>
      %dma_start3A_915 = tpu.memref_squeeze %dma_start3A_914 : memref<1x125xi32, #tpu.memory_space<vmem>> -> memref<125xi32, #tpu.memory_space<vmem>>
      %dma_start3A_916 = arith.constant 0 : i32
      %dma_start3A_917 = arith.constant 0 : i32
      %dma_start3A_918 = tpu.memref_slice %arg11[%dma_start3A_916, %dma_start3A_917] : memref<10112x128xf32, #tpu.memory_space<vmem_shared>> -> memref<10112x128xf32, #tpu.memory_space<vmem_shared>>
      tpu.enqueue_indirect_dma source(%arg8 : memref<125x128xf32, #tpu.memory_space<vmem>>) target(%dma_start3A_918 : memref<10112x128xf32, #tpu.memory_space<vmem_shared>>) offsets(%dma_start3A_915 : memref<125xi32, #tpu.memory_space<vmem>>) semaphore(%arg14 : memref<!tpu.dma_semaphore, #tpu.memory_space<semaphore_mem>>) {add = true}
      %get3A_919 = arith.constant 6 : i32
      %get3A_920 = arith.index_cast %get3A_919 : i32 to index
      %get3A_921 = arith.constant 0 : index
      %get3A_922 = tpu.vector_load %arg7[%get3A_920, %get3A_921] {strides = array<i32>} : memref<16x125xi32, #tpu.memory_space<vmem>>, vector<16xi32>,
      tpu.vector_store_idx %arg10[%get3A_922], %broadcast_in_dim3A_5 {add = true} : memref<10112xf32, #tpu.memory_space<vmem>>[vector<16xi32>], vector<16xf32>,
      %get3A_923 = arith.constant 6 : i32
      %get3A_924 = arith.index_cast %get3A_923 : i32 to index
      %get3A_925 = arith.constant 16 : index
      %get3A_926 = tpu.vector_load %arg7[%get3A_924, %get3A_925] {strides = array<i32>} : memref<16x125xi32, #tpu.memory_space<vmem>>, vector<16xi32>,
      tpu.vector_store_idx %arg10[%get3A_926], %broadcast_in_dim3A_5 {add = true} : memref<10112xf32, #tpu.memory_space<vmem>>[vector<16xi32>], vector<16xf32>,
      %get3A_927 = arith.constant 6 : i32
      %get3A_928 = arith.index_cast %get3A_927 : i32 to index
      %get3A_929 = arith.constant 32 : index
      %get3A_930 = tpu.vector_load %arg7[%get3A_928, %get3A_929] {strides = array<i32>} : memref<16x125xi32, #tpu.memory_space<vmem>>, vector<16xi32>,
      tpu.vector_store_idx %arg10[%get3A_930], %broadcast_in_dim3A_5 {add = true} : memref<10112xf32, #tpu.memory_space<vmem>>[vector<16xi32>], vector<16xf32>,
      %get3A_931 = arith.constant 6 : i32
      %get3A_932 = arith.index_cast %get3A_931 : i32 to index
      %get3A_933 = arith.constant 48 : index
      %get3A_934 = tpu.vector_load %arg7[%get3A_932, %get3A_933] {strides = array<i32>} : memref<16x125xi32, #tpu.memory_space<vmem>>, vector<16xi32>,
      tpu.vector_store_idx %arg10[%get3A_934], %broadcast_in_dim3A_5 {add = true} : memref<10112xf32, #tpu.memory_space<vmem>>[vector<16xi32>], vector<16xf32>,
      %get3A_935 = arith.constant 6 : i32
      %get3A_936 = arith.index_cast %get3A_935 : i32 to index
      %get3A_937 = arith.constant 64 : index
      %get3A_938 = tpu.vector_load %arg7[%get3A_936, %get3A_937] {strides = array<i32>} : memref<16x125xi32, #tpu.memory_space<vmem>>, vector<16xi32>,
      tpu.vector_store_idx %arg10[%get3A_938], %broadcast_in_dim3A_5 {add = true} : memref<10112xf32, #tpu.memory_space<vmem>>[vector<16xi32>], vector<16xf32>,
      %get3A_939 = arith.constant 6 : i32
      %get3A_940 = arith.index_cast %get3A_939 : i32 to index
      %get3A_941 = arith.constant 80 : index
      %get3A_942 = tpu.vector_load %arg7[%get3A_940, %get3A_941] {strides = array<i32>} : memref<16x125xi32, #tpu.memory_space<vmem>>, vector<16xi32>,
      tpu.vector_store_idx %arg10[%get3A_942], %broadcast_in_dim3A_5 {add = true} : memref<10112xf32, #tpu.memory_space<vmem>>[vector<16xi32>], vector<16xf32>,
      %get3A_943 = arith.constant 6 : i32
      %get3A_944 = arith.index_cast %get3A_943 : i32 to index
      %get3A_945 = arith.constant 96 : index
      %get3A_946 = tpu.vector_load %arg7[%get3A_944, %get3A_945] {strides = array<i32>} : memref<16x125xi32, #tpu.memory_space<vmem>>, vector<16xi32>,
      tpu.vector_store_idx %arg10[%get3A_946], %broadcast_in_dim3A_5 {add = true} : memref<10112xf32, #tpu.memory_space<vmem>>[vector<16xi32>], vector<16xf32>,
      %get3A_947 = arith.constant 6 : i32
      %get3A_948 = arith.index_cast %get3A_947 : i32 to index
      %get3A_949 = arith.constant 109 : index
      %get3A_950 = tpu.vector_load %arg7[%get3A_948, %get3A_949] {strides = array<i32>} : memref<16x125xi32, #tpu.memory_space<vmem>>, vector<16xi32>,
      tpu.vector_store_idx %arg10[%get3A_950], %broadcast_in_dim3A_5 masked %ge3A_7 {add = true} : memref<10112xf32, #tpu.memory_space<vmem>>[vector<16xi32>], vector<16xf32>, vector<16xi1>
      %dma_wait3A_951 = arith.constant 6 : i32
      %dma_wait3A_952 = arith.constant 0 : i32
      %dma_wait3A_953 = tpu.memref_slice %arg7[%dma_wait3A_951, %dma_wait3A_952] : memref<16x125xi32, #tpu.memory_space<vmem>> -> memref<1x125xi32, #tpu.memory_space<vmem>>
      %dma_wait3A_954 = tpu.memref_squeeze %dma_wait3A_953 : memref<1x125xi32, #tpu.memory_space<vmem>> -> memref<125xi32, #tpu.memory_space<vmem>>
      %dma_wait3A_955 = arith.constant 0 : i32
      %dma_wait3A_956 = arith.constant 0 : i32
      %dma_wait3A_957 = tpu.memref_slice %arg11[%dma_wait3A_955, %dma_wait3A_956] : memref<10112x128xf32, #tpu.memory_space<vmem_shared>> -> memref<10112x128xf32, #tpu.memory_space<vmem_shared>>
      tpu.wait_indirect_dma semaphore(%arg14 : memref<!tpu.dma_semaphore, #tpu.memory_space<semaphore_mem>>) src(%arg8 : memref<125x128xf32, #tpu.memory_space<vmem>>) dst(%dma_wait3A_957 : memref<10112x128xf32, #tpu.memory_space<vmem_shared>>)
      %dma_start3A_958 = arith.constant 8 : i32
      %dma_start3A_959 = arith.constant 0 : i32
      %dma_start3A_960 = arith.constant 0 : i32
      %dma_start3A_961 = tpu.memref_slice %arg8[%dma_start3A_959, %dma_start3A_960] : memref<125x128xf32, #tpu.memory_space<vmem>> -> memref<64x128xf32, #tpu.memory_space<vmem>>
      %dma_start3A_962 = arith.constant 0 : i32
      %dma_start3A_963 = tpu.memref_slice %arg6[%dma_start3A_958, %dma_start3A_962] : memref<16x125xi32, #tpu.memory_space<vmem>> -> memref<1x64xi32, #tpu.memory_space<vmem>>
      %dma_start3A_964 = tpu.memref_squeeze %dma_start3A_963 : memref<1x64xi32, #tpu.memory_space<vmem>> -> memref<64xi32, #tpu.memory_space<vmem>>
      %dma_start3A_965 = arith.constant 0 : i32
      %dma_start3A_966 = arith.constant 0 : i32
      %dma_start3A_967 = tpu.memref_slice %arg2[%dma_start3A_965, %dma_start3A_966] : memref<10000x128xf32, #tpu.memory_space<hbm>> -> memref<10000x128xf32, #tpu.memory_space<hbm>>
      tpu.enqueue_indirect_dma source(%dma_start3A_967 : memref<10000x128xf32, #tpu.memory_space<hbm>>) target(%dma_start3A_961 : memref<64x128xf32, #tpu.memory_space<vmem>>) offsets(%dma_start3A_964 : memref<64xi32, #tpu.memory_space<vmem>>) semaphore(%arg12 : memref<!tpu.dma_semaphore, #tpu.memory_space<semaphore_mem>>)
      %dma_start3A_968 = arith.constant 8 : i32
      %dma_start3A_969 = arith.constant 64 : i32
      %dma_start3A_970 = arith.constant 0 : i32
      %dma_start3A_971 = tpu.memref_slice %arg8[%dma_start3A_969, %dma_start3A_970] : memref<125x128xf32, #tpu.memory_space<vmem>> -> memref<61x128xf32, #tpu.memory_space<vmem>>
      %dma_start3A_972 = arith.constant 64 : i32
      %dma_start3A_973 = tpu.memref_slice %arg6[%dma_start3A_968, %dma_start3A_972] : memref<16x125xi32, #tpu.memory_space<vmem>> -> memref<1x61xi32, #tpu.memory_space<vmem>>
      %dma_start3A_974 = tpu.memref_squeeze %dma_start3A_973 : memref<1x61xi32, #tpu.memory_space<vmem>> -> memref<61xi32, #tpu.memory_space<vmem>>
      %dma_start3A_975 = arith.constant 0 : i32
      %dma_start3A_976 = arith.constant 0 : i32
      %dma_start3A_977 = tpu.memref_slice %arg2[%dma_start3A_975, %dma_start3A_976] : memref<10000x128xf32, #tpu.memory_space<hbm>> -> memref<10000x128xf32, #tpu.memory_space<hbm>>
      tpu.enqueue_indirect_dma source(%dma_start3A_977 : memref<10000x128xf32, #tpu.memory_space<hbm>>) target(%dma_start3A_971 : memref<61x128xf32, #tpu.memory_space<vmem>>) offsets(%dma_start3A_974 : memref<61xi32, #tpu.memory_space<vmem>>) semaphore(%arg12 : memref<!tpu.dma_semaphore, #tpu.memory_space<semaphore_mem>>)
      %dma_wait3A_978 = arith.constant 7 : i32
      %dma_wait3A_979 = arith.constant 0 : i32
      %dma_wait3A_980 = arith.constant 0 : i32
      %dma_wait3A_981 = tpu.memref_slice %arg9[%dma_wait3A_979, %dma_wait3A_980] : memref<125x128xf32, #tpu.memory_space<vmem>> -> memref<64x128xf32, #tpu.memory_space<vmem>>
      %dma_wait3A_982 = arith.constant 0 : i32
      %dma_wait3A_983 = tpu.memref_slice %arg6[%dma_wait3A_978, %dma_wait3A_982] : memref<16x125xi32, #tpu.memory_space<vmem>> -> memref<1x64xi32, #tpu.memory_space<vmem>>
      %dma_wait3A_984 = tpu.memref_squeeze %dma_wait3A_983 : memref<1x64xi32, #tpu.memory_space<vmem>> -> memref<64xi32, #tpu.memory_space<vmem>>
      %dma_wait3A_985 = arith.constant 0 : i32
      %dma_wait3A_986 = arith.constant 0 : i32
      %dma_wait3A_987 = tpu.memref_slice %arg2[%dma_wait3A_985, %dma_wait3A_986] : memref<10000x128xf32, #tpu.memory_space<hbm>> -> memref<10000x128xf32, #tpu.memory_space<hbm>>
      tpu.wait_indirect_dma semaphore(%arg13 : memref<!tpu.dma_semaphore, #tpu.memory_space<semaphore_mem>>) src(%dma_wait3A_987 : memref<10000x128xf32, #tpu.memory_space<hbm>>) dst(%dma_wait3A_981 : memref<64x128xf32, #tpu.memory_space<vmem>>)
      %dma_wait3A_988 = arith.constant 7 : i32
      %dma_wait3A_989 = arith.constant 64 : i32
      %dma_wait3A_990 = arith.constant 0 : i32
      %dma_wait3A_991 = tpu.memref_slice %arg9[%dma_wait3A_989, %dma_wait3A_990] : memref<125x128xf32, #tpu.memory_space<vmem>> -> memref<61x128xf32, #tpu.memory_space<vmem>>
      %dma_wait3A_992 = arith.constant 64 : i32
      %dma_wait3A_993 = tpu.memref_slice %arg6[%dma_wait3A_988, %dma_wait3A_992] : memref<16x125xi32, #tpu.memory_space<vmem>> -> memref<1x61xi32, #tpu.memory_space<vmem>>
      %dma_wait3A_994 = tpu.memref_squeeze %dma_wait3A_993 : memref<1x61xi32, #tpu.memory_space<vmem>> -> memref<61xi32, #tpu.memory_space<vmem>>
      %dma_wait3A_995 = arith.constant 0 : i32
      %dma_wait3A_996 = arith.constant 0 : i32
      %dma_wait3A_997 = tpu.memref_slice %arg2[%dma_wait3A_995, %dma_wait3A_996] : memref<10000x128xf32, #tpu.memory_space<hbm>> -> memref<10000x128xf32, #tpu.memory_space<hbm>>
      tpu.wait_indirect_dma semaphore(%arg13 : memref<!tpu.dma_semaphore, #tpu.memory_space<semaphore_mem>>) src(%dma_wait3A_997 : memref<10000x128xf32, #tpu.memory_space<hbm>>) dst(%dma_wait3A_991 : memref<61x128xf32, #tpu.memory_space<vmem>>)
      %dma_start3A_998 = arith.constant 7 : i32
      %dma_start3A_999 = arith.constant 0 : i32
      %dma_start3A_1000 = tpu.memref_slice %arg7[%dma_start3A_998, %dma_start3A_999] : memref<16x125xi32, #tpu.memory_space<vmem>> -> memref<1x125xi32, #tpu.memory_space<vmem>>
      %dma_start3A_1001 = tpu.memref_squeeze %dma_start3A_1000 : memref<1x125xi32, #tpu.memory_space<vmem>> -> memref<125xi32, #tpu.memory_space<vmem>>
      %dma_start3A_1002 = arith.constant 0 : i32
      %dma_start3A_1003 = arith.constant 0 : i32
      %dma_start3A_1004 = tpu.memref_slice %arg11[%dma_start3A_1002, %dma_start3A_1003] : memref<10112x128xf32, #tpu.memory_space<vmem_shared>> -> memref<10112x128xf32, #tpu.memory_space<vmem_shared>>
      tpu.enqueue_indirect_dma source(%arg9 : memref<125x128xf32, #tpu.memory_space<vmem>>) target(%dma_start3A_1004 : memref<10112x128xf32, #tpu.memory_space<vmem_shared>>) offsets(%dma_start3A_1001 : memref<125xi32, #tpu.memory_space<vmem>>) semaphore(%arg15 : memref<!tpu.dma_semaphore, #tpu.memory_space<semaphore_mem>>) {add = true}
      %get3A_1005 = arith.constant 7 : i32
      %get3A_1006 = arith.index_cast %get3A_1005 : i32 to index
      %get3A_1007 = arith.constant 0 : index
      %get3A_1008 = tpu.vector_load %arg7[%get3A_1006, %get3A_1007] {strides = array<i32>} : memref<16x125xi32, #tpu.memory_space<vmem>>, vector<16xi32>,
      tpu.vector_store_idx %arg10[%get3A_1008], %broadcast_in_dim3A_5 {add = true} : memref<10112xf32, #tpu.memory_space<vmem>>[vector<16xi32>], vector<16xf32>,
      %get3A_1009 = arith.constant 7 : i32
      %get3A_1010 = arith.index_cast %get3A_1009 : i32 to index
      %get3A_1011 = arith.constant 16 : index
      %get3A_1012 = tpu.vector_load %arg7[%get3A_1010, %get3A_1011] {strides = array<i32>} : memref<16x125xi32, #tpu.memory_space<vmem>>, vector<16xi32>,
      tpu.vector_store_idx %arg10[%get3A_1012], %broadcast_in_dim3A_5 {add = true} : memref<10112xf32, #tpu.memory_space<vmem>>[vector<16xi32>], vector<16xf32>,
      %get3A_1013 = arith.constant 7 : i32
      %get3A_1014 = arith.index_cast %get3A_1013 : i32 to index
      %get3A_1015 = arith.constant 32 : index
      %get3A_1016 = tpu.vector_load %arg7[%get3A_1014, %get3A_1015] {strides = array<i32>} : memref<16x125xi32, #tpu.memory_space<vmem>>, vector<16xi32>,
      tpu.vector_store_idx %arg10[%get3A_1016], %broadcast_in_dim3A_5 {add = true} : memref<10112xf32, #tpu.memory_space<vmem>>[vector<16xi32>], vector<16xf32>,
      %get3A_1017 = arith.constant 7 : i32
      %get3A_1018 = arith.index_cast %get3A_1017 : i32 to index
      %get3A_1019 = arith.constant 48 : index
      %get3A_1020 = tpu.vector_load %arg7[%get3A_1018, %get3A_1019] {strides = array<i32>} : memref<16x125xi32, #tpu.memory_space<vmem>>, vector<16xi32>,
      tpu.vector_store_idx %arg10[%get3A_1020], %broadcast_in_dim3A_5 {add = true} : memref<10112xf32, #tpu.memory_space<vmem>>[vector<16xi32>], vector<16xf32>,
      %get3A_1021 = arith.constant 7 : i32
      %get3A_1022 = arith.index_cast %get3A_1021 : i32 to index
      %get3A_1023 = arith.constant 64 : index
      %get3A_1024 = tpu.vector_load %arg7[%get3A_1022, %get3A_1023] {strides = array<i32>} : memref<16x125xi32, #tpu.memory_space<vmem>>, vector<16xi32>,
      tpu.vector_store_idx %arg10[%get3A_1024], %broadcast_in_dim3A_5 {add = true} : memref<10112xf32, #tpu.memory_space<vmem>>[vector<16xi32>], vector<16xf32>,
      %get3A_1025 = arith.constant 7 : i32
      %get3A_1026 = arith.index_cast %get3A_1025 : i32 to index
      %get3A_1027 = arith.constant 80 : index
      %get3A_1028 = tpu.vector_load %arg7[%get3A_1026, %get3A_1027] {strides = array<i32>} : memref<16x125xi32, #tpu.memory_space<vmem>>, vector<16xi32>,
      tpu.vector_store_idx %arg10[%get3A_1028], %broadcast_in_dim3A_5 {add = true} : memref<10112xf32, #tpu.memory_space<vmem>>[vector<16xi32>], vector<16xf32>,
      %get3A_1029 = arith.constant 7 : i32
      %get3A_1030 = arith.index_cast %get3A_1029 : i32 to index
      %get3A_1031 = arith.constant 96 : index
      %get3A_1032 = tpu.vector_load %arg7[%get3A_1030, %get3A_1031] {strides = array<i32>} : memref<16x125xi32, #tpu.memory_space<vmem>>, vector<16xi32>,
      tpu.vector_store_idx %arg10[%get3A_1032], %broadcast_in_dim3A_5 {add = true} : memref<10112xf32, #tpu.memory_space<vmem>>[vector<16xi32>], vector<16xf32>,
      %get3A_1033 = arith.constant 7 : i32
      %get3A_1034 = arith.index_cast %get3A_1033 : i32 to index
      %get3A_1035 = arith.constant 109 : index
      %get3A_1036 = tpu.vector_load %arg7[%get3A_1034, %get3A_1035] {strides = array<i32>} : memref<16x125xi32, #tpu.memory_space<vmem>>, vector<16xi32>,
      tpu.vector_store_idx %arg10[%get3A_1036], %broadcast_in_dim3A_5 masked %ge3A_7 {add = true} : memref<10112xf32, #tpu.memory_space<vmem>>[vector<16xi32>], vector<16xf32>, vector<16xi1>
      %dma_wait3A_1037 = arith.constant 7 : i32
      %dma_wait3A_1038 = arith.constant 0 : i32
      %dma_wait3A_1039 = tpu.memref_slice %arg7[%dma_wait3A_1037, %dma_wait3A_1038] : memref<16x125xi32, #tpu.memory_space<vmem>> -> memref<1x125xi32, #tpu.memory_space<vmem>>
      %dma_wait3A_1040 = tpu.memref_squeeze %dma_wait3A_1039 : memref<1x125xi32, #tpu.memory_space<vmem>> -> memref<125xi32, #tpu.memory_space<vmem>>
      %dma_wait3A_1041 = arith.constant 0 : i32
      %dma_wait3A_1042 = arith.constant 0 : i32
      %dma_wait3A_1043 = tpu.memref_slice %arg11[%dma_wait3A_1041, %dma_wait3A_1042] : memref<10112x128xf32, #tpu.memory_space<vmem_shared>> -> memref<10112x128xf32, #tpu.memory_space<vmem_shared>>
      tpu.wait_indirect_dma semaphore(%arg15 : memref<!tpu.dma_semaphore, #tpu.memory_space<semaphore_mem>>) src(%arg9 : memref<125x128xf32, #tpu.memory_space<vmem>>) dst(%dma_wait3A_1043 : memref<10112x128xf32, #tpu.memory_space<vmem_shared>>)
      %dma_start3A_1044 = arith.constant 9 : i32
      %dma_start3A_1045 = arith.constant 0 : i32
      %dma_start3A_1046 = arith.constant 0 : i32
      %dma_start3A_1047 = tpu.memref_slice %arg9[%dma_start3A_1045, %dma_start3A_1046] : memref<125x128xf32, #tpu.memory_space<vmem>> -> memref<64x128xf32, #tpu.memory_space<vmem>>
      %dma_start3A_1048 = arith.constant 0 : i32
      %dma_start3A_1049 = tpu.memref_slice %arg6[%dma_start3A_1044, %dma_start3A_1048] : memref<16x125xi32, #tpu.memory_space<vmem>> -> memref<1x64xi32, #tpu.memory_space<vmem>>
      %dma_start3A_1050 = tpu.memref_squeeze %dma_start3A_1049 : memref<1x64xi32, #tpu.memory_space<vmem>> -> memref<64xi32, #tpu.memory_space<vmem>>
      %dma_start3A_1051 = arith.constant 0 : i32
      %dma_start3A_1052 = arith.constant 0 : i32
      %dma_start3A_1053 = tpu.memref_slice %arg2[%dma_start3A_1051, %dma_start3A_1052] : memref<10000x128xf32, #tpu.memory_space<hbm>> -> memref<10000x128xf32, #tpu.memory_space<hbm>>
      tpu.enqueue_indirect_dma source(%dma_start3A_1053 : memref<10000x128xf32, #tpu.memory_space<hbm>>) target(%dma_start3A_1047 : memref<64x128xf32, #tpu.memory_space<vmem>>) offsets(%dma_start3A_1050 : memref<64xi32, #tpu.memory_space<vmem>>) semaphore(%arg13 : memref<!tpu.dma_semaphore, #tpu.memory_space<semaphore_mem>>)
      %dma_start3A_1054 = arith.constant 9 : i32
      %dma_start3A_1055 = arith.constant 64 : i32
      %dma_start3A_1056 = arith.constant 0 : i32
      %dma_start3A_1057 = tpu.memref_slice %arg9[%dma_start3A_1055, %dma_start3A_1056] : memref<125x128xf32, #tpu.memory_space<vmem>> -> memref<61x128xf32, #tpu.memory_space<vmem>>
      %dma_start3A_1058 = arith.constant 64 : i32
      %dma_start3A_1059 = tpu.memref_slice %arg6[%dma_start3A_1054, %dma_start3A_1058] : memref<16x125xi32, #tpu.memory_space<vmem>> -> memref<1x61xi32, #tpu.memory_space<vmem>>
      %dma_start3A_1060 = tpu.memref_squeeze %dma_start3A_1059 : memref<1x61xi32, #tpu.memory_space<vmem>> -> memref<61xi32, #tpu.memory_space<vmem>>
      %dma_start3A_1061 = arith.constant 0 : i32
      %dma_start3A_1062 = arith.constant 0 : i32
      %dma_start3A_1063 = tpu.memref_slice %arg2[%dma_start3A_1061, %dma_start3A_1062] : memref<10000x128xf32, #tpu.memory_space<hbm>> -> memref<10000x128xf32, #tpu.memory_space<hbm>>
      tpu.enqueue_indirect_dma source(%dma_start3A_1063 : memref<10000x128xf32, #tpu.memory_space<hbm>>) target(%dma_start3A_1057 : memref<61x128xf32, #tpu.memory_space<vmem>>) offsets(%dma_start3A_1060 : memref<61xi32, #tpu.memory_space<vmem>>) semaphore(%arg13 : memref<!tpu.dma_semaphore, #tpu.memory_space<semaphore_mem>>)
      %dma_wait3A_1064 = arith.constant 8 : i32
      %dma_wait3A_1065 = arith.constant 0 : i32
      %dma_wait3A_1066 = arith.constant 0 : i32
      %dma_wait3A_1067 = tpu.memref_slice %arg8[%dma_wait3A_1065, %dma_wait3A_1066] : memref<125x128xf32, #tpu.memory_space<vmem>> -> memref<64x128xf32, #tpu.memory_space<vmem>>
      %dma_wait3A_1068 = arith.constant 0 : i32
      %dma_wait3A_1069 = tpu.memref_slice %arg6[%dma_wait3A_1064, %dma_wait3A_1068] : memref<16x125xi32, #tpu.memory_space<vmem>> -> memref<1x64xi32, #tpu.memory_space<vmem>>
      %dma_wait3A_1070 = tpu.memref_squeeze %dma_wait3A_1069 : memref<1x64xi32, #tpu.memory_space<vmem>> -> memref<64xi32, #tpu.memory_space<vmem>>
      %dma_wait3A_1071 = arith.constant 0 : i32
      %dma_wait3A_1072 = arith.constant 0 : i32
      %dma_wait3A_1073 = tpu.memref_slice %arg2[%dma_wait3A_1071, %dma_wait3A_1072] : memref<10000x128xf32, #tpu.memory_space<hbm>> -> memref<10000x128xf32, #tpu.memory_space<hbm>>
      tpu.wait_indirect_dma semaphore(%arg12 : memref<!tpu.dma_semaphore, #tpu.memory_space<semaphore_mem>>) src(%dma_wait3A_1073 : memref<10000x128xf32, #tpu.memory_space<hbm>>) dst(%dma_wait3A_1067 : memref<64x128xf32, #tpu.memory_space<vmem>>)
      %dma_wait3A_1074 = arith.constant 8 : i32
      %dma_wait3A_1075 = arith.constant 64 : i32
      %dma_wait3A_1076 = arith.constant 0 : i32
      %dma_wait3A_1077 = tpu.memref_slice %arg8[%dma_wait3A_1075, %dma_wait3A_1076] : memref<125x128xf32, #tpu.memory_space<vmem>> -> memref<61x128xf32, #tpu.memory_space<vmem>>
      %dma_wait3A_1078 = arith.constant 64 : i32
      %dma_wait3A_1079 = tpu.memref_slice %arg6[%dma_wait3A_1074, %dma_wait3A_1078] : memref<16x125xi32, #tpu.memory_space<vmem>> -> memref<1x61xi32, #tpu.memory_space<vmem>>
      %dma_wait3A_1080 = tpu.memref_squeeze %dma_wait3A_1079 : memref<1x61xi32, #tpu.memory_space<vmem>> -> memref<61xi32, #tpu.memory_space<vmem>>
      %dma_wait3A_1081 = arith.constant 0 : i32
      %dma_wait3A_1082 = arith.constant 0 : i32
      %dma_wait3A_1083 = tpu.memref_slice %arg2[%dma_wait3A_1081, %dma_wait3A_1082] : memref<10000x128xf32, #tpu.memory_space<hbm>> -> memref<10000x128xf32, #tpu.memory_space<hbm>>
      tpu.wait_indirect_dma semaphore(%arg12 : memref<!tpu.dma_semaphore, #tpu.memory_space<semaphore_mem>>) src(%dma_wait3A_1083 : memref<10000x128xf32, #tpu.memory_space<hbm>>) dst(%dma_wait3A_1077 : memref<61x128xf32, #tpu.memory_space<vmem>>)
      %dma_start3A_1084 = arith.constant 8 : i32
      %dma_start3A_1085 = arith.constant 0 : i32
      %dma_start3A_1086 = tpu.memref_slice %arg7[%dma_start3A_1084, %dma_start3A_1085] : memref<16x125xi32, #tpu.memory_space<vmem>> -> memref<1x125xi32, #tpu.memory_space<vmem>>
      %dma_start3A_1087 = tpu.memref_squeeze %dma_start3A_1086 : memref<1x125xi32, #tpu.memory_space<vmem>> -> memref<125xi32, #tpu.memory_space<vmem>>
      %dma_start3A_1088 = arith.constant 0 : i32
      %dma_start3A_1089 = arith.constant 0 : i32
      %dma_start3A_1090 = tpu.memref_slice %arg11[%dma_start3A_1088, %dma_start3A_1089] : memref<10112x128xf32, #tpu.memory_space<vmem_shared>> -> memref<10112x128xf32, #tpu.memory_space<vmem_shared>>
      tpu.enqueue_indirect_dma source(%arg8 : memref<125x128xf32, #tpu.memory_space<vmem>>) target(%dma_start3A_1090 : memref<10112x128xf32, #tpu.memory_space<vmem_shared>>) offsets(%dma_start3A_1087 : memref<125xi32, #tpu.memory_space<vmem>>) semaphore(%arg14 : memref<!tpu.dma_semaphore, #tpu.memory_space<semaphore_mem>>) {add = true}
      %not3A = arith.constant true
      %not3A_1091 = arith.xori %eq3A_293, %not3A : i1
      %convert_element_type3A = arith.extui %not3A_1091 : i1 to i32
      %cond3A = arith.constant 0 : i32
      %cond3A_1092 = arith.cmpi ne, %convert_element_type3A, %cond3A : i32
      scf.if %cond3A_1092 {
        %mul3A_1729 = arith.constant 80 : i32
        %mul3A_1730 = arith.muli %add3A, %mul3A_1729 : i32
        %add3A_1731 = arith.constant 1 : i32
        %add3A_1732 = arith.addi %scan3A_292, %add3A_1731 : i32
        %mul3A_1733 = arith.constant 16 : i32
        %mul3A_1734 = arith.muli %add3A_1732, %mul3A_1733 : i32
        %add3A_1735 = arith.addi %mul3A_1730, %mul3A_1734 : i32
        %dma_start3A_1736 = arith.constant 0 : i32
        %dma_start3A_1737 = arith.constant 0 : i32
        %dma_start3A_1738 = tpu.memref_slice %arg6[%dma_start3A_1736, %dma_start3A_1737] : memref<16x125xi32, #tpu.memory_space<vmem>> -> memref<8x125xi32, #tpu.memory_space<vmem>>
        %dma_start3A_1739 = arith.constant 0 : i32
        %dma_start3A_1740 = arith.constant 0 : i32
        %dma_start3A_1741 = tpu.memref_slice %arg3[%scan3A_262, %dma_start3A_1739, %dma_start3A_1740] : memref<2x2560x125xi32, #tpu.memory_space<hbm>> -> memref<1x2560x125xi32, #tpu.memory_space<hbm>>
        %dma_start3A_1742 = tpu.memref_squeeze %dma_start3A_1741 : memref<1x2560x125xi32, #tpu.memory_space<hbm>> -> memref<2560x125xi32, #tpu.memory_space<hbm>>
        %dma_start3A_1743 = arith.constant 0 : i32
        %dma_start3A_1744 = tpu.memref_slice %dma_start3A_1742[%add3A_1735, %dma_start3A_1743] : memref<2560x125xi32, #tpu.memory_space<hbm>> -> memref<8x125xi32, #tpu.memory_space<hbm>>
        %dma_start3A_1745 = arith.constant 0 : i32
        %dma_start3A_1746 = arith.constant 0 : i32
        %dma_start3A_1747 = tpu.memref_slice %arg6[%dma_start3A_1745, %dma_start3A_1746] : memref<16x125xi32, #tpu.memory_space<vmem>> -> memref<8x125xi32, #tpu.memory_space<vmem>>
        %dma_start3A_1748 = arith.constant 0 : i32
        %dma_start3A_1749 = arith.constant 0 : i32
        %dma_start3A_1750 = tpu.memref_slice %arg3[%scan3A_262, %dma_start3A_1748, %dma_start3A_1749] : memref<2x2560x125xi32, #tpu.memory_space<hbm>> -> memref<1x2560x125xi32, #tpu.memory_space<hbm>>
        %dma_start3A_1751 = tpu.memref_squeeze %dma_start3A_1750 : memref<1x2560x125xi32, #tpu.memory_space<hbm>> -> memref<2560x125xi32, #tpu.memory_space<hbm>>
        %dma_start3A_1752 = arith.constant 0 : i32
        %dma_start3A_1753 = tpu.memref_slice %dma_start3A_1751[%add3A_1735, %dma_start3A_1752] : memref<2560x125xi32, #tpu.memory_space<hbm>> -> memref<8x125xi32, #tpu.memory_space<hbm>>
        tpu.enqueue_dma source(%dma_start3A_1753 : memref<8x125xi32, #tpu.memory_space<hbm>>) target(%dma_start3A_1747 : memref<8x125xi32, #tpu.memory_space<vmem>>) target_semaphore(%arg16 : memref<!tpu.dma_semaphore, #tpu.memory_space<semaphore_mem>>)
        %dma_start3A_1754 = arith.constant 0 : i32
        %dma_start3A_1755 = arith.constant 0 : i32
        %dma_start3A_1756 = tpu.memref_slice %arg7[%dma_start3A_1754, %dma_start3A_1755] : memref<16x125xi32, #tpu.memory_space<vmem>> -> memref<8x125xi32, #tpu.memory_space<vmem>>
        %dma_start3A_1757 = arith.constant 0 : i32
        %dma_start3A_1758 = arith.constant 0 : i32
        %dma_start3A_1759 = tpu.memref_slice %arg3[%scan3A_263, %dma_start3A_1757, %dma_start3A_1758] : memref<2x2560x125xi32, #tpu.memory_space<hbm>> -> memref<1x2560x125xi32, #tpu.memory_space<hbm>>
        %dma_start3A_1760 = tpu.memref_squeeze %dma_start3A_1759 : memref<1x2560x125xi32, #tpu.memory_space<hbm>> -> memref<2560x125xi32, #tpu.memory_space<hbm>>
        %dma_start3A_1761 = arith.constant 0 : i32
        %dma_start3A_1762 = tpu.memref_slice %dma_start3A_1760[%add3A_1735, %dma_start3A_1761] : memref<2560x125xi32, #tpu.memory_space<hbm>> -> memref<8x125xi32, #tpu.memory_space<hbm>>
        %dma_start3A_1763 = arith.constant 0 : i32
        %dma_start3A_1764 = arith.constant 0 : i32
        %dma_start3A_1765 = tpu.memref_slice %arg7[%dma_start3A_1763, %dma_start3A_1764] : memref<16x125xi32, #tpu.memory_space<vmem>> -> memref<8x125xi32, #tpu.memory_space<vmem>>
        %dma_start3A_1766 = arith.constant 0 : i32
        %dma_start3A_1767 = arith.constant 0 : i32
        %dma_start3A_1768 = tpu.memref_slice %arg3[%scan3A_263, %dma_start3A_1766, %dma_start3A_1767] : memref<2x2560x125xi32, #tpu.memory_space<hbm>> -> memref<1x2560x125xi32, #tpu.memory_space<hbm>>
        %dma_start3A_1769 = tpu.memref_squeeze %dma_start3A_1768 : memref<1x2560x125xi32, #tpu.memory_space<hbm>> -> memref<2560x125xi32, #tpu.memory_space<hbm>>
        %dma_start3A_1770 = arith.constant 0 : i32
        %dma_start3A_1771 = tpu.memref_slice %dma_start3A_1769[%add3A_1735, %dma_start3A_1770] : memref<2560x125xi32, #tpu.memory_space<hbm>> -> memref<8x125xi32, #tpu.memory_space<hbm>>
        tpu.enqueue_dma source(%dma_start3A_1771 : memref<8x125xi32, #tpu.memory_space<hbm>>) target(%dma_start3A_1765 : memref<8x125xi32, #tpu.memory_space<vmem>>) target_semaphore(%arg16 : memref<!tpu.dma_semaphore, #tpu.memory_space<semaphore_mem>>)
      } else {
      }
      %get3A_1093 = arith.constant 8 : i32
      %get3A_1094 = arith.index_cast %get3A_1093 : i32 to index
      %get3A_1095 = arith.constant 0 : index
      %get3A_1096 = tpu.vector_load %arg7[%get3A_1094, %get3A_1095] {strides = array<i32>} : memref<16x125xi32, #tpu.memory_space<vmem>>, vector<16xi32>,
      tpu.vector_store_idx %arg10[%get3A_1096], %broadcast_in_dim3A_5 {add = true} : memref<10112xf32, #tpu.memory_space<vmem>>[vector<16xi32>], vector<16xf32>,
      %get3A_1097 = arith.constant 8 : i32
      %get3A_1098 = arith.index_cast %get3A_1097 : i32 to index
      %get3A_1099 = arith.constant 16 : index
      %get3A_1100 = tpu.vector_load %arg7[%get3A_1098, %get3A_1099] {strides = array<i32>} : memref<16x125xi32, #tpu.memory_space<vmem>>, vector<16xi32>,
      tpu.vector_store_idx %arg10[%get3A_1100], %broadcast_in_dim3A_5 {add = true} : memref<10112xf32, #tpu.memory_space<vmem>>[vector<16xi32>], vector<16xf32>,
      %get3A_1101 = arith.constant 8 : i32
      %get3A_1102 = arith.index_cast %get3A_1101 : i32 to index
      %get3A_1103 = arith.constant 32 : index
      %get3A_1104 = tpu.vector_load %arg7[%get3A_1102, %get3A_1103] {strides = array<i32>} : memref<16x125xi32, #tpu.memory_space<vmem>>, vector<16xi32>,
      tpu.vector_store_idx %arg10[%get3A_1104], %broadcast_in_dim3A_5 {add = true} : memref<10112xf32, #tpu.memory_space<vmem>>[vector<16xi32>], vector<16xf32>,
      %get3A_1105 = arith.constant 8 : i32
      %get3A_1106 = arith.index_cast %get3A_1105 : i32 to index
      %get3A_1107 = arith.constant 48 : index
      %get3A_1108 = tpu.vector_load %arg7[%get3A_1106, %get3A_1107] {strides = array<i32>} : memref<16x125xi32, #tpu.memory_space<vmem>>, vector<16xi32>,
      tpu.vector_store_idx %arg10[%get3A_1108], %broadcast_in_dim3A_5 {add = true} : memref<10112xf32, #tpu.memory_space<vmem>>[vector<16xi32>], vector<16xf32>,
      %get3A_1109 = arith.constant 8 : i32
      %get3A_1110 = arith.index_cast %get3A_1109 : i32 to index
      %get3A_1111 = arith.constant 64 : index
      %get3A_1112 = tpu.vector_load %arg7[%get3A_1110, %get3A_1111] {strides = array<i32>} : memref<16x125xi32, #tpu.memory_space<vmem>>, vector<16xi32>,
      tpu.vector_store_idx %arg10[%get3A_1112], %broadcast_in_dim3A_5 {add = true} : memref<10112xf32, #tpu.memory_space<vmem>>[vector<16xi32>], vector<16xf32>,
      %get3A_1113 = arith.constant 8 : i32
      %get3A_1114 = arith.index_cast %get3A_1113 : i32 to index
      %get3A_1115 = arith.constant 80 : index
      %get3A_1116 = tpu.vector_load %arg7[%get3A_1114, %get3A_1115] {strides = array<i32>} : memref<16x125xi32, #tpu.memory_space<vmem>>, vector<16xi32>,
      tpu.vector_store_idx %arg10[%get3A_1116], %broadcast_in_dim3A_5 {add = true} : memref<10112xf32, #tpu.memory_space<vmem>>[vector<16xi32>], vector<16xf32>,
      %get3A_1117 = arith.constant 8 : i32
      %get3A_1118 = arith.index_cast %get3A_1117 : i32 to index
      %get3A_1119 = arith.constant 96 : index
      %get3A_1120 = tpu.vector_load %arg7[%get3A_1118, %get3A_1119] {strides = array<i32>} : memref<16x125xi32, #tpu.memory_space<vmem>>, vector<16xi32>,
      tpu.vector_store_idx %arg10[%get3A_1120], %broadcast_in_dim3A_5 {add = true} : memref<10112xf32, #tpu.memory_space<vmem>>[vector<16xi32>], vector<16xf32>,
      %get3A_1121 = arith.constant 8 : i32
      %get3A_1122 = arith.index_cast %get3A_1121 : i32 to index
      %get3A_1123 = arith.constant 109 : index
      %get3A_1124 = tpu.vector_load %arg7[%get3A_1122, %get3A_1123] {strides = array<i32>} : memref<16x125xi32, #tpu.memory_space<vmem>>, vector<16xi32>,
      tpu.vector_store_idx %arg10[%get3A_1124], %broadcast_in_dim3A_5 masked %ge3A_7 {add = true} : memref<10112xf32, #tpu.memory_space<vmem>>[vector<16xi32>], vector<16xf32>, vector<16xi1>
      %dma_wait3A_1125 = arith.constant 8 : i32
      %dma_wait3A_1126 = arith.constant 0 : i32
      %dma_wait3A_1127 = tpu.memref_slice %arg7[%dma_wait3A_1125, %dma_wait3A_1126] : memref<16x125xi32, #tpu.memory_space<vmem>> -> memref<1x125xi32, #tpu.memory_space<vmem>>
      %dma_wait3A_1128 = tpu.memref_squeeze %dma_wait3A_1127 : memref<1x125xi32, #tpu.memory_space<vmem>> -> memref<125xi32, #tpu.memory_space<vmem>>
      %dma_wait3A_1129 = arith.constant 0 : i32
      %dma_wait3A_1130 = arith.constant 0 : i32
      %dma_wait3A_1131 = tpu.memref_slice %arg11[%dma_wait3A_1129, %dma_wait3A_1130] : memref<10112x128xf32, #tpu.memory_space<vmem_shared>> -> memref<10112x128xf32, #tpu.memory_space<vmem_shared>>
      tpu.wait_indirect_dma semaphore(%arg14 : memref<!tpu.dma_semaphore, #tpu.memory_space<semaphore_mem>>) src(%arg8 : memref<125x128xf32, #tpu.memory_space<vmem>>) dst(%dma_wait3A_1131 : memref<10112x128xf32, #tpu.memory_space<vmem_shared>>)
      %dma_start3A_1132 = arith.constant 10 : i32
      %dma_start3A_1133 = arith.constant 0 : i32
      %dma_start3A_1134 = arith.constant 0 : i32
      %dma_start3A_1135 = tpu.memref_slice %arg8[%dma_start3A_1133, %dma_start3A_1134] : memref<125x128xf32, #tpu.memory_space<vmem>> -> memref<64x128xf32, #tpu.memory_space<vmem>>
      %dma_start3A_1136 = arith.constant 0 : i32
      %dma_start3A_1137 = tpu.memref_slice %arg6[%dma_start3A_1132, %dma_start3A_1136] : memref<16x125xi32, #tpu.memory_space<vmem>> -> memref<1x64xi32, #tpu.memory_space<vmem>>
      %dma_start3A_1138 = tpu.memref_squeeze %dma_start3A_1137 : memref<1x64xi32, #tpu.memory_space<vmem>> -> memref<64xi32, #tpu.memory_space<vmem>>
      %dma_start3A_1139 = arith.constant 0 : i32
      %dma_start3A_1140 = arith.constant 0 : i32
      %dma_start3A_1141 = tpu.memref_slice %arg2[%dma_start3A_1139, %dma_start3A_1140] : memref<10000x128xf32, #tpu.memory_space<hbm>> -> memref<10000x128xf32, #tpu.memory_space<hbm>>
      tpu.enqueue_indirect_dma source(%dma_start3A_1141 : memref<10000x128xf32, #tpu.memory_space<hbm>>) target(%dma_start3A_1135 : memref<64x128xf32, #tpu.memory_space<vmem>>) offsets(%dma_start3A_1138 : memref<64xi32, #tpu.memory_space<vmem>>) semaphore(%arg12 : memref<!tpu.dma_semaphore, #tpu.memory_space<semaphore_mem>>)
      %dma_start3A_1142 = arith.constant 10 : i32
      %dma_start3A_1143 = arith.constant 64 : i32
      %dma_start3A_1144 = arith.constant 0 : i32
      %dma_start3A_1145 = tpu.memref_slice %arg8[%dma_start3A_1143, %dma_start3A_1144] : memref<125x128xf32, #tpu.memory_space<vmem>> -> memref<61x128xf32, #tpu.memory_space<vmem>>
      %dma_start3A_1146 = arith.constant 64 : i32
      %dma_start3A_1147 = tpu.memref_slice %arg6[%dma_start3A_1142, %dma_start3A_1146] : memref<16x125xi32, #tpu.memory_space<vmem>> -> memref<1x61xi32, #tpu.memory_space<vmem>>
      %dma_start3A_1148 = tpu.memref_squeeze %dma_start3A_1147 : memref<1x61xi32, #tpu.memory_space<vmem>> -> memref<61xi32, #tpu.memory_space<vmem>>
      %dma_start3A_1149 = arith.constant 0 : i32
      %dma_start3A_1150 = arith.constant 0 : i32
      %dma_start3A_1151 = tpu.memref_slice %arg2[%dma_start3A_1149, %dma_start3A_1150] : memref<10000x128xf32, #tpu.memory_space<hbm>> -> memref<10000x128xf32, #tpu.memory_space<hbm>>
      tpu.enqueue_indirect_dma source(%dma_start3A_1151 : memref<10000x128xf32, #tpu.memory_space<hbm>>) target(%dma_start3A_1145 : memref<61x128xf32, #tpu.memory_space<vmem>>) offsets(%dma_start3A_1148 : memref<61xi32, #tpu.memory_space<vmem>>) semaphore(%arg12 : memref<!tpu.dma_semaphore, #tpu.memory_space<semaphore_mem>>)
      %dma_wait3A_1152 = arith.constant 9 : i32
      %dma_wait3A_1153 = arith.constant 0 : i32
      %dma_wait3A_1154 = arith.constant 0 : i32
      %dma_wait3A_1155 = tpu.memref_slice %arg9[%dma_wait3A_1153, %dma_wait3A_1154] : memref<125x128xf32, #tpu.memory_space<vmem>> -> memref<64x128xf32, #tpu.memory_space<vmem>>
      %dma_wait3A_1156 = arith.constant 0 : i32
      %dma_wait3A_1157 = tpu.memref_slice %arg6[%dma_wait3A_1152, %dma_wait3A_1156] : memref<16x125xi32, #tpu.memory_space<vmem>> -> memref<1x64xi32, #tpu.memory_space<vmem>>
      %dma_wait3A_1158 = tpu.memref_squeeze %dma_wait3A_1157 : memref<1x64xi32, #tpu.memory_space<vmem>> -> memref<64xi32, #tpu.memory_space<vmem>>
      %dma_wait3A_1159 = arith.constant 0 : i32
      %dma_wait3A_1160 = arith.constant 0 : i32
      %dma_wait3A_1161 = tpu.memref_slice %arg2[%dma_wait3A_1159, %dma_wait3A_1160] : memref<10000x128xf32, #tpu.memory_space<hbm>> -> memref<10000x128xf32, #tpu.memory_space<hbm>>
      tpu.wait_indirect_dma semaphore(%arg13 : memref<!tpu.dma_semaphore, #tpu.memory_space<semaphore_mem>>) src(%dma_wait3A_1161 : memref<10000x128xf32, #tpu.memory_space<hbm>>) dst(%dma_wait3A_1155 : memref<64x128xf32, #tpu.memory_space<vmem>>)
      %dma_wait3A_1162 = arith.constant 9 : i32
      %dma_wait3A_1163 = arith.constant 64 : i32
      %dma_wait3A_1164 = arith.constant 0 : i32
      %dma_wait3A_1165 = tpu.memref_slice %arg9[%dma_wait3A_1163, %dma_wait3A_1164] : memref<125x128xf32, #tpu.memory_space<vmem>> -> memref<61x128xf32, #tpu.memory_space<vmem>>
      %dma_wait3A_1166 = arith.constant 64 : i32
      %dma_wait3A_1167 = tpu.memref_slice %arg6[%dma_wait3A_1162, %dma_wait3A_1166] : memref<16x125xi32, #tpu.memory_space<vmem>> -> memref<1x61xi32, #tpu.memory_space<vmem>>
      %dma_wait3A_1168 = tpu.memref_squeeze %dma_wait3A_1167 : memref<1x61xi32, #tpu.memory_space<vmem>> -> memref<61xi32, #tpu.memory_space<vmem>>
      %dma_wait3A_1169 = arith.constant 0 : i32
      %dma_wait3A_1170 = arith.constant 0 : i32
      %dma_wait3A_1171 = tpu.memref_slice %arg2[%dma_wait3A_1169, %dma_wait3A_1170] : memref<10000x128xf32, #tpu.memory_space<hbm>> -> memref<10000x128xf32, #tpu.memory_space<hbm>>
      tpu.wait_indirect_dma semaphore(%arg13 : memref<!tpu.dma_semaphore, #tpu.memory_space<semaphore_mem>>) src(%dma_wait3A_1171 : memref<10000x128xf32, #tpu.memory_space<hbm>>) dst(%dma_wait3A_1165 : memref<61x128xf32, #tpu.memory_space<vmem>>)
      %dma_start3A_1172 = arith.constant 9 : i32
      %dma_start3A_1173 = arith.constant 0 : i32
      %dma_start3A_1174 = tpu.memref_slice %arg7[%dma_start3A_1172, %dma_start3A_1173] : memref<16x125xi32, #tpu.memory_space<vmem>> -> memref<1x125xi32, #tpu.memory_space<vmem>>
      %dma_start3A_1175 = tpu.memref_squeeze %dma_start3A_1174 : memref<1x125xi32, #tpu.memory_space<vmem>> -> memref<125xi32, #tpu.memory_space<vmem>>
      %dma_start3A_1176 = arith.constant 0 : i32
      %dma_start3A_1177 = arith.constant 0 : i32
      %dma_start3A_1178 = tpu.memref_slice %arg11[%dma_start3A_1176, %dma_start3A_1177] : memref<10112x128xf32, #tpu.memory_space<vmem_shared>> -> memref<10112x128xf32, #tpu.memory_space<vmem_shared>>
      tpu.enqueue_indirect_dma source(%arg9 : memref<125x128xf32, #tpu.memory_space<vmem>>) target(%dma_start3A_1178 : memref<10112x128xf32, #tpu.memory_space<vmem_shared>>) offsets(%dma_start3A_1175 : memref<125xi32, #tpu.memory_space<vmem>>) semaphore(%arg15 : memref<!tpu.dma_semaphore, #tpu.memory_space<semaphore_mem>>) {add = true}
      %get3A_1179 = arith.constant 9 : i32
      %get3A_1180 = arith.index_cast %get3A_1179 : i32 to index
      %get3A_1181 = arith.constant 0 : index
      %get3A_1182 = tpu.vector_load %arg7[%get3A_1180, %get3A_1181] {strides = array<i32>} : memref<16x125xi32, #tpu.memory_space<vmem>>, vector<16xi32>,
      tpu.vector_store_idx %arg10[%get3A_1182], %broadcast_in_dim3A_5 {add = true} : memref<10112xf32, #tpu.memory_space<vmem>>[vector<16xi32>], vector<16xf32>,
      %get3A_1183 = arith.constant 9 : i32
      %get3A_1184 = arith.index_cast %get3A_1183 : i32 to index
      %get3A_1185 = arith.constant 16 : index
      %get3A_1186 = tpu.vector_load %arg7[%get3A_1184, %get3A_1185] {strides = array<i32>} : memref<16x125xi32, #tpu.memory_space<vmem>>, vector<16xi32>,
      tpu.vector_store_idx %arg10[%get3A_1186], %broadcast_in_dim3A_5 {add = true} : memref<10112xf32, #tpu.memory_space<vmem>>[vector<16xi32>], vector<16xf32>,
      %get3A_1187 = arith.constant 9 : i32
      %get3A_1188 = arith.index_cast %get3A_1187 : i32 to index
      %get3A_1189 = arith.constant 32 : index
      %get3A_1190 = tpu.vector_load %arg7[%get3A_1188, %get3A_1189] {strides = array<i32>} : memref<16x125xi32, #tpu.memory_space<vmem>>, vector<16xi32>,
      tpu.vector_store_idx %arg10[%get3A_1190], %broadcast_in_dim3A_5 {add = true} : memref<10112xf32, #tpu.memory_space<vmem>>[vector<16xi32>], vector<16xf32>,
      %get3A_1191 = arith.constant 9 : i32
      %get3A_1192 = arith.index_cast %get3A_1191 : i32 to index
      %get3A_1193 = arith.constant 48 : index
      %get3A_1194 = tpu.vector_load %arg7[%get3A_1192, %get3A_1193] {strides = array<i32>} : memref<16x125xi32, #tpu.memory_space<vmem>>, vector<16xi32>,
      tpu.vector_store_idx %arg10[%get3A_1194], %broadcast_in_dim3A_5 {add = true} : memref<10112xf32, #tpu.memory_space<vmem>>[vector<16xi32>], vector<16xf32>,
      %get3A_1195 = arith.constant 9 : i32
      %get3A_1196 = arith.index_cast %get3A_1195 : i32 to index
      %get3A_1197 = arith.constant 64 : index
      %get3A_1198 = tpu.vector_load %arg7[%get3A_1196, %get3A_1197] {strides = array<i32>} : memref<16x125xi32, #tpu.memory_space<vmem>>, vector<16xi32>,
      tpu.vector_store_idx %arg10[%get3A_1198], %broadcast_in_dim3A_5 {add = true} : memref<10112xf32, #tpu.memory_space<vmem>>[vector<16xi32>], vector<16xf32>,
      %get3A_1199 = arith.constant 9 : i32
      %get3A_1200 = arith.index_cast %get3A_1199 : i32 to index
      %get3A_1201 = arith.constant 80 : index
      %get3A_1202 = tpu.vector_load %arg7[%get3A_1200, %get3A_1201] {strides = array<i32>} : memref<16x125xi32, #tpu.memory_space<vmem>>, vector<16xi32>,
      tpu.vector_store_idx %arg10[%get3A_1202], %broadcast_in_dim3A_5 {add = true} : memref<10112xf32, #tpu.memory_space<vmem>>[vector<16xi32>], vector<16xf32>,
      %get3A_1203 = arith.constant 9 : i32
      %get3A_1204 = arith.index_cast %get3A_1203 : i32 to index
      %get3A_1205 = arith.constant 96 : index
      %get3A_1206 = tpu.vector_load %arg7[%get3A_1204, %get3A_1205] {strides = array<i32>} : memref<16x125xi32, #tpu.memory_space<vmem>>, vector<16xi32>,
      tpu.vector_store_idx %arg10[%get3A_1206], %broadcast_in_dim3A_5 {add = true} : memref<10112xf32, #tpu.memory_space<vmem>>[vector<16xi32>], vector<16xf32>,
      %get3A_1207 = arith.constant 9 : i32
      %get3A_1208 = arith.index_cast %get3A_1207 : i32 to index
      %get3A_1209 = arith.constant 109 : index
      %get3A_1210 = tpu.vector_load %arg7[%get3A_1208, %get3A_1209] {strides = array<i32>} : memref<16x125xi32, #tpu.memory_space<vmem>>, vector<16xi32>,
      tpu.vector_store_idx %arg10[%get3A_1210], %broadcast_in_dim3A_5 masked %ge3A_7 {add = true} : memref<10112xf32, #tpu.memory_space<vmem>>[vector<16xi32>], vector<16xf32>, vector<16xi1>
      %dma_wait3A_1211 = arith.constant 9 : i32
      %dma_wait3A_1212 = arith.constant 0 : i32
      %dma_wait3A_1213 = tpu.memref_slice %arg7[%dma_wait3A_1211, %dma_wait3A_1212] : memref<16x125xi32, #tpu.memory_space<vmem>> -> memref<1x125xi32, #tpu.memory_space<vmem>>
      %dma_wait3A_1214 = tpu.memref_squeeze %dma_wait3A_1213 : memref<1x125xi32, #tpu.memory_space<vmem>> -> memref<125xi32, #tpu.memory_space<vmem>>
      %dma_wait3A_1215 = arith.constant 0 : i32
      %dma_wait3A_1216 = arith.constant 0 : i32
      %dma_wait3A_1217 = tpu.memref_slice %arg11[%dma_wait3A_1215, %dma_wait3A_1216] : memref<10112x128xf32, #tpu.memory_space<vmem_shared>> -> memref<10112x128xf32, #tpu.memory_space<vmem_shared>>
      tpu.wait_indirect_dma semaphore(%arg15 : memref<!tpu.dma_semaphore, #tpu.memory_space<semaphore_mem>>) src(%arg9 : memref<125x128xf32, #tpu.memory_space<vmem>>) dst(%dma_wait3A_1217 : memref<10112x128xf32, #tpu.memory_space<vmem_shared>>)
      %dma_start3A_1218 = arith.constant 11 : i32
      %dma_start3A_1219 = arith.constant 0 : i32
      %dma_start3A_1220 = arith.constant 0 : i32
      %dma_start3A_1221 = tpu.memref_slice %arg9[%dma_start3A_1219, %dma_start3A_1220] : memref<125x128xf32, #tpu.memory_space<vmem>> -> memref<64x128xf32, #tpu.memory_space<vmem>>
      %dma_start3A_1222 = arith.constant 0 : i32
      %dma_start3A_1223 = tpu.memref_slice %arg6[%dma_start3A_1218, %dma_start3A_1222] : memref<16x125xi32, #tpu.memory_space<vmem>> -> memref<1x64xi32, #tpu.memory_space<vmem>>
      %dma_start3A_1224 = tpu.memref_squeeze %dma_start3A_1223 : memref<1x64xi32, #tpu.memory_space<vmem>> -> memref<64xi32, #tpu.memory_space<vmem>>
      %dma_start3A_1225 = arith.constant 0 : i32
      %dma_start3A_1226 = arith.constant 0 : i32
      %dma_start3A_1227 = tpu.memref_slice %arg2[%dma_start3A_1225, %dma_start3A_1226] : memref<10000x128xf32, #tpu.memory_space<hbm>> -> memref<10000x128xf32, #tpu.memory_space<hbm>>
      tpu.enqueue_indirect_dma source(%dma_start3A_1227 : memref<10000x128xf32, #tpu.memory_space<hbm>>) target(%dma_start3A_1221 : memref<64x128xf32, #tpu.memory_space<vmem>>) offsets(%dma_start3A_1224 : memref<64xi32, #tpu.memory_space<vmem>>) semaphore(%arg13 : memref<!tpu.dma_semaphore, #tpu.memory_space<semaphore_mem>>)
      %dma_start3A_1228 = arith.constant 11 : i32
      %dma_start3A_1229 = arith.constant 64 : i32
      %dma_start3A_1230 = arith.constant 0 : i32
      %dma_start3A_1231 = tpu.memref_slice %arg9[%dma_start3A_1229, %dma_start3A_1230] : memref<125x128xf32, #tpu.memory_space<vmem>> -> memref<61x128xf32, #tpu.memory_space<vmem>>
      %dma_start3A_1232 = arith.constant 64 : i32
      %dma_start3A_1233 = tpu.memref_slice %arg6[%dma_start3A_1228, %dma_start3A_1232] : memref<16x125xi32, #tpu.memory_space<vmem>> -> memref<1x61xi32, #tpu.memory_space<vmem>>
      %dma_start3A_1234 = tpu.memref_squeeze %dma_start3A_1233 : memref<1x61xi32, #tpu.memory_space<vmem>> -> memref<61xi32, #tpu.memory_space<vmem>>
      %dma_start3A_1235 = arith.constant 0 : i32
      %dma_start3A_1236 = arith.constant 0 : i32
      %dma_start3A_1237 = tpu.memref_slice %arg2[%dma_start3A_1235, %dma_start3A_1236] : memref<10000x128xf32, #tpu.memory_space<hbm>> -> memref<10000x128xf32, #tpu.memory_space<hbm>>
      tpu.enqueue_indirect_dma source(%dma_start3A_1237 : memref<10000x128xf32, #tpu.memory_space<hbm>>) target(%dma_start3A_1231 : memref<61x128xf32, #tpu.memory_space<vmem>>) offsets(%dma_start3A_1234 : memref<61xi32, #tpu.memory_space<vmem>>) semaphore(%arg13 : memref<!tpu.dma_semaphore, #tpu.memory_space<semaphore_mem>>)
      %dma_wait3A_1238 = arith.constant 10 : i32
      %dma_wait3A_1239 = arith.constant 0 : i32
      %dma_wait3A_1240 = arith.constant 0 : i32
      %dma_wait3A_1241 = tpu.memref_slice %arg8[%dma_wait3A_1239, %dma_wait3A_1240] : memref<125x128xf32, #tpu.memory_space<vmem>> -> memref<64x128xf32, #tpu.memory_space<vmem>>
      %dma_wait3A_1242 = arith.constant 0 : i32
      %dma_wait3A_1243 = tpu.memref_slice %arg6[%dma_wait3A_1238, %dma_wait3A_1242] : memref<16x125xi32, #tpu.memory_space<vmem>> -> memref<1x64xi32, #tpu.memory_space<vmem>>
      %dma_wait3A_1244 = tpu.memref_squeeze %dma_wait3A_1243 : memref<1x64xi32, #tpu.memory_space<vmem>> -> memref<64xi32, #tpu.memory_space<vmem>>
      %dma_wait3A_1245 = arith.constant 0 : i32
      %dma_wait3A_1246 = arith.constant 0 : i32
      %dma_wait3A_1247 = tpu.memref_slice %arg2[%dma_wait3A_1245, %dma_wait3A_1246] : memref<10000x128xf32, #tpu.memory_space<hbm>> -> memref<10000x128xf32, #tpu.memory_space<hbm>>
      tpu.wait_indirect_dma semaphore(%arg12 : memref<!tpu.dma_semaphore, #tpu.memory_space<semaphore_mem>>) src(%dma_wait3A_1247 : memref<10000x128xf32, #tpu.memory_space<hbm>>) dst(%dma_wait3A_1241 : memref<64x128xf32, #tpu.memory_space<vmem>>)
      %dma_wait3A_1248 = arith.constant 10 : i32
      %dma_wait3A_1249 = arith.constant 64 : i32
      %dma_wait3A_1250 = arith.constant 0 : i32
      %dma_wait3A_1251 = tpu.memref_slice %arg8[%dma_wait3A_1249, %dma_wait3A_1250] : memref<125x128xf32, #tpu.memory_space<vmem>> -> memref<61x128xf32, #tpu.memory_space<vmem>>
      %dma_wait3A_1252 = arith.constant 64 : i32
      %dma_wait3A_1253 = tpu.memref_slice %arg6[%dma_wait3A_1248, %dma_wait3A_1252] : memref<16x125xi32, #tpu.memory_space<vmem>> -> memref<1x61xi32, #tpu.memory_space<vmem>>
      %dma_wait3A_1254 = tpu.memref_squeeze %dma_wait3A_1253 : memref<1x61xi32, #tpu.memory_space<vmem>> -> memref<61xi32, #tpu.memory_space<vmem>>
      %dma_wait3A_1255 = arith.constant 0 : i32
      %dma_wait3A_1256 = arith.constant 0 : i32
      %dma_wait3A_1257 = tpu.memref_slice %arg2[%dma_wait3A_1255, %dma_wait3A_1256] : memref<10000x128xf32, #tpu.memory_space<hbm>> -> memref<10000x128xf32, #tpu.memory_space<hbm>>
      tpu.wait_indirect_dma semaphore(%arg12 : memref<!tpu.dma_semaphore, #tpu.memory_space<semaphore_mem>>) src(%dma_wait3A_1257 : memref<10000x128xf32, #tpu.memory_space<hbm>>) dst(%dma_wait3A_1251 : memref<61x128xf32, #tpu.memory_space<vmem>>)
      %dma_start3A_1258 = arith.constant 10 : i32
      %dma_start3A_1259 = arith.constant 0 : i32
      %dma_start3A_1260 = tpu.memref_slice %arg7[%dma_start3A_1258, %dma_start3A_1259] : memref<16x125xi32, #tpu.memory_space<vmem>> -> memref<1x125xi32, #tpu.memory_space<vmem>>
      %dma_start3A_1261 = tpu.memref_squeeze %dma_start3A_1260 : memref<1x125xi32, #tpu.memory_space<vmem>> -> memref<125xi32, #tpu.memory_space<vmem>>
      %dma_start3A_1262 = arith.constant 0 : i32
      %dma_start3A_1263 = arith.constant 0 : i32
      %dma_start3A_1264 = tpu.memref_slice %arg11[%dma_start3A_1262, %dma_start3A_1263] : memref<10112x128xf32, #tpu.memory_space<vmem_shared>> -> memref<10112x128xf32, #tpu.memory_space<vmem_shared>>
      tpu.enqueue_indirect_dma source(%arg8 : memref<125x128xf32, #tpu.memory_space<vmem>>) target(%dma_start3A_1264 : memref<10112x128xf32, #tpu.memory_space<vmem_shared>>) offsets(%dma_start3A_1261 : memref<125xi32, #tpu.memory_space<vmem>>) semaphore(%arg14 : memref<!tpu.dma_semaphore, #tpu.memory_space<semaphore_mem>>) {add = true}
      %get3A_1265 = arith.constant 10 : i32
      %get3A_1266 = arith.index_cast %get3A_1265 : i32 to index
      %get3A_1267 = arith.constant 0 : index
      %get3A_1268 = tpu.vector_load %arg7[%get3A_1266, %get3A_1267] {strides = array<i32>} : memref<16x125xi32, #tpu.memory_space<vmem>>, vector<16xi32>,
      tpu.vector_store_idx %arg10[%get3A_1268], %broadcast_in_dim3A_5 {add = true} : memref<10112xf32, #tpu.memory_space<vmem>>[vector<16xi32>], vector<16xf32>,
      %get3A_1269 = arith.constant 10 : i32
      %get3A_1270 = arith.index_cast %get3A_1269 : i32 to index
      %get3A_1271 = arith.constant 16 : index
      %get3A_1272 = tpu.vector_load %arg7[%get3A_1270, %get3A_1271] {strides = array<i32>} : memref<16x125xi32, #tpu.memory_space<vmem>>, vector<16xi32>,
      tpu.vector_store_idx %arg10[%get3A_1272], %broadcast_in_dim3A_5 {add = true} : memref<10112xf32, #tpu.memory_space<vmem>>[vector<16xi32>], vector<16xf32>,
      %get3A_1273 = arith.constant 10 : i32
      %get3A_1274 = arith.index_cast %get3A_1273 : i32 to index
      %get3A_1275 = arith.constant 32 : index
      %get3A_1276 = tpu.vector_load %arg7[%get3A_1274, %get3A_1275] {strides = array<i32>} : memref<16x125xi32, #tpu.memory_space<vmem>>, vector<16xi32>,
      tpu.vector_store_idx %arg10[%get3A_1276], %broadcast_in_dim3A_5 {add = true} : memref<10112xf32, #tpu.memory_space<vmem>>[vector<16xi32>], vector<16xf32>,
      %get3A_1277 = arith.constant 10 : i32
      %get3A_1278 = arith.index_cast %get3A_1277 : i32 to index
      %get3A_1279 = arith.constant 48 : index
      %get3A_1280 = tpu.vector_load %arg7[%get3A_1278, %get3A_1279] {strides = array<i32>} : memref<16x125xi32, #tpu.memory_space<vmem>>, vector<16xi32>,
      tpu.vector_store_idx %arg10[%get3A_1280], %broadcast_in_dim3A_5 {add = true} : memref<10112xf32, #tpu.memory_space<vmem>>[vector<16xi32>], vector<16xf32>,
      %get3A_1281 = arith.constant 10 : i32
      %get3A_1282 = arith.index_cast %get3A_1281 : i32 to index
      %get3A_1283 = arith.constant 64 : index
      %get3A_1284 = tpu.vector_load %arg7[%get3A_1282, %get3A_1283] {strides = array<i32>} : memref<16x125xi32, #tpu.memory_space<vmem>>, vector<16xi32>,
      tpu.vector_store_idx %arg10[%get3A_1284], %broadcast_in_dim3A_5 {add = true} : memref<10112xf32, #tpu.memory_space<vmem>>[vector<16xi32>], vector<16xf32>,
      %get3A_1285 = arith.constant 10 : i32
      %get3A_1286 = arith.index_cast %get3A_1285 : i32 to index
      %get3A_1287 = arith.constant 80 : index
      %get3A_1288 = tpu.vector_load %arg7[%get3A_1286, %get3A_1287] {strides = array<i32>} : memref<16x125xi32, #tpu.memory_space<vmem>>, vector<16xi32>,
      tpu.vector_store_idx %arg10[%get3A_1288], %broadcast_in_dim3A_5 {add = true} : memref<10112xf32, #tpu.memory_space<vmem>>[vector<16xi32>], vector<16xf32>,
      %get3A_1289 = arith.constant 10 : i32
      %get3A_1290 = arith.index_cast %get3A_1289 : i32 to index
      %get3A_1291 = arith.constant 96 : index
      %get3A_1292 = tpu.vector_load %arg7[%get3A_1290, %get3A_1291] {strides = array<i32>} : memref<16x125xi32, #tpu.memory_space<vmem>>, vector<16xi32>,
      tpu.vector_store_idx %arg10[%get3A_1292], %broadcast_in_dim3A_5 {add = true} : memref<10112xf32, #tpu.memory_space<vmem>>[vector<16xi32>], vector<16xf32>,
      %get3A_1293 = arith.constant 10 : i32
      %get3A_1294 = arith.index_cast %get3A_1293 : i32 to index
      %get3A_1295 = arith.constant 109 : index
      %get3A_1296 = tpu.vector_load %arg7[%get3A_1294, %get3A_1295] {strides = array<i32>} : memref<16x125xi32, #tpu.memory_space<vmem>>, vector<16xi32>,
      tpu.vector_store_idx %arg10[%get3A_1296], %broadcast_in_dim3A_5 masked %ge3A_7 {add = true} : memref<10112xf32, #tpu.memory_space<vmem>>[vector<16xi32>], vector<16xf32>, vector<16xi1>
      %dma_wait3A_1297 = arith.constant 10 : i32
      %dma_wait3A_1298 = arith.constant 0 : i32
      %dma_wait3A_1299 = tpu.memref_slice %arg7[%dma_wait3A_1297, %dma_wait3A_1298] : memref<16x125xi32, #tpu.memory_space<vmem>> -> memref<1x125xi32, #tpu.memory_space<vmem>>
      %dma_wait3A_1300 = tpu.memref_squeeze %dma_wait3A_1299 : memref<1x125xi32, #tpu.memory_space<vmem>> -> memref<125xi32, #tpu.memory_space<vmem>>
      %dma_wait3A_1301 = arith.constant 0 : i32
      %dma_wait3A_1302 = arith.constant 0 : i32
      %dma_wait3A_1303 = tpu.memref_slice %arg11[%dma_wait3A_1301, %dma_wait3A_1302] : memref<10112x128xf32, #tpu.memory_space<vmem_shared>> -> memref<10112x128xf32, #tpu.memory_space<vmem_shared>>
      tpu.wait_indirect_dma semaphore(%arg14 : memref<!tpu.dma_semaphore, #tpu.memory_space<semaphore_mem>>) src(%arg8 : memref<125x128xf32, #tpu.memory_space<vmem>>) dst(%dma_wait3A_1303 : memref<10112x128xf32, #tpu.memory_space<vmem_shared>>)
      %dma_start3A_1304 = arith.constant 12 : i32
      %dma_start3A_1305 = arith.constant 0 : i32
      %dma_start3A_1306 = arith.constant 0 : i32
      %dma_start3A_1307 = tpu.memref_slice %arg8[%dma_start3A_1305, %dma_start3A_1306] : memref<125x128xf32, #tpu.memory_space<vmem>> -> memref<64x128xf32, #tpu.memory_space<vmem>>
      %dma_start3A_1308 = arith.constant 0 : i32
      %dma_start3A_1309 = tpu.memref_slice %arg6[%dma_start3A_1304, %dma_start3A_1308] : memref<16x125xi32, #tpu.memory_space<vmem>> -> memref<1x64xi32, #tpu.memory_space<vmem>>
      %dma_start3A_1310 = tpu.memref_squeeze %dma_start3A_1309 : memref<1x64xi32, #tpu.memory_space<vmem>> -> memref<64xi32, #tpu.memory_space<vmem>>
      %dma_start3A_1311 = arith.constant 0 : i32
      %dma_start3A_1312 = arith.constant 0 : i32
      %dma_start3A_1313 = tpu.memref_slice %arg2[%dma_start3A_1311, %dma_start3A_1312] : memref<10000x128xf32, #tpu.memory_space<hbm>> -> memref<10000x128xf32, #tpu.memory_space<hbm>>
      tpu.enqueue_indirect_dma source(%dma_start3A_1313 : memref<10000x128xf32, #tpu.memory_space<hbm>>) target(%dma_start3A_1307 : memref<64x128xf32, #tpu.memory_space<vmem>>) offsets(%dma_start3A_1310 : memref<64xi32, #tpu.memory_space<vmem>>) semaphore(%arg12 : memref<!tpu.dma_semaphore, #tpu.memory_space<semaphore_mem>>)
      %dma_start3A_1314 = arith.constant 12 : i32
      %dma_start3A_1315 = arith.constant 64 : i32
      %dma_start3A_1316 = arith.constant 0 : i32
      %dma_start3A_1317 = tpu.memref_slice %arg8[%dma_start3A_1315, %dma_start3A_1316] : memref<125x128xf32, #tpu.memory_space<vmem>> -> memref<61x128xf32, #tpu.memory_space<vmem>>
      %dma_start3A_1318 = arith.constant 64 : i32
      %dma_start3A_1319 = tpu.memref_slice %arg6[%dma_start3A_1314, %dma_start3A_1318] : memref<16x125xi32, #tpu.memory_space<vmem>> -> memref<1x61xi32, #tpu.memory_space<vmem>>
      %dma_start3A_1320 = tpu.memref_squeeze %dma_start3A_1319 : memref<1x61xi32, #tpu.memory_space<vmem>> -> memref<61xi32, #tpu.memory_space<vmem>>
      %dma_start3A_1321 = arith.constant 0 : i32
      %dma_start3A_1322 = arith.constant 0 : i32
      %dma_start3A_1323 = tpu.memref_slice %arg2[%dma_start3A_1321, %dma_start3A_1322] : memref<10000x128xf32, #tpu.memory_space<hbm>> -> memref<10000x128xf32, #tpu.memory_space<hbm>>
      tpu.enqueue_indirect_dma source(%dma_start3A_1323 : memref<10000x128xf32, #tpu.memory_space<hbm>>) target(%dma_start3A_1317 : memref<61x128xf32, #tpu.memory_space<vmem>>) offsets(%dma_start3A_1320 : memref<61xi32, #tpu.memory_space<vmem>>) semaphore(%arg12 : memref<!tpu.dma_semaphore, #tpu.memory_space<semaphore_mem>>)
      %dma_wait3A_1324 = arith.constant 11 : i32
      %dma_wait3A_1325 = arith.constant 0 : i32
      %dma_wait3A_1326 = arith.constant 0 : i32
      %dma_wait3A_1327 = tpu.memref_slice %arg9[%dma_wait3A_1325, %dma_wait3A_1326] : memref<125x128xf32, #tpu.memory_space<vmem>> -> memref<64x128xf32, #tpu.memory_space<vmem>>
      %dma_wait3A_1328 = arith.constant 0 : i32
      %dma_wait3A_1329 = tpu.memref_slice %arg6[%dma_wait3A_1324, %dma_wait3A_1328] : memref<16x125xi32, #tpu.memory_space<vmem>> -> memref<1x64xi32, #tpu.memory_space<vmem>>
      %dma_wait3A_1330 = tpu.memref_squeeze %dma_wait3A_1329 : memref<1x64xi32, #tpu.memory_space<vmem>> -> memref<64xi32, #tpu.memory_space<vmem>>
      %dma_wait3A_1331 = arith.constant 0 : i32
      %dma_wait3A_1332 = arith.constant 0 : i32
      %dma_wait3A_1333 = tpu.memref_slice %arg2[%dma_wait3A_1331, %dma_wait3A_1332] : memref<10000x128xf32, #tpu.memory_space<hbm>> -> memref<10000x128xf32, #tpu.memory_space<hbm>>
      tpu.wait_indirect_dma semaphore(%arg13 : memref<!tpu.dma_semaphore, #tpu.memory_space<semaphore_mem>>) src(%dma_wait3A_1333 : memref<10000x128xf32, #tpu.memory_space<hbm>>) dst(%dma_wait3A_1327 : memref<64x128xf32, #tpu.memory_space<vmem>>)
      %dma_wait3A_1334 = arith.constant 11 : i32
      %dma_wait3A_1335 = arith.constant 64 : i32
      %dma_wait3A_1336 = arith.constant 0 : i32
      %dma_wait3A_1337 = tpu.memref_slice %arg9[%dma_wait3A_1335, %dma_wait3A_1336] : memref<125x128xf32, #tpu.memory_space<vmem>> -> memref<61x128xf32, #tpu.memory_space<vmem>>
      %dma_wait3A_1338 = arith.constant 64 : i32
      %dma_wait3A_1339 = tpu.memref_slice %arg6[%dma_wait3A_1334, %dma_wait3A_1338] : memref<16x125xi32, #tpu.memory_space<vmem>> -> memref<1x61xi32, #tpu.memory_space<vmem>>
      %dma_wait3A_1340 = tpu.memref_squeeze %dma_wait3A_1339 : memref<1x61xi32, #tpu.memory_space<vmem>> -> memref<61xi32, #tpu.memory_space<vmem>>
      %dma_wait3A_1341 = arith.constant 0 : i32
      %dma_wait3A_1342 = arith.constant 0 : i32
      %dma_wait3A_1343 = tpu.memref_slice %arg2[%dma_wait3A_1341, %dma_wait3A_1342] : memref<10000x128xf32, #tpu.memory_space<hbm>> -> memref<10000x128xf32, #tpu.memory_space<hbm>>
      tpu.wait_indirect_dma semaphore(%arg13 : memref<!tpu.dma_semaphore, #tpu.memory_space<semaphore_mem>>) src(%dma_wait3A_1343 : memref<10000x128xf32, #tpu.memory_space<hbm>>) dst(%dma_wait3A_1337 : memref<61x128xf32, #tpu.memory_space<vmem>>)
      %dma_start3A_1344 = arith.constant 11 : i32
      %dma_start3A_1345 = arith.constant 0 : i32
      %dma_start3A_1346 = tpu.memref_slice %arg7[%dma_start3A_1344, %dma_start3A_1345] : memref<16x125xi32, #tpu.memory_space<vmem>> -> memref<1x125xi32, #tpu.memory_space<vmem>>
      %dma_start3A_1347 = tpu.memref_squeeze %dma_start3A_1346 : memref<1x125xi32, #tpu.memory_space<vmem>> -> memref<125xi32, #tpu.memory_space<vmem>>
      %dma_start3A_1348 = arith.constant 0 : i32
      %dma_start3A_1349 = arith.constant 0 : i32
      %dma_start3A_1350 = tpu.memref_slice %arg11[%dma_start3A_1348, %dma_start3A_1349] : memref<10112x128xf32, #tpu.memory_space<vmem_shared>> -> memref<10112x128xf32, #tpu.memory_space<vmem_shared>>
      tpu.enqueue_indirect_dma source(%arg9 : memref<125x128xf32, #tpu.memory_space<vmem>>) target(%dma_start3A_1350 : memref<10112x128xf32, #tpu.memory_space<vmem_shared>>) offsets(%dma_start3A_1347 : memref<125xi32, #tpu.memory_space<vmem>>) semaphore(%arg15 : memref<!tpu.dma_semaphore, #tpu.memory_space<semaphore_mem>>) {add = true}
      %get3A_1351 = arith.constant 11 : i32
      %get3A_1352 = arith.index_cast %get3A_1351 : i32 to index
      %get3A_1353 = arith.constant 0 : index
      %get3A_1354 = tpu.vector_load %arg7[%get3A_1352, %get3A_1353] {strides = array<i32>} : memref<16x125xi32, #tpu.memory_space<vmem>>, vector<16xi32>,
      tpu.vector_store_idx %arg10[%get3A_1354], %broadcast_in_dim3A_5 {add = true} : memref<10112xf32, #tpu.memory_space<vmem>>[vector<16xi32>], vector<16xf32>,
      %get3A_1355 = arith.constant 11 : i32
      %get3A_1356 = arith.index_cast %get3A_1355 : i32 to index
      %get3A_1357 = arith.constant 16 : index
      %get3A_1358 = tpu.vector_load %arg7[%get3A_1356, %get3A_1357] {strides = array<i32>} : memref<16x125xi32, #tpu.memory_space<vmem>>, vector<16xi32>,
      tpu.vector_store_idx %arg10[%get3A_1358], %broadcast_in_dim3A_5 {add = true} : memref<10112xf32, #tpu.memory_space<vmem>>[vector<16xi32>], vector<16xf32>,
      %get3A_1359 = arith.constant 11 : i32
      %get3A_1360 = arith.index_cast %get3A_1359 : i32 to index
      %get3A_1361 = arith.constant 32 : index
      %get3A_1362 = tpu.vector_load %arg7[%get3A_1360, %get3A_1361] {strides = array<i32>} : memref<16x125xi32, #tpu.memory_space<vmem>>, vector<16xi32>,
      tpu.vector_store_idx %arg10[%get3A_1362], %broadcast_in_dim3A_5 {add = true} : memref<10112xf32, #tpu.memory_space<vmem>>[vector<16xi32>], vector<16xf32>,
      %get3A_1363 = arith.constant 11 : i32
      %get3A_1364 = arith.index_cast %get3A_1363 : i32 to index
      %get3A_1365 = arith.constant 48 : index
      %get3A_1366 = tpu.vector_load %arg7[%get3A_1364, %get3A_1365] {strides = array<i32>} : memref<16x125xi32, #tpu.memory_space<vmem>>, vector<16xi32>,
      tpu.vector_store_idx %arg10[%get3A_1366], %broadcast_in_dim3A_5 {add = true} : memref<10112xf32, #tpu.memory_space<vmem>>[vector<16xi32>], vector<16xf32>,
      %get3A_1367 = arith.constant 11 : i32
      %get3A_1368 = arith.index_cast %get3A_1367 : i32 to index
      %get3A_1369 = arith.constant 64 : index
      %get3A_1370 = tpu.vector_load %arg7[%get3A_1368, %get3A_1369] {strides = array<i32>} : memref<16x125xi32, #tpu.memory_space<vmem>>, vector<16xi32>,
      tpu.vector_store_idx %arg10[%get3A_1370], %broadcast_in_dim3A_5 {add = true} : memref<10112xf32, #tpu.memory_space<vmem>>[vector<16xi32>], vector<16xf32>,
      %get3A_1371 = arith.constant 11 : i32
      %get3A_1372 = arith.index_cast %get3A_1371 : i32 to index
      %get3A_1373 = arith.constant 80 : index
      %get3A_1374 = tpu.vector_load %arg7[%get3A_1372, %get3A_1373] {strides = array<i32>} : memref<16x125xi32, #tpu.memory_space<vmem>>, vector<16xi32>,
      tpu.vector_store_idx %arg10[%get3A_1374], %broadcast_in_dim3A_5 {add = true} : memref<10112xf32, #tpu.memory_space<vmem>>[vector<16xi32>], vector<16xf32>,
      %get3A_1375 = arith.constant 11 : i32
      %get3A_1376 = arith.index_cast %get3A_1375 : i32 to index
      %get3A_1377 = arith.constant 96 : index
      %get3A_1378 = tpu.vector_load %arg7[%get3A_1376, %get3A_1377] {strides = array<i32>} : memref<16x125xi32, #tpu.memory_space<vmem>>, vector<16xi32>,
      tpu.vector_store_idx %arg10[%get3A_1378], %broadcast_in_dim3A_5 {add = true} : memref<10112xf32, #tpu.memory_space<vmem>>[vector<16xi32>], vector<16xf32>,
      %get3A_1379 = arith.constant 11 : i32
      %get3A_1380 = arith.index_cast %get3A_1379 : i32 to index
      %get3A_1381 = arith.constant 109 : index
      %get3A_1382 = tpu.vector_load %arg7[%get3A_1380, %get3A_1381] {strides = array<i32>} : memref<16x125xi32, #tpu.memory_space<vmem>>, vector<16xi32>,
      tpu.vector_store_idx %arg10[%get3A_1382], %broadcast_in_dim3A_5 masked %ge3A_7 {add = true} : memref<10112xf32, #tpu.memory_space<vmem>>[vector<16xi32>], vector<16xf32>, vector<16xi1>
      %dma_wait3A_1383 = arith.constant 11 : i32
      %dma_wait3A_1384 = arith.constant 0 : i32
      %dma_wait3A_1385 = tpu.memref_slice %arg7[%dma_wait3A_1383, %dma_wait3A_1384] : memref<16x125xi32, #tpu.memory_space<vmem>> -> memref<1x125xi32, #tpu.memory_space<vmem>>
      %dma_wait3A_1386 = tpu.memref_squeeze %dma_wait3A_1385 : memref<1x125xi32, #tpu.memory_space<vmem>> -> memref<125xi32, #tpu.memory_space<vmem>>
      %dma_wait3A_1387 = arith.constant 0 : i32
      %dma_wait3A_1388 = arith.constant 0 : i32
      %dma_wait3A_1389 = tpu.memref_slice %arg11[%dma_wait3A_1387, %dma_wait3A_1388] : memref<10112x128xf32, #tpu.memory_space<vmem_shared>> -> memref<10112x128xf32, #tpu.memory_space<vmem_shared>>
      tpu.wait_indirect_dma semaphore(%arg15 : memref<!tpu.dma_semaphore, #tpu.memory_space<semaphore_mem>>) src(%arg9 : memref<125x128xf32, #tpu.memory_space<vmem>>) dst(%dma_wait3A_1389 : memref<10112x128xf32, #tpu.memory_space<vmem_shared>>)
      %dma_start3A_1390 = arith.constant 13 : i32
      %dma_start3A_1391 = arith.constant 0 : i32
      %dma_start3A_1392 = arith.constant 0 : i32
      %dma_start3A_1393 = tpu.memref_slice %arg9[%dma_start3A_1391, %dma_start3A_1392] : memref<125x128xf32, #tpu.memory_space<vmem>> -> memref<64x128xf32, #tpu.memory_space<vmem>>
      %dma_start3A_1394 = arith.constant 0 : i32
      %dma_start3A_1395 = tpu.memref_slice %arg6[%dma_start3A_1390, %dma_start3A_1394] : memref<16x125xi32, #tpu.memory_space<vmem>> -> memref<1x64xi32, #tpu.memory_space<vmem>>
      %dma_start3A_1396 = tpu.memref_squeeze %dma_start3A_1395 : memref<1x64xi32, #tpu.memory_space<vmem>> -> memref<64xi32, #tpu.memory_space<vmem>>
      %dma_start3A_1397 = arith.constant 0 : i32
      %dma_start3A_1398 = arith.constant 0 : i32
      %dma_start3A_1399 = tpu.memref_slice %arg2[%dma_start3A_1397, %dma_start3A_1398] : memref<10000x128xf32, #tpu.memory_space<hbm>> -> memref<10000x128xf32, #tpu.memory_space<hbm>>
      tpu.enqueue_indirect_dma source(%dma_start3A_1399 : memref<10000x128xf32, #tpu.memory_space<hbm>>) target(%dma_start3A_1393 : memref<64x128xf32, #tpu.memory_space<vmem>>) offsets(%dma_start3A_1396 : memref<64xi32, #tpu.memory_space<vmem>>) semaphore(%arg13 : memref<!tpu.dma_semaphore, #tpu.memory_space<semaphore_mem>>)
      %dma_start3A_1400 = arith.constant 13 : i32
      %dma_start3A_1401 = arith.constant 64 : i32
      %dma_start3A_1402 = arith.constant 0 : i32
      %dma_start3A_1403 = tpu.memref_slice %arg9[%dma_start3A_1401, %dma_start3A_1402] : memref<125x128xf32, #tpu.memory_space<vmem>> -> memref<61x128xf32, #tpu.memory_space<vmem>>
      %dma_start3A_1404 = arith.constant 64 : i32
      %dma_start3A_1405 = tpu.memref_slice %arg6[%dma_start3A_1400, %dma_start3A_1404] : memref<16x125xi32, #tpu.memory_space<vmem>> -> memref<1x61xi32, #tpu.memory_space<vmem>>
      %dma_start3A_1406 = tpu.memref_squeeze %dma_start3A_1405 : memref<1x61xi32, #tpu.memory_space<vmem>> -> memref<61xi32, #tpu.memory_space<vmem>>
      %dma_start3A_1407 = arith.constant 0 : i32
      %dma_start3A_1408 = arith.constant 0 : i32
      %dma_start3A_1409 = tpu.memref_slice %arg2[%dma_start3A_1407, %dma_start3A_1408] : memref<10000x128xf32, #tpu.memory_space<hbm>> -> memref<10000x128xf32, #tpu.memory_space<hbm>>
      tpu.enqueue_indirect_dma source(%dma_start3A_1409 : memref<10000x128xf32, #tpu.memory_space<hbm>>) target(%dma_start3A_1403 : memref<61x128xf32, #tpu.memory_space<vmem>>) offsets(%dma_start3A_1406 : memref<61xi32, #tpu.memory_space<vmem>>) semaphore(%arg13 : memref<!tpu.dma_semaphore, #tpu.memory_space<semaphore_mem>>)
      %dma_wait3A_1410 = arith.constant 12 : i32
      %dma_wait3A_1411 = arith.constant 0 : i32
      %dma_wait3A_1412 = arith.constant 0 : i32
      %dma_wait3A_1413 = tpu.memref_slice %arg8[%dma_wait3A_1411, %dma_wait3A_1412] : memref<125x128xf32, #tpu.memory_space<vmem>> -> memref<64x128xf32, #tpu.memory_space<vmem>>
      %dma_wait3A_1414 = arith.constant 0 : i32
      %dma_wait3A_1415 = tpu.memref_slice %arg6[%dma_wait3A_1410, %dma_wait3A_1414] : memref<16x125xi32, #tpu.memory_space<vmem>> -> memref<1x64xi32, #tpu.memory_space<vmem>>
      %dma_wait3A_1416 = tpu.memref_squeeze %dma_wait3A_1415 : memref<1x64xi32, #tpu.memory_space<vmem>> -> memref<64xi32, #tpu.memory_space<vmem>>
      %dma_wait3A_1417 = arith.constant 0 : i32
      %dma_wait3A_1418 = arith.constant 0 : i32
      %dma_wait3A_1419 = tpu.memref_slice %arg2[%dma_wait3A_1417, %dma_wait3A_1418] : memref<10000x128xf32, #tpu.memory_space<hbm>> -> memref<10000x128xf32, #tpu.memory_space<hbm>>
      tpu.wait_indirect_dma semaphore(%arg12 : memref<!tpu.dma_semaphore, #tpu.memory_space<semaphore_mem>>) src(%dma_wait3A_1419 : memref<10000x128xf32, #tpu.memory_space<hbm>>) dst(%dma_wait3A_1413 : memref<64x128xf32, #tpu.memory_space<vmem>>)
      %dma_wait3A_1420 = arith.constant 12 : i32
      %dma_wait3A_1421 = arith.constant 64 : i32
      %dma_wait3A_1422 = arith.constant 0 : i32
      %dma_wait3A_1423 = tpu.memref_slice %arg8[%dma_wait3A_1421, %dma_wait3A_1422] : memref<125x128xf32, #tpu.memory_space<vmem>> -> memref<61x128xf32, #tpu.memory_space<vmem>>
      %dma_wait3A_1424 = arith.constant 64 : i32
      %dma_wait3A_1425 = tpu.memref_slice %arg6[%dma_wait3A_1420, %dma_wait3A_1424] : memref<16x125xi32, #tpu.memory_space<vmem>> -> memref<1x61xi32, #tpu.memory_space<vmem>>
      %dma_wait3A_1426 = tpu.memref_squeeze %dma_wait3A_1425 : memref<1x61xi32, #tpu.memory_space<vmem>> -> memref<61xi32, #tpu.memory_space<vmem>>
      %dma_wait3A_1427 = arith.constant 0 : i32
      %dma_wait3A_1428 = arith.constant 0 : i32
      %dma_wait3A_1429 = tpu.memref_slice %arg2[%dma_wait3A_1427, %dma_wait3A_1428] : memref<10000x128xf32, #tpu.memory_space<hbm>> -> memref<10000x128xf32, #tpu.memory_space<hbm>>
      tpu.wait_indirect_dma semaphore(%arg12 : memref<!tpu.dma_semaphore, #tpu.memory_space<semaphore_mem>>) src(%dma_wait3A_1429 : memref<10000x128xf32, #tpu.memory_space<hbm>>) dst(%dma_wait3A_1423 : memref<61x128xf32, #tpu.memory_space<vmem>>)
      %dma_start3A_1430 = arith.constant 12 : i32
      %dma_start3A_1431 = arith.constant 0 : i32
      %dma_start3A_1432 = tpu.memref_slice %arg7[%dma_start3A_1430, %dma_start3A_1431] : memref<16x125xi32, #tpu.memory_space<vmem>> -> memref<1x125xi32, #tpu.memory_space<vmem>>
      %dma_start3A_1433 = tpu.memref_squeeze %dma_start3A_1432 : memref<1x125xi32, #tpu.memory_space<vmem>> -> memref<125xi32, #tpu.memory_space<vmem>>
      %dma_start3A_1434 = arith.constant 0 : i32
      %dma_start3A_1435 = arith.constant 0 : i32
      %dma_start3A_1436 = tpu.memref_slice %arg11[%dma_start3A_1434, %dma_start3A_1435] : memref<10112x128xf32, #tpu.memory_space<vmem_shared>> -> memref<10112x128xf32, #tpu.memory_space<vmem_shared>>
      tpu.enqueue_indirect_dma source(%arg8 : memref<125x128xf32, #tpu.memory_space<vmem>>) target(%dma_start3A_1436 : memref<10112x128xf32, #tpu.memory_space<vmem_shared>>) offsets(%dma_start3A_1433 : memref<125xi32, #tpu.memory_space<vmem>>) semaphore(%arg14 : memref<!tpu.dma_semaphore, #tpu.memory_space<semaphore_mem>>) {add = true}
      %get3A_1437 = arith.constant 12 : i32
      %get3A_1438 = arith.index_cast %get3A_1437 : i32 to index
      %get3A_1439 = arith.constant 0 : index
      %get3A_1440 = tpu.vector_load %arg7[%get3A_1438, %get3A_1439] {strides = array<i32>} : memref<16x125xi32, #tpu.memory_space<vmem>>, vector<16xi32>,
      tpu.vector_store_idx %arg10[%get3A_1440], %broadcast_in_dim3A_5 {add = true} : memref<10112xf32, #tpu.memory_space<vmem>>[vector<16xi32>], vector<16xf32>,
      %get3A_1441 = arith.constant 12 : i32
      %get3A_1442 = arith.index_cast %get3A_1441 : i32 to index
      %get3A_1443 = arith.constant 16 : index
      %get3A_1444 = tpu.vector_load %arg7[%get3A_1442, %get3A_1443] {strides = array<i32>} : memref<16x125xi32, #tpu.memory_space<vmem>>, vector<16xi32>,
      tpu.vector_store_idx %arg10[%get3A_1444], %broadcast_in_dim3A_5 {add = true} : memref<10112xf32, #tpu.memory_space<vmem>>[vector<16xi32>], vector<16xf32>,
      %get3A_1445 = arith.constant 12 : i32
      %get3A_1446 = arith.index_cast %get3A_1445 : i32 to index
      %get3A_1447 = arith.constant 32 : index
      %get3A_1448 = tpu.vector_load %arg7[%get3A_1446, %get3A_1447] {strides = array<i32>} : memref<16x125xi32, #tpu.memory_space<vmem>>, vector<16xi32>,
      tpu.vector_store_idx %arg10[%get3A_1448], %broadcast_in_dim3A_5 {add = true} : memref<10112xf32, #tpu.memory_space<vmem>>[vector<16xi32>], vector<16xf32>,
      %get3A_1449 = arith.constant 12 : i32
      %get3A_1450 = arith.index_cast %get3A_1449 : i32 to index
      %get3A_1451 = arith.constant 48 : index
      %get3A_1452 = tpu.vector_load %arg7[%get3A_1450, %get3A_1451] {strides = array<i32>} : memref<16x125xi32, #tpu.memory_space<vmem>>, vector<16xi32>,
      tpu.vector_store_idx %arg10[%get3A_1452], %broadcast_in_dim3A_5 {add = true} : memref<10112xf32, #tpu.memory_space<vmem>>[vector<16xi32>], vector<16xf32>,
      %get3A_1453 = arith.constant 12 : i32
      %get3A_1454 = arith.index_cast %get3A_1453 : i32 to index
      %get3A_1455 = arith.constant 64 : index
      %get3A_1456 = tpu.vector_load %arg7[%get3A_1454, %get3A_1455] {strides = array<i32>} : memref<16x125xi32, #tpu.memory_space<vmem>>, vector<16xi32>,
      tpu.vector_store_idx %arg10[%get3A_1456], %broadcast_in_dim3A_5 {add = true} : memref<10112xf32, #tpu.memory_space<vmem>>[vector<16xi32>], vector<16xf32>,
      %get3A_1457 = arith.constant 12 : i32
      %get3A_1458 = arith.index_cast %get3A_1457 : i32 to index
      %get3A_1459 = arith.constant 80 : index
      %get3A_1460 = tpu.vector_load %arg7[%get3A_1458, %get3A_1459] {strides = array<i32>} : memref<16x125xi32, #tpu.memory_space<vmem>>, vector<16xi32>,
      tpu.vector_store_idx %arg10[%get3A_1460], %broadcast_in_dim3A_5 {add = true} : memref<10112xf32, #tpu.memory_space<vmem>>[vector<16xi32>], vector<16xf32>,
      %get3A_1461 = arith.constant 12 : i32
      %get3A_1462 = arith.index_cast %get3A_1461 : i32 to index
      %get3A_1463 = arith.constant 96 : index
      %get3A_1464 = tpu.vector_load %arg7[%get3A_1462, %get3A_1463] {strides = array<i32>} : memref<16x125xi32, #tpu.memory_space<vmem>>, vector<16xi32>,
      tpu.vector_store_idx %arg10[%get3A_1464], %broadcast_in_dim3A_5 {add = true} : memref<10112xf32, #tpu.memory_space<vmem>>[vector<16xi32>], vector<16xf32>,
      %get3A_1465 = arith.constant 12 : i32
      %get3A_1466 = arith.index_cast %get3A_1465 : i32 to index
      %get3A_1467 = arith.constant 109 : index
      %get3A_1468 = tpu.vector_load %arg7[%get3A_1466, %get3A_1467] {strides = array<i32>} : memref<16x125xi32, #tpu.memory_space<vmem>>, vector<16xi32>,
      tpu.vector_store_idx %arg10[%get3A_1468], %broadcast_in_dim3A_5 masked %ge3A_7 {add = true} : memref<10112xf32, #tpu.memory_space<vmem>>[vector<16xi32>], vector<16xf32>, vector<16xi1>
      %dma_wait3A_1469 = arith.constant 12 : i32
      %dma_wait3A_1470 = arith.constant 0 : i32
      %dma_wait3A_1471 = tpu.memref_slice %arg7[%dma_wait3A_1469, %dma_wait3A_1470] : memref<16x125xi32, #tpu.memory_space<vmem>> -> memref<1x125xi32, #tpu.memory_space<vmem>>
      %dma_wait3A_1472 = tpu.memref_squeeze %dma_wait3A_1471 : memref<1x125xi32, #tpu.memory_space<vmem>> -> memref<125xi32, #tpu.memory_space<vmem>>
      %dma_wait3A_1473 = arith.constant 0 : i32
      %dma_wait3A_1474 = arith.constant 0 : i32
      %dma_wait3A_1475 = tpu.memref_slice %arg11[%dma_wait3A_1473, %dma_wait3A_1474] : memref<10112x128xf32, #tpu.memory_space<vmem_shared>> -> memref<10112x128xf32, #tpu.memory_space<vmem_shared>>
      tpu.wait_indirect_dma semaphore(%arg14 : memref<!tpu.dma_semaphore, #tpu.memory_space<semaphore_mem>>) src(%arg8 : memref<125x128xf32, #tpu.memory_space<vmem>>) dst(%dma_wait3A_1475 : memref<10112x128xf32, #tpu.memory_space<vmem_shared>>)
      %dma_start3A_1476 = arith.constant 14 : i32
      %dma_start3A_1477 = arith.constant 0 : i32
      %dma_start3A_1478 = arith.constant 0 : i32
      %dma_start3A_1479 = tpu.memref_slice %arg8[%dma_start3A_1477, %dma_start3A_1478] : memref<125x128xf32, #tpu.memory_space<vmem>> -> memref<64x128xf32, #tpu.memory_space<vmem>>
      %dma_start3A_1480 = arith.constant 0 : i32
      %dma_start3A_1481 = tpu.memref_slice %arg6[%dma_start3A_1476, %dma_start3A_1480] : memref<16x125xi32, #tpu.memory_space<vmem>> -> memref<1x64xi32, #tpu.memory_space<vmem>>
      %dma_start3A_1482 = tpu.memref_squeeze %dma_start3A_1481 : memref<1x64xi32, #tpu.memory_space<vmem>> -> memref<64xi32, #tpu.memory_space<vmem>>
      %dma_start3A_1483 = arith.constant 0 : i32
      %dma_start3A_1484 = arith.constant 0 : i32
      %dma_start3A_1485 = tpu.memref_slice %arg2[%dma_start3A_1483, %dma_start3A_1484] : memref<10000x128xf32, #tpu.memory_space<hbm>> -> memref<10000x128xf32, #tpu.memory_space<hbm>>
      tpu.enqueue_indirect_dma source(%dma_start3A_1485 : memref<10000x128xf32, #tpu.memory_space<hbm>>) target(%dma_start3A_1479 : memref<64x128xf32, #tpu.memory_space<vmem>>) offsets(%dma_start3A_1482 : memref<64xi32, #tpu.memory_space<vmem>>) semaphore(%arg12 : memref<!tpu.dma_semaphore, #tpu.memory_space<semaphore_mem>>)
      %dma_start3A_1486 = arith.constant 14 : i32
      %dma_start3A_1487 = arith.constant 64 : i32
      %dma_start3A_1488 = arith.constant 0 : i32
      %dma_start3A_1489 = tpu.memref_slice %arg8[%dma_start3A_1487, %dma_start3A_1488] : memref<125x128xf32, #tpu.memory_space<vmem>> -> memref<61x128xf32, #tpu.memory_space<vmem>>
      %dma_start3A_1490 = arith.constant 64 : i32
      %dma_start3A_1491 = tpu.memref_slice %arg6[%dma_start3A_1486, %dma_start3A_1490] : memref<16x125xi32, #tpu.memory_space<vmem>> -> memref<1x61xi32, #tpu.memory_space<vmem>>
      %dma_start3A_1492 = tpu.memref_squeeze %dma_start3A_1491 : memref<1x61xi32, #tpu.memory_space<vmem>> -> memref<61xi32, #tpu.memory_space<vmem>>
      %dma_start3A_1493 = arith.constant 0 : i32
      %dma_start3A_1494 = arith.constant 0 : i32
      %dma_start3A_1495 = tpu.memref_slice %arg2[%dma_start3A_1493, %dma_start3A_1494] : memref<10000x128xf32, #tpu.memory_space<hbm>> -> memref<10000x128xf32, #tpu.memory_space<hbm>>
      tpu.enqueue_indirect_dma source(%dma_start3A_1495 : memref<10000x128xf32, #tpu.memory_space<hbm>>) target(%dma_start3A_1489 : memref<61x128xf32, #tpu.memory_space<vmem>>) offsets(%dma_start3A_1492 : memref<61xi32, #tpu.memory_space<vmem>>) semaphore(%arg12 : memref<!tpu.dma_semaphore, #tpu.memory_space<semaphore_mem>>)
      %dma_wait3A_1496 = arith.constant 13 : i32
      %dma_wait3A_1497 = arith.constant 0 : i32
      %dma_wait3A_1498 = arith.constant 0 : i32
      %dma_wait3A_1499 = tpu.memref_slice %arg9[%dma_wait3A_1497, %dma_wait3A_1498] : memref<125x128xf32, #tpu.memory_space<vmem>> -> memref<64x128xf32, #tpu.memory_space<vmem>>
      %dma_wait3A_1500 = arith.constant 0 : i32
      %dma_wait3A_1501 = tpu.memref_slice %arg6[%dma_wait3A_1496, %dma_wait3A_1500] : memref<16x125xi32, #tpu.memory_space<vmem>> -> memref<1x64xi32, #tpu.memory_space<vmem>>
      %dma_wait3A_1502 = tpu.memref_squeeze %dma_wait3A_1501 : memref<1x64xi32, #tpu.memory_space<vmem>> -> memref<64xi32, #tpu.memory_space<vmem>>
      %dma_wait3A_1503 = arith.constant 0 : i32
      %dma_wait3A_1504 = arith.constant 0 : i32
      %dma_wait3A_1505 = tpu.memref_slice %arg2[%dma_wait3A_1503, %dma_wait3A_1504] : memref<10000x128xf32, #tpu.memory_space<hbm>> -> memref<10000x128xf32, #tpu.memory_space<hbm>>
      tpu.wait_indirect_dma semaphore(%arg13 : memref<!tpu.dma_semaphore, #tpu.memory_space<semaphore_mem>>) src(%dma_wait3A_1505 : memref<10000x128xf32, #tpu.memory_space<hbm>>) dst(%dma_wait3A_1499 : memref<64x128xf32, #tpu.memory_space<vmem>>)
      %dma_wait3A_1506 = arith.constant 13 : i32
      %dma_wait3A_1507 = arith.constant 64 : i32
      %dma_wait3A_1508 = arith.constant 0 : i32
      %dma_wait3A_1509 = tpu.memref_slice %arg9[%dma_wait3A_1507, %dma_wait3A_1508] : memref<125x128xf32, #tpu.memory_space<vmem>> -> memref<61x128xf32, #tpu.memory_space<vmem>>
      %dma_wait3A_1510 = arith.constant 64 : i32
      %dma_wait3A_1511 = tpu.memref_slice %arg6[%dma_wait3A_1506, %dma_wait3A_1510] : memref<16x125xi32, #tpu.memory_space<vmem>> -> memref<1x61xi32, #tpu.memory_space<vmem>>
      %dma_wait3A_1512 = tpu.memref_squeeze %dma_wait3A_1511 : memref<1x61xi32, #tpu.memory_space<vmem>> -> memref<61xi32, #tpu.memory_space<vmem>>
      %dma_wait3A_1513 = arith.constant 0 : i32
      %dma_wait3A_1514 = arith.constant 0 : i32
      %dma_wait3A_1515 = tpu.memref_slice %arg2[%dma_wait3A_1513, %dma_wait3A_1514] : memref<10000x128xf32, #tpu.memory_space<hbm>> -> memref<10000x128xf32, #tpu.memory_space<hbm>>
      tpu.wait_indirect_dma semaphore(%arg13 : memref<!tpu.dma_semaphore, #tpu.memory_space<semaphore_mem>>) src(%dma_wait3A_1515 : memref<10000x128xf32, #tpu.memory_space<hbm>>) dst(%dma_wait3A_1509 : memref<61x128xf32, #tpu.memory_space<vmem>>)
      %dma_start3A_1516 = arith.constant 13 : i32
      %dma_start3A_1517 = arith.constant 0 : i32
      %dma_start3A_1518 = tpu.memref_slice %arg7[%dma_start3A_1516, %dma_start3A_1517] : memref<16x125xi32, #tpu.memory_space<vmem>> -> memref<1x125xi32, #tpu.memory_space<vmem>>
      %dma_start3A_1519 = tpu.memref_squeeze %dma_start3A_1518 : memref<1x125xi32, #tpu.memory_space<vmem>> -> memref<125xi32, #tpu.memory_space<vmem>>
      %dma_start3A_1520 = arith.constant 0 : i32
      %dma_start3A_1521 = arith.constant 0 : i32
      %dma_start3A_1522 = tpu.memref_slice %arg11[%dma_start3A_1520, %dma_start3A_1521] : memref<10112x128xf32, #tpu.memory_space<vmem_shared>> -> memref<10112x128xf32, #tpu.memory_space<vmem_shared>>
      tpu.enqueue_indirect_dma source(%arg9 : memref<125x128xf32, #tpu.memory_space<vmem>>) target(%dma_start3A_1522 : memref<10112x128xf32, #tpu.memory_space<vmem_shared>>) offsets(%dma_start3A_1519 : memref<125xi32, #tpu.memory_space<vmem>>) semaphore(%arg15 : memref<!tpu.dma_semaphore, #tpu.memory_space<semaphore_mem>>) {add = true}
      %get3A_1523 = arith.constant 13 : i32
      %get3A_1524 = arith.index_cast %get3A_1523 : i32 to index
      %get3A_1525 = arith.constant 0 : index
      %get3A_1526 = tpu.vector_load %arg7[%get3A_1524, %get3A_1525] {strides = array<i32>} : memref<16x125xi32, #tpu.memory_space<vmem>>, vector<16xi32>,
      tpu.vector_store_idx %arg10[%get3A_1526], %broadcast_in_dim3A_5 {add = true} : memref<10112xf32, #tpu.memory_space<vmem>>[vector<16xi32>], vector<16xf32>,
      %get3A_1527 = arith.constant 13 : i32
      %get3A_1528 = arith.index_cast %get3A_1527 : i32 to index
      %get3A_1529 = arith.constant 16 : index
      %get3A_1530 = tpu.vector_load %arg7[%get3A_1528, %get3A_1529] {strides = array<i32>} : memref<16x125xi32, #tpu.memory_space<vmem>>, vector<16xi32>,
      tpu.vector_store_idx %arg10[%get3A_1530], %broadcast_in_dim3A_5 {add = true} : memref<10112xf32, #tpu.memory_space<vmem>>[vector<16xi32>], vector<16xf32>,
      %get3A_1531 = arith.constant 13 : i32
      %get3A_1532 = arith.index_cast %get3A_1531 : i32 to index
      %get3A_1533 = arith.constant 32 : index
      %get3A_1534 = tpu.vector_load %arg7[%get3A_1532, %get3A_1533] {strides = array<i32>} : memref<16x125xi32, #tpu.memory_space<vmem>>, vector<16xi32>,
      tpu.vector_store_idx %arg10[%get3A_1534], %broadcast_in_dim3A_5 {add = true} : memref<10112xf32, #tpu.memory_space<vmem>>[vector<16xi32>], vector<16xf32>,
      %get3A_1535 = arith.constant 13 : i32
      %get3A_1536 = arith.index_cast %get3A_1535 : i32 to index
      %get3A_1537 = arith.constant 48 : index
      %get3A_1538 = tpu.vector_load %arg7[%get3A_1536, %get3A_1537] {strides = array<i32>} : memref<16x125xi32, #tpu.memory_space<vmem>>, vector<16xi32>,
      tpu.vector_store_idx %arg10[%get3A_1538], %broadcast_in_dim3A_5 {add = true} : memref<10112xf32, #tpu.memory_space<vmem>>[vector<16xi32>], vector<16xf32>,
      %get3A_1539 = arith.constant 13 : i32
      %get3A_1540 = arith.index_cast %get3A_1539 : i32 to index
      %get3A_1541 = arith.constant 64 : index
      %get3A_1542 = tpu.vector_load %arg7[%get3A_1540, %get3A_1541] {strides = array<i32>} : memref<16x125xi32, #tpu.memory_space<vmem>>, vector<16xi32>,
      tpu.vector_store_idx %arg10[%get3A_1542], %broadcast_in_dim3A_5 {add = true} : memref<10112xf32, #tpu.memory_space<vmem>>[vector<16xi32>], vector<16xf32>,
      %get3A_1543 = arith.constant 13 : i32
      %get3A_1544 = arith.index_cast %get3A_1543 : i32 to index
      %get3A_1545 = arith.constant 80 : index
      %get3A_1546 = tpu.vector_load %arg7[%get3A_1544, %get3A_1545] {strides = array<i32>} : memref<16x125xi32, #tpu.memory_space<vmem>>, vector<16xi32>,
      tpu.vector_store_idx %arg10[%get3A_1546], %broadcast_in_dim3A_5 {add = true} : memref<10112xf32, #tpu.memory_space<vmem>>[vector<16xi32>], vector<16xf32>,
      %get3A_1547 = arith.constant 13 : i32
      %get3A_1548 = arith.index_cast %get3A_1547 : i32 to index
      %get3A_1549 = arith.constant 96 : index
      %get3A_1550 = tpu.vector_load %arg7[%get3A_1548, %get3A_1549] {strides = array<i32>} : memref<16x125xi32, #tpu.memory_space<vmem>>, vector<16xi32>,
      tpu.vector_store_idx %arg10[%get3A_1550], %broadcast_in_dim3A_5 {add = true} : memref<10112xf32, #tpu.memory_space<vmem>>[vector<16xi32>], vector<16xf32>,
      %get3A_1551 = arith.constant 13 : i32
      %get3A_1552 = arith.index_cast %get3A_1551 : i32 to index
      %get3A_1553 = arith.constant 109 : index
      %get3A_1554 = tpu.vector_load %arg7[%get3A_1552, %get3A_1553] {strides = array<i32>} : memref<16x125xi32, #tpu.memory_space<vmem>>, vector<16xi32>,
      tpu.vector_store_idx %arg10[%get3A_1554], %broadcast_in_dim3A_5 masked %ge3A_7 {add = true} : memref<10112xf32, #tpu.memory_space<vmem>>[vector<16xi32>], vector<16xf32>, vector<16xi1>
      %not3A_1555 = arith.constant true
      %not3A_1556 = arith.xori %eq3A_293, %not3A_1555 : i1
      %convert_element_type3A_1557 = arith.extui %not3A_1556 : i1 to i32
      %cond3A_1558 = arith.constant 0 : i32
      %cond3A_1559 = arith.cmpi ne, %convert_element_type3A_1557, %cond3A_1558 : i32
      scf.if %cond3A_1559 {
        %dma_wait3A_1729 = arith.constant 0 : i32
        %dma_wait3A_1730 = arith.constant 0 : i32
        %dma_wait3A_1731 = tpu.memref_slice %arg6[%dma_wait3A_1729, %dma_wait3A_1730] : memref<16x125xi32, #tpu.memory_space<vmem>> -> memref<8x125xi32, #tpu.memory_space<vmem>>
        %dma_wait3A_1732 = arith.constant 0 : i32
        %dma_wait3A_1733 = arith.constant 0 : i32
        %dma_wait3A_1734 = tpu.memref_slice %arg3[%scan3A_262, %dma_wait3A_1732, %dma_wait3A_1733] : memref<2x2560x125xi32, #tpu.memory_space<hbm>> -> memref<1x2560x125xi32, #tpu.memory_space<hbm>>
        %dma_wait3A_1735 = tpu.memref_squeeze %dma_wait3A_1734 : memref<1x2560x125xi32, #tpu.memory_space<hbm>> -> memref<2560x125xi32, #tpu.memory_space<hbm>>
        %dma_wait3A_1736 = arith.constant 0 : i32
        %dma_wait3A_1737 = arith.constant 0 : i32
        %dma_wait3A_1738 = tpu.memref_slice %dma_wait3A_1735[%dma_wait3A_1736, %dma_wait3A_1737] : memref<2560x125xi32, #tpu.memory_space<hbm>> -> memref<8x125xi32, #tpu.memory_space<hbm>>
        %dma_wait3A_1739 = arith.constant 0 : i32
        %dma_wait3A_1740 = arith.constant 0 : i32
        %dma_wait3A_1741 = tpu.memref_slice %arg6[%dma_wait3A_1739, %dma_wait3A_1740] : memref<16x125xi32, #tpu.memory_space<vmem>> -> memref<8x125xi32, #tpu.memory_space<vmem>>
        %dma_wait3A_1742 = arith.constant 0 : i32
        %dma_wait3A_1743 = arith.constant 0 : i32
        %dma_wait3A_1744 = tpu.memref_slice %arg3[%scan3A_262, %dma_wait3A_1742, %dma_wait3A_1743] : memref<2x2560x125xi32, #tpu.memory_space<hbm>> -> memref<1x2560x125xi32, #tpu.memory_space<hbm>>
        %dma_wait3A_1745 = tpu.memref_squeeze %dma_wait3A_1744 : memref<1x2560x125xi32, #tpu.memory_space<hbm>> -> memref<2560x125xi32, #tpu.memory_space<hbm>>
        %dma_wait3A_1746 = arith.constant 0 : i32
        %dma_wait3A_1747 = arith.constant 0 : i32
        %dma_wait3A_1748 = tpu.memref_slice %dma_wait3A_1745[%dma_wait3A_1746, %dma_wait3A_1747] : memref<2560x125xi32, #tpu.memory_space<hbm>> -> memref<8x125xi32, #tpu.memory_space<hbm>>
        tpu.wait_dma2 semaphore(%arg16 : memref<!tpu.dma_semaphore, #tpu.memory_space<semaphore_mem>>) src(%dma_wait3A_1748 : memref<8x125xi32, #tpu.memory_space<hbm>>) dst(%dma_wait3A_1741 : memref<8x125xi32, #tpu.memory_space<vmem>>)
        %dma_wait3A_1749 = arith.constant 0 : i32
        %dma_wait3A_1750 = arith.constant 0 : i32
        %dma_wait3A_1751 = tpu.memref_slice %arg7[%dma_wait3A_1749, %dma_wait3A_1750] : memref<16x125xi32, #tpu.memory_space<vmem>> -> memref<8x125xi32, #tpu.memory_space<vmem>>
        %dma_wait3A_1752 = arith.constant 0 : i32
        %dma_wait3A_1753 = arith.constant 0 : i32
        %dma_wait3A_1754 = tpu.memref_slice %arg3[%scan3A_263, %dma_wait3A_1752, %dma_wait3A_1753] : memref<2x2560x125xi32, #tpu.memory_space<hbm>> -> memref<1x2560x125xi32, #tpu.memory_space<hbm>>
        %dma_wait3A_1755 = tpu.memref_squeeze %dma_wait3A_1754 : memref<1x2560x125xi32, #tpu.memory_space<hbm>> -> memref<2560x125xi32, #tpu.memory_space<hbm>>
        %dma_wait3A_1756 = arith.constant 0 : i32
        %dma_wait3A_1757 = arith.constant 0 : i32
        %dma_wait3A_1758 = tpu.memref_slice %dma_wait3A_1755[%dma_wait3A_1756, %dma_wait3A_1757] : memref<2560x125xi32, #tpu.memory_space<hbm>> -> memref<8x125xi32, #tpu.memory_space<hbm>>
        %dma_wait3A_1759 = arith.constant 0 : i32
        %dma_wait3A_1760 = arith.constant 0 : i32
        %dma_wait3A_1761 = tpu.memref_slice %arg7[%dma_wait3A_1759, %dma_wait3A_1760] : memref<16x125xi32, #tpu.memory_space<vmem>> -> memref<8x125xi32, #tpu.memory_space<vmem>>
        %dma_wait3A_1762 = arith.constant 0 : i32
        %dma_wait3A_1763 = arith.constant 0 : i32
        %dma_wait3A_1764 = tpu.memref_slice %arg3[%scan3A_263, %dma_wait3A_1762, %dma_wait3A_1763] : memref<2x2560x125xi32, #tpu.memory_space<hbm>> -> memref<1x2560x125xi32, #tpu.memory_space<hbm>>
        %dma_wait3A_1765 = tpu.memref_squeeze %dma_wait3A_1764 : memref<1x2560x125xi32, #tpu.memory_space<hbm>> -> memref<2560x125xi32, #tpu.memory_space<hbm>>
        %dma_wait3A_1766 = arith.constant 0 : i32
        %dma_wait3A_1767 = arith.constant 0 : i32
        %dma_wait3A_1768 = tpu.memref_slice %dma_wait3A_1765[%dma_wait3A_1766, %dma_wait3A_1767] : memref<2560x125xi32, #tpu.memory_space<hbm>> -> memref<8x125xi32, #tpu.memory_space<hbm>>
        tpu.wait_dma2 semaphore(%arg16 : memref<!tpu.dma_semaphore, #tpu.memory_space<semaphore_mem>>) src(%dma_wait3A_1768 : memref<8x125xi32, #tpu.memory_space<hbm>>) dst(%dma_wait3A_1761 : memref<8x125xi32, #tpu.memory_space<vmem>>)
      } else {
      }
      %dma_wait3A_1560 = arith.constant 13 : i32
      %dma_wait3A_1561 = arith.constant 0 : i32
      %dma_wait3A_1562 = tpu.memref_slice %arg7[%dma_wait3A_1560, %dma_wait3A_1561] : memref<16x125xi32, #tpu.memory_space<vmem>> -> memref<1x125xi32, #tpu.memory_space<vmem>>
      %dma_wait3A_1563 = tpu.memref_squeeze %dma_wait3A_1562 : memref<1x125xi32, #tpu.memory_space<vmem>> -> memref<125xi32, #tpu.memory_space<vmem>>
      %dma_wait3A_1564 = arith.constant 0 : i32
      %dma_wait3A_1565 = arith.constant 0 : i32
      %dma_wait3A_1566 = tpu.memref_slice %arg11[%dma_wait3A_1564, %dma_wait3A_1565] : memref<10112x128xf32, #tpu.memory_space<vmem_shared>> -> memref<10112x128xf32, #tpu.memory_space<vmem_shared>>
      tpu.wait_indirect_dma semaphore(%arg15 : memref<!tpu.dma_semaphore, #tpu.memory_space<semaphore_mem>>) src(%arg9 : memref<125x128xf32, #tpu.memory_space<vmem>>) dst(%dma_wait3A_1566 : memref<10112x128xf32, #tpu.memory_space<vmem_shared>>)
      %dma_start3A_1567 = arith.constant 15 : i32
      %dma_start3A_1568 = arith.constant 0 : i32
      %dma_start3A_1569 = arith.constant 0 : i32
      %dma_start3A_1570 = tpu.memref_slice %arg9[%dma_start3A_1568, %dma_start3A_1569] : memref<125x128xf32, #tpu.memory_space<vmem>> -> memref<64x128xf32, #tpu.memory_space<vmem>>
      %dma_start3A_1571 = arith.constant 0 : i32
      %dma_start3A_1572 = tpu.memref_slice %arg6[%dma_start3A_1567, %dma_start3A_1571] : memref<16x125xi32, #tpu.memory_space<vmem>> -> memref<1x64xi32, #tpu.memory_space<vmem>>
      %dma_start3A_1573 = tpu.memref_squeeze %dma_start3A_1572 : memref<1x64xi32, #tpu.memory_space<vmem>> -> memref<64xi32, #tpu.memory_space<vmem>>
      %dma_start3A_1574 = arith.constant 0 : i32
      %dma_start3A_1575 = arith.constant 0 : i32
      %dma_start3A_1576 = tpu.memref_slice %arg2[%dma_start3A_1574, %dma_start3A_1575] : memref<10000x128xf32, #tpu.memory_space<hbm>> -> memref<10000x128xf32, #tpu.memory_space<hbm>>
      tpu.enqueue_indirect_dma source(%dma_start3A_1576 : memref<10000x128xf32, #tpu.memory_space<hbm>>) target(%dma_start3A_1570 : memref<64x128xf32, #tpu.memory_space<vmem>>) offsets(%dma_start3A_1573 : memref<64xi32, #tpu.memory_space<vmem>>) semaphore(%arg13 : memref<!tpu.dma_semaphore, #tpu.memory_space<semaphore_mem>>)
      %dma_start3A_1577 = arith.constant 15 : i32
      %dma_start3A_1578 = arith.constant 64 : i32
      %dma_start3A_1579 = arith.constant 0 : i32
      %dma_start3A_1580 = tpu.memref_slice %arg9[%dma_start3A_1578, %dma_start3A_1579] : memref<125x128xf32, #tpu.memory_space<vmem>> -> memref<61x128xf32, #tpu.memory_space<vmem>>
      %dma_start3A_1581 = arith.constant 64 : i32
      %dma_start3A_1582 = tpu.memref_slice %arg6[%dma_start3A_1577, %dma_start3A_1581] : memref<16x125xi32, #tpu.memory_space<vmem>> -> memref<1x61xi32, #tpu.memory_space<vmem>>
      %dma_start3A_1583 = tpu.memref_squeeze %dma_start3A_1582 : memref<1x61xi32, #tpu.memory_space<vmem>> -> memref<61xi32, #tpu.memory_space<vmem>>
      %dma_start3A_1584 = arith.constant 0 : i32
      %dma_start3A_1585 = arith.constant 0 : i32
      %dma_start3A_1586 = tpu.memref_slice %arg2[%dma_start3A_1584, %dma_start3A_1585] : memref<10000x128xf32, #tpu.memory_space<hbm>> -> memref<10000x128xf32, #tpu.memory_space<hbm>>
      tpu.enqueue_indirect_dma source(%dma_start3A_1586 : memref<10000x128xf32, #tpu.memory_space<hbm>>) target(%dma_start3A_1580 : memref<61x128xf32, #tpu.memory_space<vmem>>) offsets(%dma_start3A_1583 : memref<61xi32, #tpu.memory_space<vmem>>) semaphore(%arg13 : memref<!tpu.dma_semaphore, #tpu.memory_space<semaphore_mem>>)
      %dma_wait3A_1587 = arith.constant 14 : i32
      %dma_wait3A_1588 = arith.constant 0 : i32
      %dma_wait3A_1589 = arith.constant 0 : i32
      %dma_wait3A_1590 = tpu.memref_slice %arg8[%dma_wait3A_1588, %dma_wait3A_1589] : memref<125x128xf32, #tpu.memory_space<vmem>> -> memref<64x128xf32, #tpu.memory_space<vmem>>
      %dma_wait3A_1591 = arith.constant 0 : i32
      %dma_wait3A_1592 = tpu.memref_slice %arg6[%dma_wait3A_1587, %dma_wait3A_1591] : memref<16x125xi32, #tpu.memory_space<vmem>> -> memref<1x64xi32, #tpu.memory_space<vmem>>
      %dma_wait3A_1593 = tpu.memref_squeeze %dma_wait3A_1592 : memref<1x64xi32, #tpu.memory_space<vmem>> -> memref<64xi32, #tpu.memory_space<vmem>>
      %dma_wait3A_1594 = arith.constant 0 : i32
      %dma_wait3A_1595 = arith.constant 0 : i32
      %dma_wait3A_1596 = tpu.memref_slice %arg2[%dma_wait3A_1594, %dma_wait3A_1595] : memref<10000x128xf32, #tpu.memory_space<hbm>> -> memref<10000x128xf32, #tpu.memory_space<hbm>>
      tpu.wait_indirect_dma semaphore(%arg12 : memref<!tpu.dma_semaphore, #tpu.memory_space<semaphore_mem>>) src(%dma_wait3A_1596 : memref<10000x128xf32, #tpu.memory_space<hbm>>) dst(%dma_wait3A_1590 : memref<64x128xf32, #tpu.memory_space<vmem>>)
      %dma_wait3A_1597 = arith.constant 14 : i32
      %dma_wait3A_1598 = arith.constant 64 : i32
      %dma_wait3A_1599 = arith.constant 0 : i32
      %dma_wait3A_1600 = tpu.memref_slice %arg8[%dma_wait3A_1598, %dma_wait3A_1599] : memref<125x128xf32, #tpu.memory_space<vmem>> -> memref<61x128xf32, #tpu.memory_space<vmem>>
      %dma_wait3A_1601 = arith.constant 64 : i32
      %dma_wait3A_1602 = tpu.memref_slice %arg6[%dma_wait3A_1597, %dma_wait3A_1601] : memref<16x125xi32, #tpu.memory_space<vmem>> -> memref<1x61xi32, #tpu.memory_space<vmem>>
      %dma_wait3A_1603 = tpu.memref_squeeze %dma_wait3A_1602 : memref<1x61xi32, #tpu.memory_space<vmem>> -> memref<61xi32, #tpu.memory_space<vmem>>
      %dma_wait3A_1604 = arith.constant 0 : i32
      %dma_wait3A_1605 = arith.constant 0 : i32
      %dma_wait3A_1606 = tpu.memref_slice %arg2[%dma_wait3A_1604, %dma_wait3A_1605] : memref<10000x128xf32, #tpu.memory_space<hbm>> -> memref<10000x128xf32, #tpu.memory_space<hbm>>
      tpu.wait_indirect_dma semaphore(%arg12 : memref<!tpu.dma_semaphore, #tpu.memory_space<semaphore_mem>>) src(%dma_wait3A_1606 : memref<10000x128xf32, #tpu.memory_space<hbm>>) dst(%dma_wait3A_1600 : memref<61x128xf32, #tpu.memory_space<vmem>>)
      %dma_start3A_1607 = arith.constant 14 : i32
      %dma_start3A_1608 = arith.constant 0 : i32
      %dma_start3A_1609 = tpu.memref_slice %arg7[%dma_start3A_1607, %dma_start3A_1608] : memref<16x125xi32, #tpu.memory_space<vmem>> -> memref<1x125xi32, #tpu.memory_space<vmem>>
      %dma_start3A_1610 = tpu.memref_squeeze %dma_start3A_1609 : memref<1x125xi32, #tpu.memory_space<vmem>> -> memref<125xi32, #tpu.memory_space<vmem>>
      %dma_start3A_1611 = arith.constant 0 : i32
      %dma_start3A_1612 = arith.constant 0 : i32
      %dma_start3A_1613 = tpu.memref_slice %arg11[%dma_start3A_1611, %dma_start3A_1612] : memref<10112x128xf32, #tpu.memory_space<vmem_shared>> -> memref<10112x128xf32, #tpu.memory_space<vmem_shared>>
      tpu.enqueue_indirect_dma source(%arg8 : memref<125x128xf32, #tpu.memory_space<vmem>>) target(%dma_start3A_1613 : memref<10112x128xf32, #tpu.memory_space<vmem_shared>>) offsets(%dma_start3A_1610 : memref<125xi32, #tpu.memory_space<vmem>>) semaphore(%arg14 : memref<!tpu.dma_semaphore, #tpu.memory_space<semaphore_mem>>) {add = true}
      %get3A_1614 = arith.constant 14 : i32
      %get3A_1615 = arith.index_cast %get3A_1614 : i32 to index
      %get3A_1616 = arith.constant 0 : index
      %get3A_1617 = tpu.vector_load %arg7[%get3A_1615, %get3A_1616] {strides = array<i32>} : memref<16x125xi32, #tpu.memory_space<vmem>>, vector<16xi32>,
      tpu.vector_store_idx %arg10[%get3A_1617], %broadcast_in_dim3A_5 {add = true} : memref<10112xf32, #tpu.memory_space<vmem>>[vector<16xi32>], vector<16xf32>,
      %get3A_1618 = arith.constant 14 : i32
      %get3A_1619 = arith.index_cast %get3A_1618 : i32 to index
      %get3A_1620 = arith.constant 16 : index
      %get3A_1621 = tpu.vector_load %arg7[%get3A_1619, %get3A_1620] {strides = array<i32>} : memref<16x125xi32, #tpu.memory_space<vmem>>, vector<16xi32>,
      tpu.vector_store_idx %arg10[%get3A_1621], %broadcast_in_dim3A_5 {add = true} : memref<10112xf32, #tpu.memory_space<vmem>>[vector<16xi32>], vector<16xf32>,
      %get3A_1622 = arith.constant 14 : i32
      %get3A_1623 = arith.index_cast %get3A_1622 : i32 to index
      %get3A_1624 = arith.constant 32 : index
      %get3A_1625 = tpu.vector_load %arg7[%get3A_1623, %get3A_1624] {strides = array<i32>} : memref<16x125xi32, #tpu.memory_space<vmem>>, vector<16xi32>,
      tpu.vector_store_idx %arg10[%get3A_1625], %broadcast_in_dim3A_5 {add = true} : memref<10112xf32, #tpu.memory_space<vmem>>[vector<16xi32>], vector<16xf32>,
      %get3A_1626 = arith.constant 14 : i32
      %get3A_1627 = arith.index_cast %get3A_1626 : i32 to index
      %get3A_1628 = arith.constant 48 : index
      %get3A_1629 = tpu.vector_load %arg7[%get3A_1627, %get3A_1628] {strides = array<i32>} : memref<16x125xi32, #tpu.memory_space<vmem>>, vector<16xi32>,
      tpu.vector_store_idx %arg10[%get3A_1629], %broadcast_in_dim3A_5 {add = true} : memref<10112xf32, #tpu.memory_space<vmem>>[vector<16xi32>], vector<16xf32>,
      %get3A_1630 = arith.constant 14 : i32
      %get3A_1631 = arith.index_cast %get3A_1630 : i32 to index
      %get3A_1632 = arith.constant 64 : index
      %get3A_1633 = tpu.vector_load %arg7[%get3A_1631, %get3A_1632] {strides = array<i32>} : memref<16x125xi32, #tpu.memory_space<vmem>>, vector<16xi32>,
      tpu.vector_store_idx %arg10[%get3A_1633], %broadcast_in_dim3A_5 {add = true} : memref<10112xf32, #tpu.memory_space<vmem>>[vector<16xi32>], vector<16xf32>,
      %get3A_1634 = arith.constant 14 : i32
      %get3A_1635 = arith.index_cast %get3A_1634 : i32 to index
      %get3A_1636 = arith.constant 80 : index
      %get3A_1637 = tpu.vector_load %arg7[%get3A_1635, %get3A_1636] {strides = array<i32>} : memref<16x125xi32, #tpu.memory_space<vmem>>, vector<16xi32>,
      tpu.vector_store_idx %arg10[%get3A_1637], %broadcast_in_dim3A_5 {add = true} : memref<10112xf32, #tpu.memory_space<vmem>>[vector<16xi32>], vector<16xf32>,
      %get3A_1638 = arith.constant 14 : i32
      %get3A_1639 = arith.index_cast %get3A_1638 : i32 to index
      %get3A_1640 = arith.constant 96 : index
      %get3A_1641 = tpu.vector_load %arg7[%get3A_1639, %get3A_1640] {strides = array<i32>} : memref<16x125xi32, #tpu.memory_space<vmem>>, vector<16xi32>,
      tpu.vector_store_idx %arg10[%get3A_1641], %broadcast_in_dim3A_5 {add = true} : memref<10112xf32, #tpu.memory_space<vmem>>[vector<16xi32>], vector<16xf32>,
      %get3A_1642 = arith.constant 14 : i32
      %get3A_1643 = arith.index_cast %get3A_1642 : i32 to index
      %get3A_1644 = arith.constant 109 : index
      %get3A_1645 = tpu.vector_load %arg7[%get3A_1643, %get3A_1644] {strides = array<i32>} : memref<16x125xi32, #tpu.memory_space<vmem>>, vector<16xi32>,
      tpu.vector_store_idx %arg10[%get3A_1645], %broadcast_in_dim3A_5 masked %ge3A_7 {add = true} : memref<10112xf32, #tpu.memory_space<vmem>>[vector<16xi32>], vector<16xf32>, vector<16xi1>
      %dma_wait3A_1646 = arith.constant 14 : i32
      %dma_wait3A_1647 = arith.constant 0 : i32
      %dma_wait3A_1648 = tpu.memref_slice %arg7[%dma_wait3A_1646, %dma_wait3A_1647] : memref<16x125xi32, #tpu.memory_space<vmem>> -> memref<1x125xi32, #tpu.memory_space<vmem>>
      %dma_wait3A_1649 = tpu.memref_squeeze %dma_wait3A_1648 : memref<1x125xi32, #tpu.memory_space<vmem>> -> memref<125xi32, #tpu.memory_space<vmem>>
      %dma_wait3A_1650 = arith.constant 0 : i32
      %dma_wait3A_1651 = arith.constant 0 : i32
      %dma_wait3A_1652 = tpu.memref_slice %arg11[%dma_wait3A_1650, %dma_wait3A_1651] : memref<10112x128xf32, #tpu.memory_space<vmem_shared>> -> memref<10112x128xf32, #tpu.memory_space<vmem_shared>>
      tpu.wait_indirect_dma semaphore(%arg14 : memref<!tpu.dma_semaphore, #tpu.memory_space<semaphore_mem>>) src(%arg8 : memref<125x128xf32, #tpu.memory_space<vmem>>) dst(%dma_wait3A_1652 : memref<10112x128xf32, #tpu.memory_space<vmem_shared>>)
      %not3A_1653 = arith.constant true
      %not3A_1654 = arith.xori %eq3A_293, %not3A_1653 : i1
      %convert_element_type3A_1655 = arith.extui %not3A_1654 : i1 to i32
      %cond3A_1656 = arith.constant 0 : i32
      %cond3A_1657 = arith.cmpi ne, %convert_element_type3A_1655, %cond3A_1656 : i32
      scf.if %cond3A_1657 {
        %dma_start3A_1729 = arith.constant 0 : i32
        %dma_start3A_1730 = arith.constant 0 : i32
        %dma_start3A_1731 = arith.constant 0 : i32
        %dma_start3A_1732 = tpu.memref_slice %arg8[%dma_start3A_1730, %dma_start3A_1731] : memref<125x128xf32, #tpu.memory_space<vmem>> -> memref<64x128xf32, #tpu.memory_space<vmem>>
        %dma_start3A_1733 = arith.constant 0 : i32
        %dma_start3A_1734 = tpu.memref_slice %arg6[%dma_start3A_1729, %dma_start3A_1733] : memref<16x125xi32, #tpu.memory_space<vmem>> -> memref<1x64xi32, #tpu.memory_space<vmem>>
        %dma_start3A_1735 = tpu.memref_squeeze %dma_start3A_1734 : memref<1x64xi32, #tpu.memory_space<vmem>> -> memref<64xi32, #tpu.memory_space<vmem>>
        %dma_start3A_1736 = arith.constant 0 : i32
        %dma_start3A_1737 = arith.constant 0 : i32
        %dma_start3A_1738 = tpu.memref_slice %arg2[%dma_start3A_1736, %dma_start3A_1737] : memref<10000x128xf32, #tpu.memory_space<hbm>> -> memref<10000x128xf32, #tpu.memory_space<hbm>>
        tpu.enqueue_indirect_dma source(%dma_start3A_1738 : memref<10000x128xf32, #tpu.memory_space<hbm>>) target(%dma_start3A_1732 : memref<64x128xf32, #tpu.memory_space<vmem>>) offsets(%dma_start3A_1735 : memref<64xi32, #tpu.memory_space<vmem>>) semaphore(%arg12 : memref<!tpu.dma_semaphore, #tpu.memory_space<semaphore_mem>>)
        %dma_start3A_1739 = arith.constant 0 : i32
        %dma_start3A_1740 = arith.constant 64 : i32
        %dma_start3A_1741 = arith.constant 0 : i32
        %dma_start3A_1742 = tpu.memref_slice %arg8[%dma_start3A_1740, %dma_start3A_1741] : memref<125x128xf32, #tpu.memory_space<vmem>> -> memref<61x128xf32, #tpu.memory_space<vmem>>
        %dma_start3A_1743 = arith.constant 64 : i32
        %dma_start3A_1744 = tpu.memref_slice %arg6[%dma_start3A_1739, %dma_start3A_1743] : memref<16x125xi32, #tpu.memory_space<vmem>> -> memref<1x61xi32, #tpu.memory_space<vmem>>
        %dma_start3A_1745 = tpu.memref_squeeze %dma_start3A_1744 : memref<1x61xi32, #tpu.memory_space<vmem>> -> memref<61xi32, #tpu.memory_space<vmem>>
        %dma_start3A_1746 = arith.constant 0 : i32
        %dma_start3A_1747 = arith.constant 0 : i32
        %dma_start3A_1748 = tpu.memref_slice %arg2[%dma_start3A_1746, %dma_start3A_1747] : memref<10000x128xf32, #tpu.memory_space<hbm>> -> memref<10000x128xf32, #tpu.memory_space<hbm>>
        tpu.enqueue_indirect_dma source(%dma_start3A_1748 : memref<10000x128xf32, #tpu.memory_space<hbm>>) target(%dma_start3A_1742 : memref<61x128xf32, #tpu.memory_space<vmem>>) offsets(%dma_start3A_1745 : memref<61xi32, #tpu.memory_space<vmem>>) semaphore(%arg12 : memref<!tpu.dma_semaphore, #tpu.memory_space<semaphore_mem>>)
      } else {
      }
      %dma_wait3A_1658 = arith.constant 15 : i32
      %dma_wait3A_1659 = arith.constant 0 : i32
      %dma_wait3A_1660 = arith.constant 0 : i32
      %dma_wait3A_1661 = tpu.memref_slice %arg9[%dma_wait3A_1659, %dma_wait3A_1660] : memref<125x128xf32, #tpu.memory_space<vmem>> -> memref<64x128xf32, #tpu.memory_space<vmem>>
      %dma_wait3A_1662 = arith.constant 0 : i32
      %dma_wait3A_1663 = tpu.memref_slice %arg6[%dma_wait3A_1658, %dma_wait3A_1662] : memref<16x125xi32, #tpu.memory_space<vmem>> -> memref<1x64xi32, #tpu.memory_space<vmem>>
      %dma_wait3A_1664 = tpu.memref_squeeze %dma_wait3A_1663 : memref<1x64xi32, #tpu.memory_space<vmem>> -> memref<64xi32, #tpu.memory_space<vmem>>
      %dma_wait3A_1665 = arith.constant 0 : i32
      %dma_wait3A_1666 = arith.constant 0 : i32
      %dma_wait3A_1667 = tpu.memref_slice %arg2[%dma_wait3A_1665, %dma_wait3A_1666] : memref<10000x128xf32, #tpu.memory_space<hbm>> -> memref<10000x128xf32, #tpu.memory_space<hbm>>
      tpu.wait_indirect_dma semaphore(%arg13 : memref<!tpu.dma_semaphore, #tpu.memory_space<semaphore_mem>>) src(%dma_wait3A_1667 : memref<10000x128xf32, #tpu.memory_space<hbm>>) dst(%dma_wait3A_1661 : memref<64x128xf32, #tpu.memory_space<vmem>>)
      %dma_wait3A_1668 = arith.constant 15 : i32
      %dma_wait3A_1669 = arith.constant 64 : i32
      %dma_wait3A_1670 = arith.constant 0 : i32
      %dma_wait3A_1671 = tpu.memref_slice %arg9[%dma_wait3A_1669, %dma_wait3A_1670] : memref<125x128xf32, #tpu.memory_space<vmem>> -> memref<61x128xf32, #tpu.memory_space<vmem>>
      %dma_wait3A_1672 = arith.constant 64 : i32
      %dma_wait3A_1673 = tpu.memref_slice %arg6[%dma_wait3A_1668, %dma_wait3A_1672] : memref<16x125xi32, #tpu.memory_space<vmem>> -> memref<1x61xi32, #tpu.memory_space<vmem>>
      %dma_wait3A_1674 = tpu.memref_squeeze %dma_wait3A_1673 : memref<1x61xi32, #tpu.memory_space<vmem>> -> memref<61xi32, #tpu.memory_space<vmem>>
      %dma_wait3A_1675 = arith.constant 0 : i32
      %dma_wait3A_1676 = arith.constant 0 : i32
      %dma_wait3A_1677 = tpu.memref_slice %arg2[%dma_wait3A_1675, %dma_wait3A_1676] : memref<10000x128xf32, #tpu.memory_space<hbm>> -> memref<10000x128xf32, #tpu.memory_space<hbm>>
      tpu.wait_indirect_dma semaphore(%arg13 : memref<!tpu.dma_semaphore, #tpu.memory_space<semaphore_mem>>) src(%dma_wait3A_1677 : memref<10000x128xf32, #tpu.memory_space<hbm>>) dst(%dma_wait3A_1671 : memref<61x128xf32, #tpu.memory_space<vmem>>)
      %dma_start3A_1678 = arith.constant 15 : i32
      %dma_start3A_1679 = arith.constant 0 : i32
      %dma_start3A_1680 = tpu.memref_slice %arg7[%dma_start3A_1678, %dma_start3A_1679] : memref<16x125xi32, #tpu.memory_space<vmem>> -> memref<1x125xi32, #tpu.memory_space<vmem>>
      %dma_start3A_1681 = tpu.memref_squeeze %dma_start3A_1680 : memref<1x125xi32, #tpu.memory_space<vmem>> -> memref<125xi32, #tpu.memory_space<vmem>>
      %dma_start3A_1682 = arith.constant 0 : i32
      %dma_start3A_1683 = arith.constant 0 : i32
      %dma_start3A_1684 = tpu.memref_slice %arg11[%dma_start3A_1682, %dma_start3A_1683] : memref<10112x128xf32, #tpu.memory_space<vmem_shared>> -> memref<10112x128xf32, #tpu.memory_space<vmem_shared>>
      tpu.enqueue_indirect_dma source(%arg9 : memref<125x128xf32, #tpu.memory_space<vmem>>) target(%dma_start3A_1684 : memref<10112x128xf32, #tpu.memory_space<vmem_shared>>) offsets(%dma_start3A_1681 : memref<125xi32, #tpu.memory_space<vmem>>) semaphore(%arg15 : memref<!tpu.dma_semaphore, #tpu.memory_space<semaphore_mem>>) {add = true}
      %get3A_1685 = arith.constant 15 : i32
      %get3A_1686 = arith.index_cast %get3A_1685 : i32 to index
      %get3A_1687 = arith.constant 0 : index
      %get3A_1688 = tpu.vector_load %arg7[%get3A_1686, %get3A_1687] {strides = array<i32>} : memref<16x125xi32, #tpu.memory_space<vmem>>, vector<16xi32>,
      tpu.vector_store_idx %arg10[%get3A_1688], %broadcast_in_dim3A_5 {add = true} : memref<10112xf32, #tpu.memory_space<vmem>>[vector<16xi32>], vector<16xf32>,
      %get3A_1689 = arith.constant 15 : i32
      %get3A_1690 = arith.index_cast %get3A_1689 : i32 to index
      %get3A_1691 = arith.constant 16 : index
      %get3A_1692 = tpu.vector_load %arg7[%get3A_1690, %get3A_1691] {strides = array<i32>} : memref<16x125xi32, #tpu.memory_space<vmem>>, vector<16xi32>,
      tpu.vector_store_idx %arg10[%get3A_1692], %broadcast_in_dim3A_5 {add = true} : memref<10112xf32, #tpu.memory_space<vmem>>[vector<16xi32>], vector<16xf32>,
      %get3A_1693 = arith.constant 15 : i32
      %get3A_1694 = arith.index_cast %get3A_1693 : i32 to index
      %get3A_1695 = arith.constant 32 : index
      %get3A_1696 = tpu.vector_load %arg7[%get3A_1694, %get3A_1695] {strides = array<i32>} : memref<16x125xi32, #tpu.memory_space<vmem>>, vector<16xi32>,
      tpu.vector_store_idx %arg10[%get3A_1696], %broadcast_in_dim3A_5 {add = true} : memref<10112xf32, #tpu.memory_space<vmem>>[vector<16xi32>], vector<16xf32>,
      %get3A_1697 = arith.constant 15 : i32
      %get3A_1698 = arith.index_cast %get3A_1697 : i32 to index
      %get3A_1699 = arith.constant 48 : index
      %get3A_1700 = tpu.vector_load %arg7[%get3A_1698, %get3A_1699] {strides = array<i32>} : memref<16x125xi32, #tpu.memory_space<vmem>>, vector<16xi32>,
      tpu.vector_store_idx %arg10[%get3A_1700], %broadcast_in_dim3A_5 {add = true} : memref<10112xf32, #tpu.memory_space<vmem>>[vector<16xi32>], vector<16xf32>,
      %get3A_1701 = arith.constant 15 : i32
      %get3A_1702 = arith.index_cast %get3A_1701 : i32 to index
      %get3A_1703 = arith.constant 64 : index
      %get3A_1704 = tpu.vector_load %arg7[%get3A_1702, %get3A_1703] {strides = array<i32>} : memref<16x125xi32, #tpu.memory_space<vmem>>, vector<16xi32>,
      tpu.vector_store_idx %arg10[%get3A_1704], %broadcast_in_dim3A_5 {add = true} : memref<10112xf32, #tpu.memory_space<vmem>>[vector<16xi32>], vector<16xf32>,
      %get3A_1705 = arith.constant 15 : i32
      %get3A_1706 = arith.index_cast %get3A_1705 : i32 to index
      %get3A_1707 = arith.constant 80 : index
      %get3A_1708 = tpu.vector_load %arg7[%get3A_1706, %get3A_1707] {strides = array<i32>} : memref<16x125xi32, #tpu.memory_space<vmem>>, vector<16xi32>,
      tpu.vector_store_idx %arg10[%get3A_1708], %broadcast_in_dim3A_5 {add = true} : memref<10112xf32, #tpu.memory_space<vmem>>[vector<16xi32>], vector<16xf32>,
      %get3A_1709 = arith.constant 15 : i32
      %get3A_1710 = arith.index_cast %get3A_1709 : i32 to index
      %get3A_1711 = arith.constant 96 : index
      %get3A_1712 = tpu.vector_load %arg7[%get3A_1710, %get3A_1711] {strides = array<i32>} : memref<16x125xi32, #tpu.memory_space<vmem>>, vector<16xi32>,
      tpu.vector_store_idx %arg10[%get3A_1712], %broadcast_in_dim3A_5 {add = true} : memref<10112xf32, #tpu.memory_space<vmem>>[vector<16xi32>], vector<16xf32>,
      %get3A_1713 = arith.constant 15 : i32
      %get3A_1714 = arith.index_cast %get3A_1713 : i32 to index
      %get3A_1715 = arith.constant 109 : index
      %get3A_1716 = tpu.vector_load %arg7[%get3A_1714, %get3A_1715] {strides = array<i32>} : memref<16x125xi32, #tpu.memory_space<vmem>>, vector<16xi32>,
      tpu.vector_store_idx %arg10[%get3A_1716], %broadcast_in_dim3A_5 masked %ge3A_7 {add = true} : memref<10112xf32, #tpu.memory_space<vmem>>[vector<16xi32>], vector<16xf32>, vector<16xi1>
      %dma_wait3A_1717 = arith.constant 15 : i32
      %dma_wait3A_1718 = arith.constant 0 : i32
      %dma_wait3A_1719 = tpu.memref_slice %arg7[%dma_wait3A_1717, %dma_wait3A_1718] : memref<16x125xi32, #tpu.memory_space<vmem>> -> memref<1x125xi32, #tpu.memory_space<vmem>>
      %dma_wait3A_1720 = tpu.memref_squeeze %dma_wait3A_1719 : memref<1x125xi32, #tpu.memory_space<vmem>> -> memref<125xi32, #tpu.memory_space<vmem>>
      %dma_wait3A_1721 = arith.constant 0 : i32
      %dma_wait3A_1722 = arith.constant 0 : i32
      %dma_wait3A_1723 = tpu.memref_slice %arg11[%dma_wait3A_1721, %dma_wait3A_1722] : memref<10112x128xf32, #tpu.memory_space<vmem_shared>> -> memref<10112x128xf32, #tpu.memory_space<vmem_shared>>
      tpu.wait_indirect_dma semaphore(%arg15 : memref<!tpu.dma_semaphore, #tpu.memory_space<semaphore_mem>>) src(%arg9 : memref<125x128xf32, #tpu.memory_space<vmem>>) dst(%dma_wait3A_1723 : memref<10112x128xf32, #tpu.memory_space<vmem_shared>>)
      %not3A_1724 = arith.constant true
      %not3A_1725 = arith.xori %eq3A_293, %not3A_1724 : i1
      %convert_element_type3A_1726 = arith.extui %not3A_1725 : i1 to i32
      %cond3A_1727 = arith.constant 0 : i32
      %cond3A_1728 = arith.cmpi ne, %convert_element_type3A_1726, %cond3A_1727 : i32
      scf.if %cond3A_1728 {
        %dma_start3A_1729 = arith.constant 1 : i32
        %dma_start3A_1730 = arith.constant 0 : i32
        %dma_start3A_1731 = arith.constant 0 : i32
        %dma_start3A_1732 = tpu.memref_slice %arg9[%dma_start3A_1730, %dma_start3A_1731] : memref<125x128xf32, #tpu.memory_space<vmem>> -> memref<64x128xf32, #tpu.memory_space<vmem>>
        %dma_start3A_1733 = arith.constant 0 : i32
        %dma_start3A_1734 = tpu.memref_slice %arg6[%dma_start3A_1729, %dma_start3A_1733] : memref<16x125xi32, #tpu.memory_space<vmem>> -> memref<1x64xi32, #tpu.memory_space<vmem>>
        %dma_start3A_1735 = tpu.memref_squeeze %dma_start3A_1734 : memref<1x64xi32, #tpu.memory_space<vmem>> -> memref<64xi32, #tpu.memory_space<vmem>>
        %dma_start3A_1736 = arith.constant 0 : i32
        %dma_start3A_1737 = arith.constant 0 : i32
        %dma_start3A_1738 = tpu.memref_slice %arg2[%dma_start3A_1736, %dma_start3A_1737] : memref<10000x128xf32, #tpu.memory_space<hbm>> -> memref<10000x128xf32, #tpu.memory_space<hbm>>
        tpu.enqueue_indirect_dma source(%dma_start3A_1738 : memref<10000x128xf32, #tpu.memory_space<hbm>>) target(%dma_start3A_1732 : memref<64x128xf32, #tpu.memory_space<vmem>>) offsets(%dma_start3A_1735 : memref<64xi32, #tpu.memory_space<vmem>>) semaphore(%arg13 : memref<!tpu.dma_semaphore, #tpu.memory_space<semaphore_mem>>)
        %dma_start3A_1739 = arith.constant 1 : i32
        %dma_start3A_1740 = arith.constant 64 : i32
        %dma_start3A_1741 = arith.constant 0 : i32
        %dma_start3A_1742 = tpu.memref_slice %arg9[%dma_start3A_1740, %dma_start3A_1741] : memref<125x128xf32, #tpu.memory_space<vmem>> -> memref<61x128xf32, #tpu.memory_space<vmem>>
        %dma_start3A_1743 = arith.constant 64 : i32
        %dma_start3A_1744 = tpu.memref_slice %arg6[%dma_start3A_1739, %dma_start3A_1743] : memref<16x125xi32, #tpu.memory_space<vmem>> -> memref<1x61xi32, #tpu.memory_space<vmem>>
        %dma_start3A_1745 = tpu.memref_squeeze %dma_start3A_1744 : memref<1x61xi32, #tpu.memory_space<vmem>> -> memref<61xi32, #tpu.memory_space<vmem>>
        %dma_start3A_1746 = arith.constant 0 : i32
        %dma_start3A_1747 = arith.constant 0 : i32
        %dma_start3A_1748 = tpu.memref_slice %arg2[%dma_start3A_1746, %dma_start3A_1747] : memref<10000x128xf32, #tpu.memory_space<hbm>> -> memref<10000x128xf32, #tpu.memory_space<hbm>>
        tpu.enqueue_indirect_dma source(%dma_start3A_1748 : memref<10000x128xf32, #tpu.memory_space<hbm>>) target(%dma_start3A_1742 : memref<61x128xf32, #tpu.memory_space<vmem>>) offsets(%dma_start3A_1745 : memref<61xi32, #tpu.memory_space<vmem>>) semaphore(%arg13 : memref<!tpu.dma_semaphore, #tpu.memory_space<semaphore_mem>>)
      } else {
      }
    }
    %scan3A_268 = arith.constant 5 : i32
    %barrier3A_269 = arith.constant 0 : index
    tpu.barrier barrier_id(%barrier3A_269)
    %dma_start3A_270 = arith.constant 0 : i32
    %dma_start3A_271 = tpu.memref_slice %arg4[%arg0, %mul3A_2, %dma_start3A_270] : memref<2x10112x128xf32, #tpu.memory_space<hbm>> -> memref<1x632x128xf32, #tpu.memory_space<hbm>>
    %dma_start3A_272 = tpu.memref_squeeze %dma_start3A_271 : memref<1x632x128xf32, #tpu.memory_space<hbm>> -> memref<632x128xf32, #tpu.memory_space<hbm>>
    %dma_start3A_273 = arith.constant 0 : i32
    %dma_start3A_274 = tpu.memref_slice %arg11[%mul3A_2, %dma_start3A_273] : memref<10112x128xf32, #tpu.memory_space<vmem_shared>> -> memref<632x128xf32, #tpu.memory_space<vmem_shared>>
    tpu.enqueue_dma source(%dma_start3A_274 : memref<632x128xf32, #tpu.memory_space<vmem_shared>>) target(%dma_start3A_272 : memref<632x128xf32, #tpu.memory_space<hbm>>) target_semaphore(%arg12 : memref<!tpu.dma_semaphore, #tpu.memory_space<semaphore_mem>>)
    %dma_start3A_275 = arith.constant 0 : i32
    %dma_start3A_276 = tpu.memref_slice %arg5[%add3A, %dma_start3A_275] : memref<32x10112xf32, #tpu.memory_space<hbm>> -> memref<1x10112xf32, #tpu.memory_space<hbm>>
    %dma_start3A_277 = tpu.memref_squeeze %dma_start3A_276 : memref<1x10112xf32, #tpu.memory_space<hbm>> -> memref<10112xf32, #tpu.memory_space<hbm>>
    %dma_start3A_278 = arith.constant 0 : i32
    %dma_start3A_279 = tpu.memref_slice %arg5[%add3A, %dma_start3A_278] : memref<32x10112xf32, #tpu.memory_space<hbm>> -> memref<1x10112xf32, #tpu.memory_space<hbm>>
    %dma_start3A_280 = tpu.memref_squeeze %dma_start3A_279 : memref<1x10112xf32, #tpu.memory_space<hbm>> -> memref<10112xf32, #tpu.memory_space<hbm>>
    tpu.enqueue_dma source(%arg10 : memref<10112xf32, #tpu.memory_space<vmem>>) target(%dma_start3A_280 : memref<10112xf32, #tpu.memory_space<hbm>>) target_semaphore(%arg13 : memref<!tpu.dma_semaphore, #tpu.memory_space<semaphore_mem>>)
    %dma_wait3A_281 = arith.constant 0 : i32
    %dma_wait3A_282 = tpu.memref_slice %arg4[%arg0, %mul3A_2, %dma_wait3A_281] : memref<2x10112x128xf32, #tpu.memory_space<hbm>> -> memref<1x632x128xf32, #tpu.memory_space<hbm>>
    %dma_wait3A_283 = tpu.memref_squeeze %dma_wait3A_282 : memref<1x632x128xf32, #tpu.memory_space<hbm>> -> memref<632x128xf32, #tpu.memory_space<hbm>>
    %dma_wait3A_284 = arith.constant 0 : i32
    %dma_wait3A_285 = tpu.memref_slice %arg11[%mul3A_2, %dma_wait3A_284] : memref<10112x128xf32, #tpu.memory_space<vmem_shared>> -> memref<632x128xf32, #tpu.memory_space<vmem_shared>>
    tpu.wait_dma2 semaphore(%arg12 : memref<!tpu.dma_semaphore, #tpu.memory_space<semaphore_mem>>) src(%dma_wait3A_285 : memref<632x128xf32, #tpu.memory_space<vmem_shared>>) dst(%dma_wait3A_283 : memref<632x128xf32, #tpu.memory_space<hbm>>)
    %dma_wait3A_286 = arith.constant 0 : i32
    %dma_wait3A_287 = tpu.memref_slice %arg5[%add3A, %dma_wait3A_286] : memref<32x10112xf32, #tpu.memory_space<hbm>> -> memref<1x10112xf32, #tpu.memory_space<hbm>>
    %dma_wait3A_288 = tpu.memref_squeeze %dma_wait3A_287 : memref<1x10112xf32, #tpu.memory_space<hbm>> -> memref<10112xf32, #tpu.memory_space<hbm>>
    %dma_wait3A_289 = arith.constant 0 : i32
    %dma_wait3A_290 = tpu.memref_slice %arg5[%add3A, %dma_wait3A_289] : memref<32x10112xf32, #tpu.memory_space<hbm>> -> memref<1x10112xf32, #tpu.memory_space<hbm>>
    %dma_wait3A_291 = tpu.memref_squeeze %dma_wait3A_290 : memref<1x10112xf32, #tpu.memory_space<hbm>> -> memref<10112xf32, #tpu.memory_space<hbm>>
    tpu.wait_dma2 semaphore(%arg13 : memref<!tpu.dma_semaphore, #tpu.memory_space<semaphore_mem>>) src(%arg10 : memref<10112xf32, #tpu.memory_space<vmem>>) dst(%dma_wait3A_291 : memref<10112xf32, #tpu.memory_space<hbm>>)
    return
  }
}

module attributes {stable_mosaic.version = 14 : i64} {
  func.func @_tc_combine_body(%arg0: i32, %arg1: memref<2x2560x128xf32, #tpu.memory_space<vmem>>, %arg2: memref<32x2560xf32, #tpu.memory_space<vmem>>, %arg3: memref<2560x128xf32, #tpu.memory_space<vmem>>, %arg4: memref<128x128xf32, #tpu.memory_space<vmem>>, %arg5: memref<128x128xf32, #tpu.memory_space<vmem>>, %arg6: memref<1x128xf32, #tpu.memory_space<vmem>>, %arg7: memref<2560x128xf32, #tpu.memory_space<vmem>>) attributes {dimension_semantics = [#tpu.dimension_semantics<arbitrary>], iteration_bounds = array<i64: 4>, scalar_prefetch = 0 : i64, scratch_operands = 0 : i64, tpu.core_type = #tpu.core_type<tc>, window_params = [{transform_indices = @transform_0, window_bounds = array<i64: 2, 2560, 128>}, {transform_indices = @transform_1, window_bounds = array<i64: 32, 2560>}, {transform_indices = @transform_2, window_bounds = array<i64: 2560, 128>}, {pipeline_mode = #tpu.pipeline_mode<synchronous>, transform_indices = @transform_3, window_bounds = array<i64: 128, 128>}, {pipeline_mode = #tpu.pipeline_mode<synchronous>, transform_indices = @transform_4, window_bounds = array<i64: 128, 128>}, {pipeline_mode = #tpu.pipeline_mode<synchronous>, transform_indices = @transform_5, window_bounds = array<i64: 1, 128>}, {transform_indices = @transform_6, window_bounds = array<i64: 2560, 128>}]} {
    %get3A = arith.constant 0 : index
    %get3A_0 = arith.constant 0 : index
    %get3A_1 = arith.constant 0 : index
    %get3A_2 = vector.load %arg1[%get3A, %get3A_0, %get3A_1] : memref<2x2560x128xf32, #tpu.memory_space<vmem>>, vector<1x2560x128xf32>
    %get3A_3 = vector.shape_cast %get3A_2 : vector<1x2560x128xf32> to vector<2560x128xf32>
    %get3A_4 = arith.constant 1 : index
    %get3A_5 = arith.constant 0 : index
    %get3A_6 = arith.constant 0 : index
    %get3A_7 = vector.load %arg1[%get3A_4, %get3A_5, %get3A_6] : memref<2x2560x128xf32, #tpu.memory_space<vmem>>, vector<1x2560x128xf32>
    %get3A_8 = vector.shape_cast %get3A_7 : vector<1x2560x128xf32> to vector<2560x128xf32>
    %add3A = arith.addf %get3A_3, %get3A_8 : vector<2560x128xf32>
    %get3A_9 = arith.constant 0 : index
    %get3A_10 = arith.constant 0 : index
    %get3A_11 = vector.load %arg2[%get3A_9, %get3A_10] : memref<32x2560xf32, #tpu.memory_space<vmem>>, vector<32x2560xf32>
    %broadcast_in_dim3A = arith.constant 1.000000e+00 : f32
    %broadcast_in_dim3A_12 = vector.broadcast %broadcast_in_dim3A : f32 to vector<32x1xf32>
    %dot_general3A = arith.constant dense<0.000000e+00> : vector<2560x1xf32>
    %dot_general3A_13 = tpu.matmul %get3A_11, %broadcast_in_dim3A_12, %dot_general3A {dimension_numbers = #tpu.dot_dimension_numbers<[0], [0], [1], [1], [0, 1, 1, 1], [], []>, transpose_lhs_hint = false} : vector<32x2560xf32>, vector<32x1xf32>, vector<2560x1xf32> -> vector<2560x1xf32>
    %max3A = arith.constant 1.000000e+00 : f32
    %max3A_14 = vector.broadcast %max3A : f32 to vector<2560x1xf32>
    %max3A_15 = arith.maximumf %dot_general3A_13, %max3A_14 : vector<2560x1xf32>
    %div3A = vector.broadcast %max3A_15 : vector<2560x1xf32> to vector<2560x128xf32>
    %div3A_16 = arith.divf %add3A, %div3A : vector<2560x128xf32>
    %get3A_17 = arith.constant 0 : index
    %get3A_18 = arith.constant 0 : index
    %get3A_19 = vector.load %arg4[%get3A_17, %get3A_18] : memref<128x128xf32, #tpu.memory_space<vmem>>, vector<128x128xf32>
    %dot_general3A_20 = arith.constant dense<0.000000e+00> : vector<2560x128xf32>
    %dot_general3A_21 = tpu.matmul %div3A_16, %get3A_19, %dot_general3A_20 {dimension_numbers = #tpu.dot_dimension_numbers<[1], [1], [0], [0], [0, 0, 1, 0], [], []>, transpose_lhs_hint = false} : vector<2560x128xf32>, vector<128x128xf32>, vector<2560x128xf32> -> vector<2560x128xf32>
    %get3A_22 = arith.constant 0 : index
    %get3A_23 = arith.constant 0 : index
    %get3A_24 = vector.load %arg6[%get3A_22, %get3A_23] : memref<1x128xf32, #tpu.memory_space<vmem>>, vector<1x128xf32>
    %add3A_25 = vector.broadcast %get3A_24 : vector<1x128xf32> to vector<2560x128xf32>
    %add3A_26 = arith.addf %dot_general3A_21, %add3A_25 : vector<2560x128xf32>
    %get3A_27 = arith.constant 0 : index
    %get3A_28 = arith.constant 0 : index
    %get3A_29 = vector.load %arg3[%get3A_27, %get3A_28] : memref<2560x128xf32, #tpu.memory_space<vmem>>, vector<2560x128xf32>
    %get3A_30 = arith.constant 0 : index
    %get3A_31 = arith.constant 0 : index
    %get3A_32 = vector.load %arg5[%get3A_30, %get3A_31] : memref<128x128xf32, #tpu.memory_space<vmem>>, vector<128x128xf32>
    %dot_general3A_33 = arith.constant dense<0.000000e+00> : vector<2560x128xf32>
    %dot_general3A_34 = tpu.matmul %get3A_29, %get3A_32, %dot_general3A_33 {dimension_numbers = #tpu.dot_dimension_numbers<[1], [1], [0], [0], [0, 0, 1, 0], [], []>, transpose_lhs_hint = false} : vector<2560x128xf32>, vector<128x128xf32>, vector<2560x128xf32> -> vector<2560x128xf32>
    %add3A_35 = arith.addf %add3A_26, %dot_general3A_34 : vector<2560x128xf32>
    %swap3A = arith.constant 0 : index
    %swap3A_36 = arith.constant 0 : index
    %swap3A_37 = vector.load %arg7[%swap3A, %swap3A_36] : memref<2560x128xf32, #tpu.memory_space<vmem>>, vector<2560x128xf32>
    tpu.vector_store %arg7[%swap3A, %swap3A_36], %add3A_35 {strides = array<i32>} : memref<2560x128xf32, #tpu.memory_space<vmem>>, vector<2560x128xf32>,
    return
  }
  func.func @transform_0(%arg0: i32) -> (i32, i32, i32) {
    %c0_i32 = arith.constant 0 : i32
    %c0_i32_0 = arith.constant 0 : i32
    %c0_i32_1 = arith.constant 0 : i32
    return %c0_i32, %arg0, %c0_i32_0 : i32, i32, i32
  }
  func.func @transform_1(%arg0: i32) -> (i32, i32) {
    %c0_i32 = arith.constant 0 : i32
    %c0_i32_0 = arith.constant 0 : i32
    return %c0_i32, %arg0 : i32, i32
  }
  func.func @transform_2(%arg0: i32) -> (i32, i32) {
    %c0_i32 = arith.constant 0 : i32
    %c0_i32_0 = arith.constant 0 : i32
    return %arg0, %c0_i32 : i32, i32
  }
  func.func @transform_3(%arg0: i32) -> (i32, i32) {
    %c0_i32 = arith.constant 0 : i32
    %c0_i32_0 = arith.constant 0 : i32
    %c0_i32_1 = arith.constant 0 : i32
    return %c0_i32, %c0_i32_0 : i32, i32
  }
  func.func @transform_4(%arg0: i32) -> (i32, i32) {
    %c0_i32 = arith.constant 0 : i32
    %c0_i32_0 = arith.constant 0 : i32
    %c0_i32_1 = arith.constant 0 : i32
    return %c0_i32, %c0_i32_0 : i32, i32
  }
  func.func @transform_5(%arg0: i32) -> (i32, i32) {
    %c0_i32 = arith.constant 0 : i32
    %c0_i32_0 = arith.constant 0 : i32
    %c0_i32_1 = arith.constant 0 : i32
    return %c0_i32, %c0_i32_0 : i32, i32
  }
  func.func @transform_6(%arg0: i32) -> (i32, i32) {
    %c0_i32 = arith.constant 0 : i32
    %c0_i32_0 = arith.constant 0 : i32
    return %arg0, %c0_i32 : i32, i32
  }
}

</mosaic_0001>

<sc_bundles>
// kernel: kernel.4.cloned.1.call-start
scs
__scs_entry_jumppad:
0x0: {  	(pc) =	sbr.rel $0x88, $3  }
0x1: {  	(tag) =	ssettag $0x0;
	lr =	simm.s32 $0x1  }
0x2: {  	[smem:$0x3F9C] =	sst lr;
	_ =	strace $0xD0000000  }
0x3: {  	_ = 	snop  }
0x4: {  	_ = 	snop  }
0x5: {  	_ = 	snop  }
0x6: {  	_ = 	snop  }
0x7: {  	_ = 	snop  }
__scs_overlays_trampoline_lowered:
0x8: {  	[smem:$0x3FAB] =	sst s0  }
0x9: {  	[smem:$0x3FAC] =	sst s1  }
0xa: {  	[smem:$0x3FAD] =	sst s2  }
0xb: {  	[smem:$0x3FAE] =	sst s3  }
0xc: {  	[smem:$0x3FAF] =	sst s4  }
0xd: {  	[smem:$0x3FB0] =	sst s5  }
0xe: {  	[smem:$0x3FB1] =	sst s6  }
0xf: {  	[smem:$0x3FB2] =	sst s7  }
0x10: {  	[smem:$0x3FB3] =	sst s8  }
0x11: {  	[smem:$0x3FB4] =	sst s9;
	s0 =	simm.s32 @!p0 $0x0  }
0x12: {  	s1 =	sld [smem:$0x3F9A];
	s0 =	simm.s32 @p0 $0x1  }
0x13: {  	[smem:$0x3FB5] =	sst s0;
	s0 =	simm.s32 @!p1 $0x0  }
0x14: {  	s2 =	sld [smem:$0x3F99];
	s0 =	simm.s32 @p1 $0x1  }
0x15: {  	[smem:$0x3FB6] =	sst s0;
	s0 =	simm.s32 @!p2 $0x0  }
0x16: {  	s3 =	sld [smem:$0x3FDB];
	s0 =	simm.s32 @p2 $0x1  }
0x17: {  	s4 =	simm.s32 $0x1BF5;
	[smem:$0x3FB8] =	sst s0  }
0x18: {  	s0 =	sld [smem:$0x3F9B];
	_ =	swait.ge [sflag:s4], $0x0  }
0x19: {  	s7 =	sld [smem:$0x3F9C]  }
0x1a: {  	s8 =	sadd.s32 $0xFFFFE003, lr  }
0x1b: {  	s9 =	sadd.s32 $0xFFFFFEF7, lr;
	s5 =	simm.s32 $0xFFFFFFFF;
	p2 =	slt.u32 s8, $0xFFFFF086  }
0x1c: {  	p1 =	slt.u32 s9, $0xF7A;
	s5 =	simm.s32 @!p2 $0x0  }
0x1d: {  	s5 =	simm.s32 @p1 $0x1;
	p0 =	seq.s32 s7, s2  }
0x1e: {  	s7 =	smul.u32 @!p0 $0xF7A, s2;
	p2 =	seq.s32 @!p0 s5, $0x0  }
0x1f: {  	s9 =	smul.u32 $0xF7A, s1;
	s8 =	simm.s32 @!p0 $0x1BF5;
	p2 =	por !p2, p0  }
0x20: {  	[sflag:s8] =	ssyncset.s32 @!p0 $0xFFFFF086;
	s6 =	sadd.s32 @!p0 s3, s7;
	s7 =	simm.s32 @!p0 $0x108  }
0x21: {  	s3 =	sadd.s32 s3, s9;
	s6 =	sadd.s32 @!p0 $0x88, s6;
	s7 =	simm.s32 @p2 $0x1082  }
0x22: {  	[simem:s7], [sflag:s8] =	dma.local @!p0 [hbm:s6], $0xF7A  }
0x23: {  	s9 =	sor.u32 $0xD0000000, s2;
	s6 =	simm.s32 $0x108;
	_ =	swait.ge @!p0 [sflag:s8], $0x0  }
0x24: {  	s3 =	sadd.s32 $0x88, s3;
	s6 =	simm.s32 @!p1 $0x1082;
	[sflag:s4] =	ssyncset.s32 $0xFFFFF086  }
0x25: {  	[simem:s6], [sflag:s4] =	dma.local [hbm:s3], $0xF7A  }
0x26: {  	[smem:$0x3F9C] =	sst s1;
	(tag) =	ssettag s2;
	_ =	strace s9  }
0x27: {  	s1 =	sld [smem:$0x3FAC]  }
0x28: {  	s2 =	sld [smem:$0x3FAD]  }
0x29: {  	s4 =	sld [smem:$0x3FAF]  }
0x2a: {  	p0 =	seq.s32 s5, $0x0;
	s5 =	sld [smem:$0x3FB0]  }
0x2b: {  	s6 =	sld [smem:$0x3FB1]  }
0x2c: {  	s7 =	sld [smem:$0x3FB2]  }
0x2d: {  	s3 =	simm.s32 $0x108;
	s8 =	sld [smem:$0x3FB3]  }
0x2e: {  	s3 =	simm.s32 @!p0 $0x1082;
	s9 =	sld [smem:$0x3FB4]  }
0x2f: {  	lr =	sadd.s32 s0, s3;
	s0 =	sld [smem:$0x3FAB]  }
0x30: {  	s3 =	sld [smem:$0x3FAE]  }
0x31: {  	[smem:$0x3FB7] =	sst s10  }
0x32: {  	s10 =	sld [smem:$0x3FB5];
	_ =	sdelay $0x3  }
0x33: {  	p0 =	seq.s32 s10, $0x1;
	s10 =	sld [smem:$0x3FB7];
	_ =	sdelay $0x3  }
0x34: {  	[smem:$0x3FB7] =	sst s10  }
0x35: {  	s10 =	sld [smem:$0x3FB6];
	_ =	sdelay $0x3  }
0x36: {  	p1 =	seq.s32 s10, $0x1;
	s10 =	sld [smem:$0x3FB7];
	_ =	sdelay $0x3  }
0x37: {  	[smem:$0x3FB7] =	sst s10  }
0x38: {  	s10 =	sld [smem:$0x3FB8]  }
0x39: {  	_ = 	snop;
	(pc) =	sbr.ind lr, $3  }
0x3a: {  	_ = 	snop  }
0x3b: {  	_ = 	snop  }
0x3c: {  	p2 =	seq.s32 s10, $0x1;
	s10 =	sld [smem:$0x3FB7]  }
0x3d: {  	_ =	shalt  }
0x3e: {  	_ =	shalt  }
0x3f: {  	_ =	shalt  }
0x40: {  	_ =	shalt  }
0x41: {  	_ =	shalt  }
0x42: {  	_ =	shalt  }
0x43: {  	_ =	shalt  }
0x44: {  	_ =	shalt  }
0x45: {  	_ =	shalt  }
0x46: {  	_ =	shalt  }
0x47: {  	_ =	shalt  }
0x48: {  	_ =	shalt  }
0x49: {  	_ =	shalt  }
0x4a: {  	_ =	shalt  }
0x4b: {  	_ =	shalt  }
0x4c: {  	_ =	shalt  }
0x4d: {  	_ =	shalt  }
0x4e: {  	_ =	shalt  }
0x4f: {  	_ =	shalt  }
0x50: {  	_ =	shalt  }
0x51: {  	_ =	shalt  }
0x52: {  	_ =	shalt  }
0x53: {  	_ =	shalt  }
0x54: {  	_ =	shalt  }
0x55: {  	_ =	shalt  }
0x56: {  	_ =	shalt  }
0x57: {  	_ =	shalt  }
0x58: {  	_ =	shalt  }
0x59: {  	_ =	shalt  }
0x5a: {  	_ =	shalt  }
0x5b: {  	_ =	shalt  }
0x5c: {  	_ =	shalt  }
0x5d: {  	_ =	shalt  }
0x5e: {  	_ =	shalt  }
0x5f: {  	_ =	shalt  }
0x60: {  	_ =	shalt  }
0x61: {  	_ =	shalt  }
0x62: {  	_ =	shalt  }
0x63: {  	_ =	shalt  }
0x64: {  	_ =	shalt  }
0x65: {  	_ =	shalt  }
0x66: {  	_ =	shalt  }
0x67: {  	_ =	shalt  }
0x68: {  	_ =	shalt  }
0x69: {  	_ =	shalt  }
0x6a: {  	_ =	shalt  }
0x6b: {  	_ =	shalt  }
0x6c: {  	_ =	shalt  }
0x6d: {  	_ =	shalt  }
0x6e: {  	_ =	shalt  }
0x6f: {  	_ =	shalt  }
0x70: {  	_ =	shalt  }
0x71: {  	_ =	shalt  }
0x72: {  	_ =	shalt  }
0x73: {  	_ =	shalt  }
0x74: {  	_ =	shalt  }
0x75: {  	_ =	shalt  }
0x76: {  	_ =	shalt  }
0x77: {  	_ =	shalt  }
0x78: {  	_ =	shalt  }
0x79: {  	_ =	shalt  }
0x7a: {  	_ =	shalt  }
0x7b: {  	_ =	shalt  }
0x7c: {  	_ =	shalt  }
0x7d: {  	_ =	shalt  }
0x7e: {  	_ =	shalt  }
0x7f: {  	_ =	shalt  }
0x80: {  	_ =	shalt  }
0x81: {  	_ =	shalt  }
0x82: {  	_ =	shalt  }
0x83: {  	_ =	shalt  }
0x84: {  	_ =	shalt  }
0x85: {  	_ =	shalt  }
0x86: {  	_ =	shalt  }
0x87: {  	_ =	shalt  }
.Lfunc_end0:
.L_simem_size_0:
called_computation_lowered:
.L_overlay_start_0:
0x88: {  	s2 =	sld [smem:$0x3FD9]  }
0x89: {  	s3 =	sld [smem:$0x3FFE];
	_ =	sdelay $0x1  }
0x8a: {  	s1 =	srdreg.scid  }
0x8b: {  	s0 =	sand.u32 $0x1, s1  }
0x8c: {  	s17 =	sshll.u32 s0, $0xA;
	s2 =	sadd.s32 s3, s2  }
0x8d: {  	s2 =	sadd.s32 s2, s17  }
0x8e: {  	[smem:$0x3FC3] =	sst s2  }
0x8f: {  	_ = 	snop  }
0x90: {  	s2 =	sld [smem:$0x3FC9]  }
0x91: {  	s18 =	sld [smem:$0x3FD0];
	(tm) =	ssettm $0x1  }
0x92: {  	s4 =	sld [smem:$0x3FFB];
	_ =	sdelay $0x3  }
0x93: {  	_ =	strace s4  }
0x94: {  	s4 =	sld [smem:$0x3FFC];
	_ =	sdelay $0x3  }
0x95: {  	_ =	strace s4  }
0x96: {  	s4 =	sld [smem:$0x3FFD];
	_ =	sdelay $0x3  }
0x97: {  	_ =	strace s4  }
0x98: {  	_ =	strace $0x8FFFFFFF  }
0x99: {  	s19 =	sld [smem:$0x3FDB];
	_ =	sdelay $0x1  }
0x9a: {  	s5 =	simm.s32 $_scs_section_size  }
0x9b: {  	s6 =	simm.s32 $_size__tile_overlayer_lowered;
	s7 =	simm.s32 $_tile_overlayer_lowered  }
0x9c: {  	s22 =	simm.s32 $0x1BFF;
	s21 =	sshll.u32 s7, $0x1;
	s4 =	sadd.s32 s5, s19  }
0x9d: {  	s8 =	simm.s32 $0x0;
	s20 =	sshll.u32 s6, $0x1;
	s6 =	sadd.s32 s21, s4  }
0x9e: {  	[timem:s8], [sflag:s22] =	dma.local [hbm:s6], s20  }
0x9f: {  	_ =	swait.ge [sflag:s22], s20  }
0xa0: {  	s5 =	ssub.s32 $0x0, s20;
	[sflag:s22] =	ssyncset.done $0x0  }
0xa1: {  	[sflag:s22] =	ssyncadd.s32 s5;
	_ =	sdelay $0x1  }
0xa2: {  	s23 =	simm.s32 $0x1B8B  }
0xa3: {  	_ =	swait.ge [sflag:s23], $0x1  }
0xa4: {  	[sflag:s23] =	ssyncset.done $0x0  }
0xa5: {  	s25 =	simm.s32 $0x1B8E;
	s24 =	sld [smem:$0x3FFE];
	[sflag:s23] =	ssyncadd.s32 $0xFFFFFFFF  }
0xa6: {  	s26 =	simm.s32 $execute0_lowered;
	[smem:$0x3FD2] =	sst s25  }
0xa7: {  	s6 =	sshll.u32 s26, $0x1;
	_ =	strace $0x80000046;
	[dreg:$0x1] =	wrdreg $0xFFFFFFFF  }
0xa8: {  	s28 =	simm.s32 $_size_execute0_lowered;
	s4 =	sadd.s32 s4, s6;
	[dreg:$0x0] =	wrdreg $0x0  }
0xa9: {  	s6 =	sshll.u32 s28, $0x1;
	[dreg:$0x2] =	wrdreg s4  }
0xaa: {  	[dreg:$0x3] =	wrdreg s6  }
0xab: {  	[dreg:$0x4] =	wrdreg $0xC0  }
0xac: {  	_ =	task [dreg:s8], $0x5FFFF  }
0xad: {  	[dreg:$0x1] =	wrdreg $0xFFFFFFFF  }
0xae: {  	[dreg:$0x0] =	wrdreg $0x60  }
0xaf: {  	[dreg:$0x2] =	wrdreg s2  }
0xb0: {  	[dreg:$0x3] =	wrdreg s18  }
0xb1: {  	[dreg:$0x4] =	wrdreg s24  }
0xb2: {  	[dreg:$0x5] =	wrdreg $0xB4800  }
0xb3: {  	[dreg:$0x6] =	wrdreg $0x9  }
0xb4: {  	_ =	task.clear_ibuf [dreg:s8], $0x7FFFF;
	_ =	strace $0x90000046  }
0xb5: {  	s29 =	simm.s32 $0x9;
	_ =	strace $0x80000048  }
0xb6: {  	_ =	swait.ge [sflag:s29], $0x1  }
0xb7: {  	[sflag:s29] =	ssyncadd.s32 $0xFFFFFFFF  }
0xb8: {  	_ =	strace $0x90000048  }
0xb9: {  	_ =	sfence  }
0xba: {  	s30 =	sld [smem:$0x0];
	_ =	sdelay $0x2  }
0xbb: {  	s31 =	sshll.u32 s1, $0xD;
	s1 =	sshrl.u32 s1, $0x2  }
0xbc: {  	s3 =	sand.u32 $0x4000, s31;
	s1 =	sadd.s32 s1, s30  }
0xbd: {  	s0 =	sor.u32 s3, s0;
	s1 =	sshll.u32 s1, $0x11  }
0xbe: {  	s0 =	sor.u32 s1, s0  }
0xbf: {  	s0 =	sadd.s32 $0x8F2B, s0  }
0xc0: {  	[sflag:s0] =	ssyncadd.remote.s32 $0x1  }
0xc1: {  	_ =	sfence.sel $0xFFFF  }
0xc2: {  	[dreg:$0x0] =	wrdreg $0xFFFFFFFF;
	(pc) =	sbr.abs _section_cstart, $3  }
0xc3: {  	[dreg:$0x1] =	wrdreg $0xFFFFFFFF  }
0xc4: {  	_ =	task.clear_ibuf [dreg:s8], $0x2FFFF;
	_ =	strace $0x9FFFFFFF  }
0xc5: {  	(tm) =	ssettm $0x7FFFFFFF  }
tec
execute0_lowered:
.L_overlay_start_1:
0x0: {  	(tag) =	ssettag $0x1  }
0x1: {  	s1 =	rddreg [dreg:$0x0]  }
0x2: {  	s0 =	rddreg [dreg:$0x1]  }
0x3: {  	s2 =	srdreg.scid;
	s13 =	stileid.u32  }
0x4: {  	s5 =	rddreg [dreg:$0x2];
	s6 =	smul.u32 $0x13C00, s13  }
0x5: {  	s3 =	rddreg [dreg:$0x3];
	s4 =	simm.s32 $0x0;
	s11 =	smul.u32 $0x4F000, s13  }
0x6: {  	s28 =	simm.s32 $0x3000;
	s30 =	simm.s32 $0x4E80;
	s21 =	smul.u32 $0x500, s13  }
0x7: {  	s2 =	sand.u32 $0x1, s2;
	[smem:$0x7FF] =	sst s4;
	s24 =	smul.u32 $0x2800, s13  }
0x8: {  	s22 =	sadd.s32 $0xA000, s0;
	s7 =	smul.u32 $0x13C000, s2;
	s8 =	sshll.u32 s2, $0x4  }
0x9: {  	s10 =	ssub.s32 $0x2, s2;
	_ =	strace $0x80000047;
	s18 =	smul.u32 $0x5000, s2  }
0xa: {  	s2 =	smul.u32 $0x28000, s2;
	s8 =	sor.u32 s13, s8;
	s12 =	sshrl.u32 s10, $0x1  }
0xb: {  	s15 =	sshrl.u32 s11, $0x2;
	s31 =	sadd.s32 s6, s3;
	s13 =	simm.s32 $0x4  }
0xc: {  	s11 =	simm.s32 $0xE80;
	s7 =	sadd.s32 s6, s7;
	s9 =	smul.u32 $0x4F0, s8  }
0xd: {  	s14 =	ssub.s32 s10, s12;
	s16 =	sadd.s32 s15, s3;
	s8 =	smul.u32 $0x500, s8  }
0xe: {  	s25 =	sadd.s32 s18, s22;
	s2 =	sadd.s32 s24, s2;
	s29 =	sadd.s32 s18, s0  }
0xf: {  	s24 =	simm.s32 $0x5;
	s12 =	simm.s32 $0x780;
	s15 =	simm.s32 $0xF80  }
0x10: {  	[dreg:$0x5] =	wrdreg s31;
	s7 =	sshrl.u32 s7, $0x3;
	s10 =	sadd.s32 $0x3C00, s16  }
0x11: {  	s17 =	sadd.s32 $0x7800, s16;
	s19 =	sadd.s32 $0xB400, s16;
	[dreg:$0x6] =	wrdreg s10  }
0x12: {  	s20 =	sadd.s32 $0xF000, s16;
	s6 =	sadd.s32 $0x12C00, s16;
	[dreg:$0x7] =	wrdreg s17  }
0x13: {  	s26 =	smax.u32 s14, $0x1;
	s2 =	sshrl.u32 s2, $0x3;
	[dreg:$0x8] =	wrdreg s19  }
0x14: {  	s14 =	simm.s32 $0x7C0;
	s7 =	sadd.s32 s7, s5;
	[dreg:$0x9] =	wrdreg s20  }
0x15: {  	s5 =	sadd.s32 s9, s5;
	[dreg:$0xa] =	wrdreg s6;
	s23 =	sadd.s32 s0, s8  }
0x16: {  	s8 =	sadd.s32 s8, s22;
	[dreg:$0xf] =	wrdreg s26;
	s0 =	sadd.s32 s2, s0  }
0x17: {  	s2 =	sadd.s32 s2, s22;
	s20 =	simm.s32 $0x1000;
	s22 =	simm.s32 $0x1  }
0x18: {  	s26 =	simm.s32 $0x3D;
	s6 =	simm.s32 $0x400;
	[dreg:$0xb] =	wrdreg s23  }
0x19: {  	s9 =	simm.s32 $0x3;
	s10 =	simm.s32 $0x0;
	[dreg:$0xc] =	wrdreg s8  }
0x1a: {  	s7 =	sadd.s32 $0xB600, s7;
	s5 =	sadd.s32 $0x1800, s5;
	s18 =	sadd.s32 $0x80, s0  }
.Ltmp0:
0x1b: {  	s19 =	sadd.s32 $0x80, s2;
	s23 =	simm.s32 $0x2;
	(pc) =	sbr.rel .LBB2_1-.Ltmp0, $4  }
0x1c: {  	s2 =	simm.s32 $0x6E80;
	s0 =	simm.s32 $0x7D;
	[dreg:$0xd] =	wrdreg s7  }
0x1d: {  	s8 =	simm.s32 $0x8D00;
	[dreg:$0xe] =	wrdreg s5;
	s5 =	sadd.s32 s21, s25  }
0x1e: {  	s25 =	simm.s32 $0x40;
	s16 =	sadd.s32 $0x100, s5;
	s5 =	sadd.s32 s21, s29  }
0x1f: {  	v0 =	vimm.f32 $0.0e+00;
	v1 =	vimm.f32 $1.000000000e+00;
	vm0 =	vcmask $0x3F0C;
	s7 =	simm.s32 $0xC00;
	s21 =	simm.s32 $0xF00;
	s17 =	sadd.s32 $0x100, s5  }
.LBB2_8:
0x20: {  	s5 =	stileid.u32;
	[bflag:$0x0] =	sbarrier.arrive $0xFFFF  }
0x21: {  	s5 =	sshll.u32 s5, $0x6;
	s31 =	rddreg [dreg:$0x5]  }
0x22: {  	s29 =	rddreg [dreg:$0xd];
	s5 =	sor.u32 $0x1C01, s5;
	s10 =	sshrl.u32 s31, $0x3  }
0x23: {  	[hbm:s29], [sflag:s5] =	dma.local [spmem:s10], $0x2780  }
0x24: {  	s5 =	rddreg [dreg:$0xe]  }
0x25: {  	[hbm4b:s5+s4] =	stream.linear.scatter [tilespmem:s8], [sflag:$0x2], $0x2780, $0x38;
	[tilespmem:$0x1F080] =	vst v63  }
0x26: {  	_ =	swait.ge [sflag:s22], $0x2780  }
0x27: {  	[sflag:s22] =	ssyncset.done $0x0  }
0x28: {  	[sflag:s22] =	ssyncadd.s32 $0xFFFFD880  }
0x29: {  	_ =	swait.ge [sflag:s23], $0x2780  }
0x2a: {  	s5 =	rddreg [dreg:$0x10]  }
0x2b: {  	s29 =	rddreg [dreg:$0xf];
	s10 =	sadd.s32 $0x1, s5  }
0x2c: {  	p0 =	sne.s32 s10, s29  }
.Ltmp1:
0x2d: {  	_ = 	snop;
	(pc) =	sbr.rel @!p0 .LBB2_9-.Ltmp1, $3  }
0x2e: {  	_ =	sdelay $0x1  }
0x2f: {  	[sflag:s23] =	ssyncset.done $0x0  }
0x30: {  	[sflag:s23] =	ssyncadd.s32 $0xFFFFD880  }
.LBB2_1:
0x31: {  	[dreg:$0x10] =	wrdreg s10;
	s5 =	simm.s32 $0x0;
	s29 =	simm.s32 $0x200  }
.LBB2_2:
0x32: {  	p0 =	sne.s32 s29, $0xEE00;
	[tilespmem:s5+$0x1070] =	vst v0  }
0x33: {  	[tilespmem:s5+$0x1000] =	vst v0  }
0x34: {  	[tilespmem:s5+$0x1010] =	vst v0  }
.Ltmp2:
0x35: {  	[tilespmem:s5+$0x1020] =	vst v0;
	(pc) =	sbr.rel @p0 .LBB2_2-.Ltmp2, $4  }
0x36: {  	[tilespmem:s5+$0x1030] =	vst v0  }
0x37: {  	[tilespmem:s5+$0x1040] =	vst v0  }
0x38: {  	[tilespmem:s5+$0x1050] =	vst v0  }
0x39: {  	[tilespmem:s5+$0x1060] =	vst v0;
	s5 =	sshra.s32 s29, $0x2;
	s29 =	sadd.s32 $0x200, s29  }
0x3a: {  	[tilespmem:s5+$0x1070] =	vst v0  }
0x3b: {  	[tilespmem:s5+$0x1000] =	vst v0  }
0x3c: {  	[tilespmem:s5+$0x1010] =	vst v0  }
0x3d: {  	[tilespmem:s5+$0x1020] =	vst v0  }
0x3e: {  	[tilespmem:s5+$0x1030] =	vst v0  }
0x3f: {  	[tilespmem:s5+$0x1040] =	vst v0  }
0x40: {  	[tilespmem:s5+$0x1050] =	vst v0  }
0x41: {  	[tilespmem:s5+$0x1060] =	vst v0  }
0x42: {  	[spmem:s31] =	stream.linear.scatter [tilespmem:s20], [sflag:$0x1], $0x3C00, $0x38;
	[tilespmem:$0x1F080] =	vst v63  }
0x43: {  	s10 =	rddreg [dreg:$0x6]  }
0x44: {  	[spmem:s10] =	stream.linear.scatter [tilespmem:s20], [sflag:$0x1], $0x3C00, $0x38;
	[tilespmem:$0x1F080] =	vst v63  }
0x45: {  	s31 =	rddreg [dreg:$0x7]  }
0x46: {  	[spmem:s31] =	stream.linear.scatter [tilespmem:s20], [sflag:$0x1], $0x3C00, $0x38;
	[tilespmem:$0x1F080] =	vst v63  }
0x47: {  	s10 =	rddreg [dreg:$0x8]  }
0x48: {  	[spmem:s10] =	stream.linear.scatter [tilespmem:s20], [sflag:$0x1], $0x3C00, $0x38;
	[tilespmem:$0x1F080] =	vst v63  }
0x49: {  	s31 =	rddreg [dreg:$0x9]  }
0x4a: {  	[spmem:s31] =	stream.linear.scatter [tilespmem:s20], [sflag:$0x1], $0x3C00, $0x38;
	[tilespmem:$0x1F080] =	vst v63  }
0x4b: {  	s10 =	rddreg [dreg:$0xa]  }
0x4c: {  	[spmem:s10] =	stream.linear.scatter [tilespmem:s20], [sflag:$0x2], $0x1000, $0x38;
	[tilespmem:$0x1F080] =	vst v63  }
0x4d: {  	s5 =	simm.s32 $0x0;
	s10 =	rddreg [dreg:$0xb]  }
0x4e: {  	[tilespmem:s5], [sflag:$0x5] =	stream.linear.gather [hbm4b:s10+s5], $0x800, $0x38;
	[tilespmem:$0x1F080] =	vst v63  }
0x4f: {  	s29 =	simm.s32 $0x800;
	s31 =	rddreg [dreg:$0xc]  }
0x50: {  	[tilespmem:s29], [sflag:$0x5] =	stream.linear.gather [hbm4b:s31+s5], $0x800, $0x38;
	[tilespmem:$0x1F080] =	vst v63  }
0x51: {  	s5 =	simm.s32 $0x40;
	s29 =	simm.s32 $0x0  }
.LBB2_4:
0x52: {  	p0 =	sne.s32 s5, $0x9DC0;
	[tilespmem:s29+$0x8D00] =	vst v0;
	s29 =	smov.u32 s5;
	s5 =	sadd.s32 $0x40, s5  }
.Ltmp3:
0x53: {  	(pc) =	sbr.rel @p0 .LBB2_4-.Ltmp3, $2  }
0x54: {  	_ =	sdelay $0x2  }
0x55: {  	s29 =	sshra.s32 s29, $0x2  }
0x56: {  	[tilespmem:s29+$0x8D00] =	vst v0  }
0x57: {  	_ =	swait.ge [sflag:s22], $0x3C00  }
0x58: {  	[sflag:s22] =	ssyncset.done $0x0  }
0x59: {  	[sflag:s22] =	ssyncadd.s32 $0xFFFFC400  }
0x5a: {  	_ =	swait.ge [sflag:s22], $0x3C00  }
0x5b: {  	[sflag:s22] =	ssyncset.done $0x0  }
0x5c: {  	[sflag:s22] =	ssyncadd.s32 $0xFFFFC400  }
0x5d: {  	_ =	swait.ge [sflag:s22], $0x3C00  }
0x5e: {  	[sflag:s22] =	ssyncset.done $0x0  }
0x5f: {  	[sflag:s22] =	ssyncadd.s32 $0xFFFFC400  }
0x60: {  	_ =	swait.ge [sflag:s22], $0x3C00  }
0x61: {  	[sflag:s22] =	ssyncset.done $0x0  }
0x62: {  	[sflag:s22] =	ssyncadd.s32 $0xFFFFC400  }
0x63: {  	_ =	swait.ge [sflag:s22], $0x3C00  }
0x64: {  	[sflag:s22] =	ssyncset.done $0x0  }
0x65: {  	[sflag:s22] =	ssyncadd.s32 $0xFFFFC400  }
0x66: {  	_ =	swait.ge [sflag:s23], $0x1000  }
0x67: {  	[sflag:s23] =	ssyncset.done $0x0  }
0x68: {  	[sflag:s23] =	ssyncadd.s32 $0xFFFFF000  }
0x69: {  	_ =	swait.ge [sflag:s24], $0x800  }
0x6a: {  	[sflag:s24] =	ssyncset.done $0x0  }
0x6b: {  	[sflag:s24] =	ssyncadd.s32 $0xFFFFF800  }
0x6c: {  	_ =	swait.ge [sflag:s24], $0x800  }
0x6d: {  	[sflag:s24] =	ssyncset.done $0x0  }
0x6e: {  	[sflag:s24] =	ssyncadd.s32 $0xFFFFF800  }
0x6f: {  	s5 =	simm.s32 $0x0;
	[bflag:$0x0] =	sbarrier.arrive $0xFFFF  }
0x70: {  	[tilespmem:s20], [sflag:$0x1] =	stream.indirect.gather [hbm4b:s1+s25], $0x80, s5, s25, $0xb8;
	[tilespmem:$0x1F080] =	vst v63  }
0x71: {  	_ = 	snop  }
0x72: {  	[tilespmem:s28], [sflag:$0x1] =	stream.indirect.gather [hbm4b:s1+s26], $0x80, s25, s26, $0xb8;
	[tilespmem:$0x1F080] =	vst v63  }
0x73: {  	s10 =	simm.s32 $0x80  }
0x74: {  	[tilespmem:s30], [sflag:$0x2] =	stream.indirect.gather [hbm4b:s1+s25], $0x80, s10, s25, $0xb8;
	[tilespmem:$0x1F080] =	vst v63  }
0x75: {  	s31 =	simm.s32 $0xC0  }
0x76: {  	[tilespmem:s2], [sflag:$0x2] =	stream.indirect.gather [hbm4b:s1+s26], $0x80, s31, s26, $0xb8;
	[tilespmem:$0x1F080] =	vst v63  }
.LBB2_6:
0x77: {  	_ =	swait.ge [sflag:s22], $0x2000  }
0x78: {  	[sflag:s22] =	ssyncset.done $0x0  }
0x79: {  	[sflag:s22] =	ssyncadd.s32 $0xFFFFE000  }
0x7a: {  	_ =	swait.ge [sflag:s22], $0x1E80  }
0x7b: {  	[sflag:s22] =	ssyncset.done $0x0  }
0x7c: {  	s10 =	simm.s32 $0x800;
	[sflag:s22] =	ssyncadd.s32 $0xFFFFE180  }
0x7d: {  	[spmem:s3] =	stream.indirect.scatter.add.f32 [tilespmem:s20], [sflag:$0x3], $0x80, s10, s0, $0xb8;
	[tilespmem:$0x1F080] =	vst v63  }
0x7e: {  	s29 =	sadd.s32 s5, s18  }
0x7f: {  	[tilespmem:s6], [sflag:$0x5] =	stream.linear.gather [hbm4b:s29+s4], $0x400, $0x38;
	[tilespmem:$0x1F080] =	vst v63  }
0x80: {  	s10 =	sadd.s32 s5, s19  }
0x81: {  	[tilespmem:s7], [sflag:$0x5] =	stream.linear.gather [hbm4b:s10+s4], $0x400, $0x38;
	[tilespmem:$0x1F080] =	vst v63  }
0x82: {  	v2 =	vld [tilespmem:$0x800];
	_ =	sdelay $0x7  }
0x83: {  	[tilespmem:v2+s8+$0x0] =	vst.idx.add.f32.msk $0xffff, v1  }
0x84: {  	v2 =	vld [tilespmem:$0x810];
	_ =	sdelay $0x7  }
0x85: {  	[tilespmem:v2+s8+$0x0] =	vst.idx.add.f32.msk $0xffff, v1  }
0x86: {  	v2 =	vld [tilespmem:$0x820];
	_ =	sdelay $0x7  }
0x87: {  	[tilespmem:v2+s8+$0x0] =	vst.idx.add.f32.msk $0xffff, v1  }
0x88: {  	v2 =	vld [tilespmem:$0x830];
	_ =	sdelay $0x7  }
0x89: {  	[tilespmem:v2+s8+$0x0] =	vst.idx.add.f32.msk $0xffff, v1  }
0x8a: {  	v2 =	vld [tilespmem:$0x840];
	_ =	sdelay $0x7  }
0x8b: {  	[tilespmem:v2+s8+$0x0] =	vst.idx.add.f32.msk $0xffff, v1  }
0x8c: {  	v2 =	vld [tilespmem:$0x850];
	_ =	sdelay $0x7  }
0x8d: {  	[tilespmem:v2+s8+$0x0] =	vst.idx.add.f32.msk $0xffff, v1  }
0x8e: {  	v2 =	vld [tilespmem:$0x860];
	_ =	sdelay $0x7  }
0x8f: {  	[tilespmem:v2+s8+$0x0] =	vst.idx.add.f32.msk $0xffff, v1  }
0x90: {  	v2 =	vld [tilespmem:$0x86D];
	_ =	sdelay $0x7  }
0x91: {  	[tilespmem:v2+s8+$0x0] =	vst.idx.add.f32.msk vm0, v1  }
0x92: {  	_ =	swait.ge [sflag:s9], $0x3E80  }
0x93: {  	[sflag:s9] =	ssyncset.done $0x0  }
0x94: {  	s31 =	simm.s32 $0x100;
	[sflag:s9] =	ssyncadd.s32 $0xFFFFC180  }
0x95: {  	[tilespmem:s20], [sflag:$0x1] =	stream.indirect.gather [hbm4b:s1+s25], $0x80, s31, s25, $0xb8;
	[tilespmem:$0x1F080] =	vst v63  }
0x96: {  	s29 =	simm.s32 $0x140  }
0x97: {  	[tilespmem:s28], [sflag:$0x1] =	stream.indirect.gather [hbm4b:s1+s26], $0x80, s29, s26, $0xb8;
	[tilespmem:$0x1F080] =	vst v63  }
0x98: {  	_ =	swait.ge [sflag:s23], $0x2000  }
0x99: {  	[sflag:s23] =	ssyncset.done $0x0  }
0x9a: {  	[sflag:s23] =	ssyncadd.s32 $0xFFFFE000  }
0x9b: {  	_ =	swait.ge [sflag:s23], $0x1E80  }
0x9c: {  	[sflag:s23] =	ssyncset.done $0x0  }
0x9d: {  	s31 =	simm.s32 $0x880;
	[sflag:s23] =	ssyncadd.s32 $0xFFFFE180  }
0x9e: {  	[spmem:s3] =	stream.indirect.scatter.add.f32 [tilespmem:s30], [sflag:$0x4], $0x80, s31, s0, $0xb8;
	[tilespmem:$0x1F080] =	vst v63  }
0x9f: {  	v2 =	vld [tilespmem:$0x880];
	_ =	sdelay $0x7  }
0xa0: {  	[tilespmem:v2+s8+$0x0] =	vst.idx.add.f32.msk $0xffff, v1  }
0xa1: {  	v2 =	vld [tilespmem:$0x890];
	_ =	sdelay $0x7  }
0xa2: {  	[tilespmem:v2+s8+$0x0] =	vst.idx.add.f32.msk $0xffff, v1  }
0xa3: {  	v2 =	vld [tilespmem:$0x8A0];
	_ =	sdelay $0x7  }
0xa4: {  	[tilespmem:v2+s8+$0x0] =	vst.idx.add.f32.msk $0xffff, v1  }
0xa5: {  	v2 =	vld [tilespmem:$0x8B0];
	_ =	sdelay $0x7  }
0xa6: {  	[tilespmem:v2+s8+$0x0] =	vst.idx.add.f32.msk $0xffff, v1  }
0xa7: {  	v2 =	vld [tilespmem:$0x8C0];
	_ =	sdelay $0x7  }
0xa8: {  	[tilespmem:v2+s8+$0x0] =	vst.idx.add.f32.msk $0xffff, v1  }
0xa9: {  	v2 =	vld [tilespmem:$0x8D0];
	_ =	sdelay $0x7  }
0xaa: {  	[tilespmem:v2+s8+$0x0] =	vst.idx.add.f32.msk $0xffff, v1  }
0xab: {  	v2 =	vld [tilespmem:$0x8E0];
	_ =	sdelay $0x7  }
0xac: {  	[tilespmem:v2+s8+$0x0] =	vst.idx.add.f32.msk $0xffff, v1  }
0xad: {  	v2 =	vld [tilespmem:$0x8ED];
	_ =	sdelay $0x7  }
0xae: {  	[tilespmem:v2+s8+$0x0] =	vst.idx.add.f32.msk vm0, v1  }
0xaf: {  	_ =	swait.ge [sflag:s13], $0x3E80  }
0xb0: {  	[sflag:s13] =	ssyncset.done $0x0  }
0xb1: {  	s29 =	simm.s32 $0x180;
	[sflag:s13] =	ssyncadd.s32 $0xFFFFC180  }
0xb2: {  	[tilespmem:s30], [sflag:$0x2] =	stream.indirect.gather [hbm4b:s1+s25], $0x80, s29, s25, $0xb8;
	[tilespmem:$0x1F080] =	vst v63  }
0xb3: {  	s31 =	simm.s32 $0x1C0  }
0xb4: {  	[tilespmem:s2], [sflag:$0x2] =	stream.indirect.gather [hbm4b:s1+s26], $0x80, s31, s26, $0xb8;
	[tilespmem:$0x1F080] =	vst v63  }
0xb5: {  	_ =	swait.ge [sflag:s22], $0x2000  }
0xb6: {  	[sflag:s22] =	ssyncset.done $0x0  }
0xb7: {  	[sflag:s22] =	ssyncadd.s32 $0xFFFFE000  }
0xb8: {  	_ =	swait.ge [sflag:s22], $0x1E80  }
0xb9: {  	[sflag:s22] =	ssyncset.done $0x0  }
0xba: {  	s29 =	simm.s32 $0x900;
	[sflag:s22] =	ssyncadd.s32 $0xFFFFE180  }
0xbb: {  	[spmem:s3] =	stream.indirect.scatter.add.f32 [tilespmem:s20], [sflag:$0x3], $0x80, s29, s0, $0xb8;
	[tilespmem:$0x1F080] =	vst v63  }
0xbc: {  	v2 =	vld [tilespmem:$0x900];
	_ =	sdelay $0x7  }
0xbd: {  	[tilespmem:v2+s8+$0x0] =	vst.idx.add.f32.msk $0xffff, v1  }
0xbe: {  	v2 =	vld [tilespmem:$0x910];
	_ =	sdelay $0x7  }
0xbf: {  	[tilespmem:v2+s8+$0x0] =	vst.idx.add.f32.msk $0xffff, v1  }
0xc0: {  	v2 =	vld [tilespmem:$0x920];
	_ =	sdelay $0x7  }
0xc1: {  	[tilespmem:v2+s8+$0x0] =	vst.idx.add.f32.msk $0xffff, v1  }
0xc2: {  	v2 =	vld [tilespmem:$0x930];
	_ =	sdelay $0x7  }
0xc3: {  	[tilespmem:v2+s8+$0x0] =	vst.idx.add.f32.msk $0xffff, v1  }
0xc4: {  	v2 =	vld [tilespmem:$0x940];
	_ =	sdelay $0x7  }
0xc5: {  	[tilespmem:v2+s8+$0x0] =	vst.idx.add.f32.msk $0xffff, v1  }
0xc6: {  	v2 =	vld [tilespmem:$0x950];
	_ =	sdelay $0x7  }
0xc7: {  	[tilespmem:v2+s8+$0x0] =	vst.idx.add.f32.msk $0xffff, v1  }
0xc8: {  	v2 =	vld [tilespmem:$0x960];
	_ =	sdelay $0x7  }
0xc9: {  	[tilespmem:v2+s8+$0x0] =	vst.idx.add.f32.msk $0xffff, v1  }
0xca: {  	v2 =	vld [tilespmem:$0x96D];
	_ =	sdelay $0x7  }
0xcb: {  	[tilespmem:v2+s8+$0x0] =	vst.idx.add.f32.msk vm0, v1  }
0xcc: {  	_ =	swait.ge [sflag:s9], $0x3E80  }
0xcd: {  	[sflag:s9] =	ssyncset.done $0x0  }
0xce: {  	s31 =	simm.s32 $0x200;
	[sflag:s9] =	ssyncadd.s32 $0xFFFFC180  }
0xcf: {  	[tilespmem:s20], [sflag:$0x1] =	stream.indirect.gather [hbm4b:s1+s25], $0x80, s31, s25, $0xb8;
	[tilespmem:$0x1F080] =	vst v63  }
0xd0: {  	s29 =	simm.s32 $0x240  }
0xd1: {  	[tilespmem:s28], [sflag:$0x1] =	stream.indirect.gather [hbm4b:s1+s26], $0x80, s29, s26, $0xb8;
	[tilespmem:$0x1F080] =	vst v63  }
0xd2: {  	_ =	swait.ge [sflag:s23], $0x2000  }
0xd3: {  	[sflag:s23] =	ssyncset.done $0x0  }
0xd4: {  	[sflag:s23] =	ssyncadd.s32 $0xFFFFE000  }
0xd5: {  	_ =	swait.ge [sflag:s23], $0x1E80  }
0xd6: {  	[sflag:s23] =	ssyncset.done $0x0  }
0xd7: {  	s31 =	simm.s32 $0x980;
	[sflag:s23] =	ssyncadd.s32 $0xFFFFE180  }
0xd8: {  	[spmem:s3] =	stream.indirect.scatter.add.f32 [tilespmem:s30], [sflag:$0x4], $0x80, s31, s0, $0xb8;
	[tilespmem:$0x1F080] =	vst v63  }
0xd9: {  	v2 =	vld [tilespmem:$0x980];
	_ =	sdelay $0x7  }
0xda: {  	[tilespmem:v2+s8+$0x0] =	vst.idx.add.f32.msk $0xffff, v1  }
0xdb: {  	v2 =	vld [tilespmem:$0x990];
	_ =	sdelay $0x7  }
0xdc: {  	[tilespmem:v2+s8+$0x0] =	vst.idx.add.f32.msk $0xffff, v1  }
0xdd: {  	v2 =	vld [tilespmem:$0x9A0];
	_ =	sdelay $0x7  }
0xde: {  	[tilespmem:v2+s8+$0x0] =	vst.idx.add.f32.msk $0xffff, v1  }
0xdf: {  	v2 =	vld [tilespmem:$0x9B0];
	_ =	sdelay $0x7  }
0xe0: {  	[tilespmem:v2+s8+$0x0] =	vst.idx.add.f32.msk $0xffff, v1  }
0xe1: {  	v2 =	vld [tilespmem:$0x9C0];
	_ =	sdelay $0x7  }
0xe2: {  	[tilespmem:v2+s8+$0x0] =	vst.idx.add.f32.msk $0xffff, v1  }
0xe3: {  	v2 =	vld [tilespmem:$0x9D0];
	_ =	sdelay $0x7  }
0xe4: {  	[tilespmem:v2+s8+$0x0] =	vst.idx.add.f32.msk $0xffff, v1  }
0xe5: {  	v2 =	vld [tilespmem:$0x9E0];
	_ =	sdelay $0x7  }
0xe6: {  	[tilespmem:v2+s8+$0x0] =	vst.idx.add.f32.msk $0xffff, v1  }
0xe7: {  	v2 =	vld [tilespmem:$0x9ED];
	_ =	sdelay $0x7  }
0xe8: {  	[tilespmem:v2+s8+$0x0] =	vst.idx.add.f32.msk vm0, v1  }
0xe9: {  	_ =	swait.ge [sflag:s13], $0x3E80  }
0xea: {  	[sflag:s13] =	ssyncset.done $0x0  }
0xeb: {  	s29 =	simm.s32 $0x280;
	[sflag:s13] =	ssyncadd.s32 $0xFFFFC180  }
0xec: {  	[tilespmem:s30], [sflag:$0x2] =	stream.indirect.gather [hbm4b:s1+s25], $0x80, s29, s25, $0xb8;
	[tilespmem:$0x1F080] =	vst v63  }
0xed: {  	s31 =	simm.s32 $0x2C0  }
0xee: {  	[tilespmem:s2], [sflag:$0x2] =	stream.indirect.gather [hbm4b:s1+s26], $0x80, s31, s26, $0xb8;
	[tilespmem:$0x1F080] =	vst v63  }
0xef: {  	_ =	swait.ge [sflag:s22], $0x2000  }
0xf0: {  	[sflag:s22] =	ssyncset.done $0x0  }
0xf1: {  	[sflag:s22] =	ssyncadd.s32 $0xFFFFE000  }
0xf2: {  	_ =	swait.ge [sflag:s22], $0x1E80  }
0xf3: {  	[sflag:s22] =	ssyncset.done $0x0  }
0xf4: {  	s29 =	simm.s32 $0xA00;
	[sflag:s22] =	ssyncadd.s32 $0xFFFFE180  }
0xf5: {  	[spmem:s3] =	stream.indirect.scatter.add.f32 [tilespmem:s20], [sflag:$0x3], $0x80, s29, s0, $0xb8;
	[tilespmem:$0x1F080] =	vst v63  }
0xf6: {  	v2 =	vld [tilespmem:$0xA00];
	_ =	sdelay $0x7  }
0xf7: {  	[tilespmem:v2+s8+$0x0] =	vst.idx.add.f32.msk $0xffff, v1  }
0xf8: {  	v2 =	vld [tilespmem:$0xA10];
	_ =	sdelay $0x7  }
0xf9: {  	[tilespmem:v2+s8+$0x0] =	vst.idx.add.f32.msk $0xffff, v1  }
0xfa: {  	v2 =	vld [tilespmem:$0xA20];
	_ =	sdelay $0x7  }
0xfb: {  	[tilespmem:v2+s8+$0x0] =	vst.idx.add.f32.msk $0xffff, v1  }
0xfc: {  	v2 =	vld [tilespmem:$0xA30];
	_ =	sdelay $0x7  }
0xfd: {  	[tilespmem:v2+s8+$0x0] =	vst.idx.add.f32.msk $0xffff, v1  }
0xfe: {  	v2 =	vld [tilespmem:$0xA40];
	_ =	sdelay $0x7  }
0xff: {  	[tilespmem:v2+s8+$0x0] =	vst.idx.add.f32.msk $0xffff, v1  }
0x100: {  	v2 =	vld [tilespmem:$0xA50];
	_ =	sdelay $0x7  }
0x101: {  	[tilespmem:v2+s8+$0x0] =	vst.idx.add.f32.msk $0xffff, v1  }
0x102: {  	v2 =	vld [tilespmem:$0xA60];
	_ =	sdelay $0x7  }
0x103: {  	[tilespmem:v2+s8+$0x0] =	vst.idx.add.f32.msk $0xffff, v1  }
0x104: {  	v2 =	vld [tilespmem:$0xA6D];
	_ =	sdelay $0x7  }
0x105: {  	[tilespmem:v2+s8+$0x0] =	vst.idx.add.f32.msk vm0, v1  }
0x106: {  	_ =	swait.ge [sflag:s9], $0x3E80  }
0x107: {  	[sflag:s9] =	ssyncset.done $0x0  }
0x108: {  	s31 =	simm.s32 $0x300;
	[sflag:s9] =	ssyncadd.s32 $0xFFFFC180  }
0x109: {  	[tilespmem:s20], [sflag:$0x1] =	stream.indirect.gather [hbm4b:s1+s25], $0x80, s31, s25, $0xb8;
	[tilespmem:$0x1F080] =	vst v63  }
0x10a: {  	s29 =	simm.s32 $0x340  }
0x10b: {  	[tilespmem:s28], [sflag:$0x1] =	stream.indirect.gather [hbm4b:s1+s26], $0x80, s29, s26, $0xb8;
	[tilespmem:$0x1F080] =	vst v63  }
0x10c: {  	_ =	swait.ge [sflag:s23], $0x2000  }
0x10d: {  	[sflag:s23] =	ssyncset.done $0x0  }
0x10e: {  	[sflag:s23] =	ssyncadd.s32 $0xFFFFE000  }
0x10f: {  	_ =	swait.ge [sflag:s23], $0x1E80  }
0x110: {  	[sflag:s23] =	ssyncset.done $0x0  }
0x111: {  	s31 =	simm.s32 $0xA80;
	[sflag:s23] =	ssyncadd.s32 $0xFFFFE180  }
0x112: {  	[spmem:s3] =	stream.indirect.scatter.add.f32 [tilespmem:s30], [sflag:$0x4], $0x80, s31, s0, $0xb8;
	[tilespmem:$0x1F080] =	vst v63  }
0x113: {  	v2 =	vld [tilespmem:$0xA80];
	_ =	sdelay $0x7  }
0x114: {  	[tilespmem:v2+s8+$0x0] =	vst.idx.add.f32.msk $0xffff, v1  }
0x115: {  	v2 =	vld [tilespmem:$0xA90];
	_ =	sdelay $0x7  }
0x116: {  	[tilespmem:v2+s8+$0x0] =	vst.idx.add.f32.msk $0xffff, v1  }
0x117: {  	v2 =	vld [tilespmem:$0xAA0];
	_ =	sdelay $0x7  }
0x118: {  	[tilespmem:v2+s8+$0x0] =	vst.idx.add.f32.msk $0xffff, v1  }
0x119: {  	v2 =	vld [tilespmem:$0xAB0];
	_ =	sdelay $0x7  }
0x11a: {  	[tilespmem:v2+s8+$0x0] =	vst.idx.add.f32.msk $0xffff, v1  }
0x11b: {  	v2 =	vld [tilespmem:$0xAC0];
	_ =	sdelay $0x7  }
0x11c: {  	[tilespmem:v2+s8+$0x0] =	vst.idx.add.f32.msk $0xffff, v1  }
0x11d: {  	v2 =	vld [tilespmem:$0xAD0];
	_ =	sdelay $0x7  }
0x11e: {  	[tilespmem:v2+s8+$0x0] =	vst.idx.add.f32.msk $0xffff, v1  }
0x11f: {  	v2 =	vld [tilespmem:$0xAE0];
	_ =	sdelay $0x7  }
0x120: {  	[tilespmem:v2+s8+$0x0] =	vst.idx.add.f32.msk $0xffff, v1  }
0x121: {  	v2 =	vld [tilespmem:$0xAED];
	_ =	sdelay $0x7  }
0x122: {  	[tilespmem:v2+s8+$0x0] =	vst.idx.add.f32.msk vm0, v1  }
0x123: {  	_ =	swait.ge [sflag:s24], $0x400  }
0x124: {  	[sflag:s24] =	ssyncset.done $0x0  }
0x125: {  	[sflag:s24] =	ssyncadd.s32 $0xFFFFFC00  }
0x126: {  	_ =	swait.ge [sflag:s24], $0x400  }
0x127: {  	[sflag:s24] =	ssyncset.done $0x0  }
0x128: {  	[sflag:s24] =	ssyncadd.s32 $0xFFFFFC00  }
0x129: {  	_ =	swait.ge [sflag:s13], $0x3E80  }
0x12a: {  	[sflag:s13] =	ssyncset.done $0x0  }
0x12b: {  	s29 =	simm.s32 $0x380;
	[sflag:s13] =	ssyncadd.s32 $0xFFFFC180  }
0x12c: {  	[tilespmem:s30], [sflag:$0x2] =	stream.indirect.gather [hbm4b:s1+s25], $0x80, s29, s25, $0xb8;
	[tilespmem:$0x1F080] =	vst v63  }
0x12d: {  	s31 =	simm.s32 $0x3C0  }
0x12e: {  	[tilespmem:s2], [sflag:$0x2] =	stream.indirect.gather [hbm4b:s1+s26], $0x80, s31, s26, $0xb8;
	[tilespmem:$0x1F080] =	vst v63  }
0x12f: {  	_ =	swait.ge [sflag:s22], $0x2000  }
0x130: {  	[sflag:s22] =	ssyncset.done $0x0  }
0x131: {  	[sflag:s22] =	ssyncadd.s32 $0xFFFFE000  }
0x132: {  	_ =	swait.ge [sflag:s22], $0x1E80  }
0x133: {  	[sflag:s22] =	ssyncset.done $0x0  }
0x134: {  	s29 =	simm.s32 $0xB00;
	[sflag:s22] =	ssyncadd.s32 $0xFFFFE180  }
0x135: {  	[spmem:s3] =	stream.indirect.scatter.add.f32 [tilespmem:s20], [sflag:$0x3], $0x80, s29, s0, $0xb8;
	[tilespmem:$0x1F080] =	vst v63  }
0x136: {  	v2 =	vld [tilespmem:$0xB00];
	_ =	sdelay $0x7  }
0x137: {  	[tilespmem:v2+s8+$0x0] =	vst.idx.add.f32.msk $0xffff, v1  }
0x138: {  	v2 =	vld [tilespmem:$0xB10];
	_ =	sdelay $0x7  }
0x139: {  	[tilespmem:v2+s8+$0x0] =	vst.idx.add.f32.msk $0xffff, v1  }
0x13a: {  	v2 =	vld [tilespmem:$0xB20];
	_ =	sdelay $0x7  }
0x13b: {  	[tilespmem:v2+s8+$0x0] =	vst.idx.add.f32.msk $0xffff, v1  }
0x13c: {  	v2 =	vld [tilespmem:$0xB30];
	_ =	sdelay $0x7  }
0x13d: {  	[tilespmem:v2+s8+$0x0] =	vst.idx.add.f32.msk $0xffff, v1  }
0x13e: {  	v2 =	vld [tilespmem:$0xB40];
	_ =	sdelay $0x7  }
0x13f: {  	[tilespmem:v2+s8+$0x0] =	vst.idx.add.f32.msk $0xffff, v1  }
0x140: {  	v2 =	vld [tilespmem:$0xB50];
	_ =	sdelay $0x7  }
0x141: {  	[tilespmem:v2+s8+$0x0] =	vst.idx.add.f32.msk $0xffff, v1  }
0x142: {  	v2 =	vld [tilespmem:$0xB60];
	_ =	sdelay $0x7  }
0x143: {  	[tilespmem:v2+s8+$0x0] =	vst.idx.add.f32.msk $0xffff, v1  }
0x144: {  	v2 =	vld [tilespmem:$0xB6D];
	_ =	sdelay $0x7  }
0x145: {  	[tilespmem:v2+s8+$0x0] =	vst.idx.add.f32.msk vm0, v1  }
0x146: {  	_ =	swait.ge [sflag:s9], $0x3E80  }
0x147: {  	[sflag:s9] =	ssyncset.done $0x0  }
0x148: {  	[sflag:s9] =	ssyncadd.s32 $0xFFFFC180  }
0x149: {  	[tilespmem:s20], [sflag:$0x1] =	stream.indirect.gather [hbm4b:s1+s25], $0x80, s6, s25, $0xb8;
	[tilespmem:$0x1F080] =	vst v63  }
0x14a: {  	s31 =	simm.s32 $0x440  }
0x14b: {  	[tilespmem:s28], [sflag:$0x1] =	stream.indirect.gather [hbm4b:s1+s26], $0x80, s31, s26, $0xb8;
	[tilespmem:$0x1F080] =	vst v63  }
0x14c: {  	_ =	swait.ge [sflag:s23], $0x2000  }
0x14d: {  	[sflag:s23] =	ssyncset.done $0x0  }
0x14e: {  	[sflag:s23] =	ssyncadd.s32 $0xFFFFE000  }
0x14f: {  	_ =	swait.ge [sflag:s23], $0x1E80  }
0x150: {  	[sflag:s23] =	ssyncset.done $0x0  }
0x151: {  	s29 =	simm.s32 $0xB80;
	[sflag:s23] =	ssyncadd.s32 $0xFFFFE180  }
0x152: {  	[spmem:s3] =	stream.indirect.scatter.add.f32 [tilespmem:s30], [sflag:$0x4], $0x80, s29, s0, $0xb8;
	[tilespmem:$0x1F080] =	vst v63  }
0x153: {  	v2 =	vld [tilespmem:$0xB80];
	_ =	sdelay $0x7  }
0x154: {  	[tilespmem:v2+s8+$0x0] =	vst.idx.add.f32.msk $0xffff, v1  }
0x155: {  	v2 =	vld [tilespmem:$0xB90];
	_ =	sdelay $0x7  }
0x156: {  	[tilespmem:v2+s8+$0x0] =	vst.idx.add.f32.msk $0xffff, v1  }
0x157: {  	v2 =	vld [tilespmem:$0xBA0];
	_ =	sdelay $0x7  }
0x158: {  	[tilespmem:v2+s8+$0x0] =	vst.idx.add.f32.msk $0xffff, v1  }
0x159: {  	v2 =	vld [tilespmem:$0xBB0];
	_ =	sdelay $0x7  }
0x15a: {  	[tilespmem:v2+s8+$0x0] =	vst.idx.add.f32.msk $0xffff, v1  }
0x15b: {  	v2 =	vld [tilespmem:$0xBC0];
	_ =	sdelay $0x7  }
0x15c: {  	[tilespmem:v2+s8+$0x0] =	vst.idx.add.f32.msk $0xffff, v1  }
0x15d: {  	v2 =	vld [tilespmem:$0xBD0];
	_ =	sdelay $0x7  }
0x15e: {  	[tilespmem:v2+s8+$0x0] =	vst.idx.add.f32.msk $0xffff, v1  }
0x15f: {  	v2 =	vld [tilespmem:$0xBE0];
	_ =	sdelay $0x7  }
0x160: {  	[tilespmem:v2+s8+$0x0] =	vst.idx.add.f32.msk $0xffff, v1  }
0x161: {  	v2 =	vld [tilespmem:$0xBED];
	_ =	sdelay $0x7  }
0x162: {  	[tilespmem:v2+s8+$0x0] =	vst.idx.add.f32.msk vm0, v1  }
0x163: {  	_ =	swait.ge [sflag:s13], $0x3E80  }
0x164: {  	[sflag:s13] =	ssyncset.done $0x0  }
0x165: {  	s31 =	simm.s32 $0x480;
	[sflag:s13] =	ssyncadd.s32 $0xFFFFC180  }
0x166: {  	[tilespmem:s30], [sflag:$0x2] =	stream.indirect.gather [hbm4b:s1+s25], $0x80, s31, s25, $0xb8;
	[tilespmem:$0x1F080] =	vst v63  }
0x167: {  	s29 =	simm.s32 $0x4C0  }
0x168: {  	[tilespmem:s2], [sflag:$0x2] =	stream.indirect.gather [hbm4b:s1+s26], $0x80, s29, s26, $0xb8;
	[tilespmem:$0x1F080] =	vst v63  }
0x169: {  	_ =	swait.ge [sflag:s22], $0x2000  }
0x16a: {  	[sflag:s22] =	ssyncset.done $0x0  }
0x16b: {  	[sflag:s22] =	ssyncadd.s32 $0xFFFFE000  }
0x16c: {  	_ =	swait.ge [sflag:s22], $0x1E80  }
0x16d: {  	[sflag:s22] =	ssyncset.done $0x0  }
0x16e: {  	p0 =	seq.s32 s5, $0x400;
	[sflag:s22] =	ssyncadd.s32 $0xFFFFE180  }
0x16f: {  	[spmem:s3] =	stream.indirect.scatter.add.f32 [tilespmem:s20], [sflag:$0x3], $0x80, s7, s0, $0xb8;
	[tilespmem:$0x1F080] =	vst v63  }
0x170: {  	s31 =	sadd.s32 @!p0 s5, s17;
	s29 =	simm.s32 @!p0 $0x0  }
0x171: {  	[tilespmem:s29], [sflag:$0x5] =	stream.linear.gather @!p0 [hbm4b:s31+s29], $0x400, $0x38;
	[tilespmem:$0x1F080] =	vst v63  }
0x172: {  	s10 =	simm.s32 @!p0 $0x800;
	s31 =	sadd.s32 @!p0 s5, s16  }
0x173: {  	[tilespmem:s10], [sflag:$0x5] =	stream.linear.gather @!p0 [hbm4b:s31+s29], $0x400, $0x38;
	[tilespmem:$0x1F080] =	vst v63  }
0x174: {  	v2 =	vld [tilespmem:$0xC00];
	_ =	sdelay $0x7  }
0x175: {  	[tilespmem:v2+s8+$0x0] =	vst.idx.add.f32.msk $0xffff, v1  }
0x176: {  	v2 =	vld [tilespmem:$0xC10];
	_ =	sdelay $0x7  }
0x177: {  	[tilespmem:v2+s8+$0x0] =	vst.idx.add.f32.msk $0xffff, v1  }
0x178: {  	v2 =	vld [tilespmem:$0xC20];
	_ =	sdelay $0x7  }
0x179: {  	[tilespmem:v2+s8+$0x0] =	vst.idx.add.f32.msk $0xffff, v1  }
0x17a: {  	v2 =	vld [tilespmem:$0xC30];
	_ =	sdelay $0x7  }
0x17b: {  	[tilespmem:v2+s8+$0x0] =	vst.idx.add.f32.msk $0xffff, v1  }
0x17c: {  	v2 =	vld [tilespmem:$0xC40];
	_ =	sdelay $0x7  }
0x17d: {  	[tilespmem:v2+s8+$0x0] =	vst.idx.add.f32.msk $0xffff, v1  }
0x17e: {  	v2 =	vld [tilespmem:$0xC50];
	_ =	sdelay $0x7  }
0x17f: {  	[tilespmem:v2+s8+$0x0] =	vst.idx.add.f32.msk $0xffff, v1  }
0x180: {  	v2 =	vld [tilespmem:$0xC60];
	_ =	sdelay $0x7  }
0x181: {  	[tilespmem:v2+s8+$0x0] =	vst.idx.add.f32.msk $0xffff, v1  }
0x182: {  	v2 =	vld [tilespmem:$0xC6D];
	_ =	sdelay $0x7  }
0x183: {  	[tilespmem:v2+s8+$0x0] =	vst.idx.add.f32.msk vm0, v1  }
0x184: {  	_ =	swait.ge [sflag:s9], $0x3E80  }
0x185: {  	[sflag:s9] =	ssyncset.done $0x0  }
0x186: {  	s31 =	simm.s32 $0x500;
	[sflag:s9] =	ssyncadd.s32 $0xFFFFC180  }
0x187: {  	[tilespmem:s20], [sflag:$0x1] =	stream.indirect.gather [hbm4b:s1+s25], $0x80, s31, s25, $0xb8;
	[tilespmem:$0x1F080] =	vst v63  }
0x188: {  	s31 =	simm.s32 $0x540  }
0x189: {  	[tilespmem:s28], [sflag:$0x1] =	stream.indirect.gather [hbm4b:s1+s26], $0x80, s31, s26, $0xb8;
	[tilespmem:$0x1F080] =	vst v63  }
0x18a: {  	_ =	swait.ge [sflag:s23], $0x2000  }
0x18b: {  	[sflag:s23] =	ssyncset.done $0x0  }
0x18c: {  	[sflag:s23] =	ssyncadd.s32 $0xFFFFE000  }
0x18d: {  	_ =	swait.ge [sflag:s23], $0x1E80  }
0x18e: {  	[sflag:s23] =	ssyncset.done $0x0  }
0x18f: {  	s31 =	simm.s32 $0xC80;
	[sflag:s23] =	ssyncadd.s32 $0xFFFFE180  }
0x190: {  	[spmem:s3] =	stream.indirect.scatter.add.f32 [tilespmem:s30], [sflag:$0x4], $0x80, s31, s0, $0xb8;
	[tilespmem:$0x1F080] =	vst v63  }
0x191: {  	v2 =	vld [tilespmem:$0xC80];
	_ =	sdelay $0x7  }
0x192: {  	[tilespmem:v2+s8+$0x0] =	vst.idx.add.f32.msk $0xffff, v1  }
0x193: {  	v2 =	vld [tilespmem:$0xC90];
	_ =	sdelay $0x7  }
0x194: {  	[tilespmem:v2+s8+$0x0] =	vst.idx.add.f32.msk $0xffff, v1  }
0x195: {  	v2 =	vld [tilespmem:$0xCA0];
	_ =	sdelay $0x7  }
0x196: {  	[tilespmem:v2+s8+$0x0] =	vst.idx.add.f32.msk $0xffff, v1  }
0x197: {  	v2 =	vld [tilespmem:$0xCB0];
	_ =	sdelay $0x7  }
0x198: {  	[tilespmem:v2+s8+$0x0] =	vst.idx.add.f32.msk $0xffff, v1  }
0x199: {  	v2 =	vld [tilespmem:$0xCC0];
	_ =	sdelay $0x7  }
0x19a: {  	[tilespmem:v2+s8+$0x0] =	vst.idx.add.f32.msk $0xffff, v1  }
0x19b: {  	v2 =	vld [tilespmem:$0xCD0];
	_ =	sdelay $0x7  }
0x19c: {  	[tilespmem:v2+s8+$0x0] =	vst.idx.add.f32.msk $0xffff, v1  }
0x19d: {  	v2 =	vld [tilespmem:$0xCE0];
	_ =	sdelay $0x7  }
0x19e: {  	[tilespmem:v2+s8+$0x0] =	vst.idx.add.f32.msk $0xffff, v1  }
0x19f: {  	v2 =	vld [tilespmem:$0xCED];
	_ =	sdelay $0x7  }
0x1a0: {  	[tilespmem:v2+s8+$0x0] =	vst.idx.add.f32.msk vm0, v1  }
0x1a1: {  	_ =	swait.ge [sflag:s13], $0x3E80  }
0x1a2: {  	[sflag:s13] =	ssyncset.done $0x0  }
0x1a3: {  	s31 =	simm.s32 $0x580;
	[sflag:s13] =	ssyncadd.s32 $0xFFFFC180  }
0x1a4: {  	[tilespmem:s30], [sflag:$0x2] =	stream.indirect.gather [hbm4b:s1+s25], $0x80, s31, s25, $0xb8;
	[tilespmem:$0x1F080] =	vst v63  }
0x1a5: {  	s31 =	simm.s32 $0x5C0  }
0x1a6: {  	[tilespmem:s2], [sflag:$0x2] =	stream.indirect.gather [hbm4b:s1+s26], $0x80, s31, s26, $0xb8;
	[tilespmem:$0x1F080] =	vst v63  }
0x1a7: {  	_ =	swait.ge [sflag:s22], $0x2000  }
0x1a8: {  	[sflag:s22] =	ssyncset.done $0x0  }
0x1a9: {  	[sflag:s22] =	ssyncadd.s32 $0xFFFFE000  }
0x1aa: {  	_ =	swait.ge [sflag:s22], $0x1E80  }
0x1ab: {  	[sflag:s22] =	ssyncset.done $0x0  }
0x1ac: {  	s31 =	simm.s32 $0xD00;
	[sflag:s22] =	ssyncadd.s32 $0xFFFFE180  }
0x1ad: {  	[spmem:s3] =	stream.indirect.scatter.add.f32 [tilespmem:s20], [sflag:$0x3], $0x80, s31, s0, $0xb8;
	[tilespmem:$0x1F080] =	vst v63  }
0x1ae: {  	v2 =	vld [tilespmem:$0xD00];
	_ =	sdelay $0x7  }
0x1af: {  	[tilespmem:v2+s8+$0x0] =	vst.idx.add.f32.msk $0xffff, v1  }
0x1b0: {  	v2 =	vld [tilespmem:$0xD10];
	_ =	sdelay $0x7  }
0x1b1: {  	[tilespmem:v2+s8+$0x0] =	vst.idx.add.f32.msk $0xffff, v1  }
0x1b2: {  	v2 =	vld [tilespmem:$0xD20];
	_ =	sdelay $0x7  }
0x1b3: {  	[tilespmem:v2+s8+$0x0] =	vst.idx.add.f32.msk $0xffff, v1  }
0x1b4: {  	v2 =	vld [tilespmem:$0xD30];
	_ =	sdelay $0x7  }
0x1b5: {  	[tilespmem:v2+s8+$0x0] =	vst.idx.add.f32.msk $0xffff, v1  }
0x1b6: {  	v2 =	vld [tilespmem:$0xD40];
	_ =	sdelay $0x7  }
0x1b7: {  	[tilespmem:v2+s8+$0x0] =	vst.idx.add.f32.msk $0xffff, v1  }
0x1b8: {  	v2 =	vld [tilespmem:$0xD50];
	_ =	sdelay $0x7  }
0x1b9: {  	[tilespmem:v2+s8+$0x0] =	vst.idx.add.f32.msk $0xffff, v1  }
0x1ba: {  	v2 =	vld [tilespmem:$0xD60];
	_ =	sdelay $0x7  }
0x1bb: {  	[tilespmem:v2+s8+$0x0] =	vst.idx.add.f32.msk $0xffff, v1  }
0x1bc: {  	v2 =	vld [tilespmem:$0xD6D];
	_ =	sdelay $0x7  }
0x1bd: {  	[tilespmem:v2+s8+$0x0] =	vst.idx.add.f32.msk vm0, v1  }
0x1be: {  	_ =	swait.ge [sflag:s9], $0x3E80  }
0x1bf: {  	[sflag:s9] =	ssyncset.done $0x0  }
0x1c0: {  	s31 =	simm.s32 $0x600;
	[sflag:s9] =	ssyncadd.s32 $0xFFFFC180  }
0x1c1: {  	[tilespmem:s20], [sflag:$0x1] =	stream.indirect.gather [hbm4b:s1+s25], $0x80, s31, s25, $0xb8;
	[tilespmem:$0x1F080] =	vst v63  }
0x1c2: {  	s31 =	simm.s32 $0x640  }
0x1c3: {  	[tilespmem:s28], [sflag:$0x1] =	stream.indirect.gather [hbm4b:s1+s26], $0x80, s31, s26, $0xb8;
	[tilespmem:$0x1F080] =	vst v63  }
0x1c4: {  	_ =	swait.ge [sflag:s23], $0x2000  }
0x1c5: {  	[sflag:s23] =	ssyncset.done $0x0  }
0x1c6: {  	[sflag:s23] =	ssyncadd.s32 $0xFFFFE000  }
0x1c7: {  	_ =	swait.ge [sflag:s23], $0x1E80  }
0x1c8: {  	[sflag:s23] =	ssyncset.done $0x0  }
0x1c9: {  	s31 =	simm.s32 $0xD80;
	[sflag:s23] =	ssyncadd.s32 $0xFFFFE180  }
0x1ca: {  	[spmem:s3] =	stream.indirect.scatter.add.f32 [tilespmem:s30], [sflag:$0x4], $0x80, s31, s0, $0xb8;
	[tilespmem:$0x1F080] =	vst v63  }
0x1cb: {  	v2 =	vld [tilespmem:$0xD80];
	_ =	sdelay $0x7  }
0x1cc: {  	[tilespmem:v2+s8+$0x0] =	vst.idx.add.f32.msk $0xffff, v1  }
0x1cd: {  	v2 =	vld [tilespmem:$0xD90];
	_ =	sdelay $0x7  }
0x1ce: {  	[tilespmem:v2+s8+$0x0] =	vst.idx.add.f32.msk $0xffff, v1  }
0x1cf: {  	v2 =	vld [tilespmem:$0xDA0];
	_ =	sdelay $0x7  }
0x1d0: {  	[tilespmem:v2+s8+$0x0] =	vst.idx.add.f32.msk $0xffff, v1  }
0x1d1: {  	v2 =	vld [tilespmem:$0xDB0];
	_ =	sdelay $0x7  }
0x1d2: {  	[tilespmem:v2+s8+$0x0] =	vst.idx.add.f32.msk $0xffff, v1  }
0x1d3: {  	v2 =	vld [tilespmem:$0xDC0];
	_ =	sdelay $0x7  }
0x1d4: {  	[tilespmem:v2+s8+$0x0] =	vst.idx.add.f32.msk $0xffff, v1  }
0x1d5: {  	v2 =	vld [tilespmem:$0xDD0];
	_ =	sdelay $0x7  }
0x1d6: {  	[tilespmem:v2+s8+$0x0] =	vst.idx.add.f32.msk $0xffff, v1  }
0x1d7: {  	v2 =	vld [tilespmem:$0xDE0];
	_ =	sdelay $0x7  }
0x1d8: {  	[tilespmem:v2+s8+$0x0] =	vst.idx.add.f32.msk $0xffff, v1  }
0x1d9: {  	v2 =	vld [tilespmem:$0xDED];
	_ =	sdelay $0x7  }
0x1da: {  	[tilespmem:v2+s8+$0x0] =	vst.idx.add.f32.msk vm0, v1  }
0x1db: {  	_ =	swait.ge [sflag:s13], $0x3E80  }
0x1dc: {  	[sflag:s13] =	ssyncset.done $0x0  }
0x1dd: {  	s31 =	simm.s32 $0x680;
	[sflag:s13] =	ssyncadd.s32 $0xFFFFC180  }
0x1de: {  	[tilespmem:s30], [sflag:$0x2] =	stream.indirect.gather [hbm4b:s1+s25], $0x80, s31, s25, $0xb8;
	[tilespmem:$0x1F080] =	vst v63  }
0x1df: {  	s31 =	simm.s32 $0x6C0  }
0x1e0: {  	[tilespmem:s2], [sflag:$0x2] =	stream.indirect.gather [hbm4b:s1+s26], $0x80, s31, s26, $0xb8;
	[tilespmem:$0x1F080] =	vst v63  }
0x1e1: {  	_ =	swait.ge [sflag:s22], $0x2000  }
0x1e2: {  	[sflag:s22] =	ssyncset.done $0x0  }
0x1e3: {  	[sflag:s22] =	ssyncadd.s32 $0xFFFFE000  }
0x1e4: {  	_ =	swait.ge [sflag:s22], $0x1E80  }
0x1e5: {  	[sflag:s22] =	ssyncset.done $0x0  }
0x1e6: {  	s31 =	simm.s32 $0xE00;
	[sflag:s22] =	ssyncadd.s32 $0xFFFFE180  }
0x1e7: {  	[spmem:s3] =	stream.indirect.scatter.add.f32 [tilespmem:s20], [sflag:$0x3], $0x80, s31, s0, $0xb8;
	[tilespmem:$0x1F080] =	vst v63  }
0x1e8: {  	v2 =	vld [tilespmem:$0xE00];
	_ =	sdelay $0x7  }
0x1e9: {  	[tilespmem:v2+s8+$0x0] =	vst.idx.add.f32.msk $0xffff, v1  }
0x1ea: {  	v2 =	vld [tilespmem:$0xE10];
	_ =	sdelay $0x7  }
0x1eb: {  	[tilespmem:v2+s8+$0x0] =	vst.idx.add.f32.msk $0xffff, v1  }
0x1ec: {  	v2 =	vld [tilespmem:$0xE20];
	_ =	sdelay $0x7  }
0x1ed: {  	[tilespmem:v2+s8+$0x0] =	vst.idx.add.f32.msk $0xffff, v1  }
0x1ee: {  	v2 =	vld [tilespmem:$0xE30];
	_ =	sdelay $0x7  }
0x1ef: {  	[tilespmem:v2+s8+$0x0] =	vst.idx.add.f32.msk $0xffff, v1  }
0x1f0: {  	v2 =	vld [tilespmem:$0xE40];
	_ =	sdelay $0x7  }
0x1f1: {  	[tilespmem:v2+s8+$0x0] =	vst.idx.add.f32.msk $0xffff, v1  }
0x1f2: {  	v2 =	vld [tilespmem:$0xE50];
	_ =	sdelay $0x7  }
0x1f3: {  	[tilespmem:v2+s8+$0x0] =	vst.idx.add.f32.msk $0xffff, v1  }
0x1f4: {  	v2 =	vld [tilespmem:$0xE60];
	_ =	sdelay $0x7  }
0x1f5: {  	[tilespmem:v2+s8+$0x0] =	vst.idx.add.f32.msk $0xffff, v1  }
0x1f6: {  	v2 =	vld [tilespmem:$0xE6D];
	_ =	sdelay $0x7  }
0x1f7: {  	[tilespmem:v2+s8+$0x0] =	vst.idx.add.f32.msk vm0, v1  }
0x1f8: {  	_ =	swait.ge [sflag:s9], $0x3E80  }
0x1f9: {  	[sflag:s9] =	ssyncset.done $0x0  }
0x1fa: {  	s31 =	simm.s32 $0x700;
	[sflag:s9] =	ssyncadd.s32 $0xFFFFC180  }
0x1fb: {  	[tilespmem:s20], [sflag:$0x1] =	stream.indirect.gather [hbm4b:s1+s25], $0x80, s31, s25, $0xb8;
	[tilespmem:$0x1F080] =	vst v63  }
0x1fc: {  	s31 =	simm.s32 $0x740  }
0x1fd: {  	[tilespmem:s28], [sflag:$0x1] =	stream.indirect.gather [hbm4b:s1+s26], $0x80, s31, s26, $0xb8;
	[tilespmem:$0x1F080] =	vst v63  }
0x1fe: {  	_ =	swait.ge [sflag:s23], $0x2000  }
0x1ff: {  	[sflag:s23] =	ssyncset.done $0x0  }
0x200: {  	[sflag:s23] =	ssyncadd.s32 $0xFFFFE000  }
0x201: {  	_ =	swait.ge [sflag:s23], $0x1E80  }
0x202: {  	[sflag:s23] =	ssyncset.done $0x0  }
0x203: {  	[sflag:s23] =	ssyncadd.s32 $0xFFFFE180  }
0x204: {  	[spmem:s3] =	stream.indirect.scatter.add.f32 [tilespmem:s30], [sflag:$0x4], $0x80, s11, s0, $0xb8;
	[tilespmem:$0x1F080] =	vst v63  }
0x205: {  	v2 =	vld [tilespmem:$0xE80];
	_ =	sdelay $0x7  }
0x206: {  	[tilespmem:v2+s8+$0x0] =	vst.idx.add.f32.msk $0xffff, v1  }
0x207: {  	v2 =	vld [tilespmem:$0xE90];
	_ =	sdelay $0x7  }
0x208: {  	[tilespmem:v2+s8+$0x0] =	vst.idx.add.f32.msk $0xffff, v1  }
0x209: {  	v2 =	vld [tilespmem:$0xEA0];
	_ =	sdelay $0x7  }
0x20a: {  	[tilespmem:v2+s8+$0x0] =	vst.idx.add.f32.msk $0xffff, v1  }
0x20b: {  	v2 =	vld [tilespmem:$0xEB0];
	_ =	sdelay $0x7  }
0x20c: {  	[tilespmem:v2+s8+$0x0] =	vst.idx.add.f32.msk $0xffff, v1  }
0x20d: {  	v2 =	vld [tilespmem:$0xEC0];
	_ =	sdelay $0x7  }
0x20e: {  	[tilespmem:v2+s8+$0x0] =	vst.idx.add.f32.msk $0xffff, v1  }
0x20f: {  	v2 =	vld [tilespmem:$0xED0];
	_ =	sdelay $0x7  }
0x210: {  	[tilespmem:v2+s8+$0x0] =	vst.idx.add.f32.msk $0xffff, v1  }
0x211: {  	v2 =	vld [tilespmem:$0xEE0];
	_ =	sdelay $0x7  }
0x212: {  	[tilespmem:v2+s8+$0x0] =	vst.idx.add.f32.msk $0xffff, v1  }
0x213: {  	v2 =	vld [tilespmem:$0xEED];
	_ =	sdelay $0x7  }
0x214: {  	s10 =	simm.s32 @!p0 $0x5;
	[tilespmem:v2+s8+$0x0] =	vst.idx.add.f32.msk vm0, v1  }
0x215: {  	_ =	swait.ge @!p0 [sflag:s10], $0x400  }
0x216: {  	[sflag:s10] =	ssyncset.done @!p0 $0x0  }
0x217: {  	[sflag:s10] =	ssyncadd.s32 @!p0 $0xFFFFFC00  }
0x218: {  	_ =	swait.ge @!p0 [sflag:s10], $0x400  }
0x219: {  	[sflag:s10] =	ssyncset.done @!p0 $0x0  }
0x21a: {  	[sflag:s10] =	ssyncadd.s32 @!p0 $0xFFFFFC00  }
0x21b: {  	_ =	swait.ge [sflag:s13], $0x3E80  }
0x21c: {  	[sflag:s13] =	ssyncset.done $0x0  }
0x21d: {  	[sflag:s13] =	ssyncadd.s32 $0xFFFFC180  }
0x21e: {  	[tilespmem:s30], [sflag:$0x2] =	stream.indirect.gather [hbm4b:s1+s25], $0x80, s12, s25, $0xb8;
	[tilespmem:$0x1F080] =	vst v63  }
0x21f: {  	_ = 	snop  }
0x220: {  	[tilespmem:s2], [sflag:$0x2] =	stream.indirect.gather [hbm4b:s1+s26], $0x80, s14, s26, $0xb8;
	[tilespmem:$0x1F080] =	vst v63  }
0x221: {  	_ =	swait.ge [sflag:s22], $0x2000  }
0x222: {  	[sflag:s22] =	ssyncset.done $0x0  }
0x223: {  	[sflag:s22] =	ssyncadd.s32 $0xFFFFE000  }
0x224: {  	_ =	swait.ge [sflag:s22], $0x1E80  }
0x225: {  	[sflag:s22] =	ssyncset.done $0x0  }
0x226: {  	[sflag:s22] =	ssyncadd.s32 $0xFFFFE180  }
0x227: {  	[spmem:s3] =	stream.indirect.scatter.add.f32 [tilespmem:s20], [sflag:$0x3], $0x80, s21, s0, $0xb8;
	[tilespmem:$0x1F080] =	vst v63  }
0x228: {  	v2 =	vld [tilespmem:$0xF00];
	_ =	sdelay $0x7  }
0x229: {  	[tilespmem:v2+s8+$0x0] =	vst.idx.add.f32.msk $0xffff, v1  }
0x22a: {  	v2 =	vld [tilespmem:$0xF10];
	_ =	sdelay $0x7  }
0x22b: {  	[tilespmem:v2+s8+$0x0] =	vst.idx.add.f32.msk $0xffff, v1  }
0x22c: {  	v2 =	vld [tilespmem:$0xF20];
	_ =	sdelay $0x7  }
0x22d: {  	[tilespmem:v2+s8+$0x0] =	vst.idx.add.f32.msk $0xffff, v1  }
0x22e: {  	v2 =	vld [tilespmem:$0xF30];
	_ =	sdelay $0x7  }
0x22f: {  	[tilespmem:v2+s8+$0x0] =	vst.idx.add.f32.msk $0xffff, v1  }
0x230: {  	v2 =	vld [tilespmem:$0xF40];
	_ =	sdelay $0x7  }
0x231: {  	[tilespmem:v2+s8+$0x0] =	vst.idx.add.f32.msk $0xffff, v1  }
0x232: {  	v2 =	vld [tilespmem:$0xF50];
	_ =	sdelay $0x7  }
0x233: {  	[tilespmem:v2+s8+$0x0] =	vst.idx.add.f32.msk $0xffff, v1  }
0x234: {  	v2 =	vld [tilespmem:$0xF60];
	_ =	sdelay $0x7  }
0x235: {  	[tilespmem:v2+s8+$0x0] =	vst.idx.add.f32.msk $0xffff, v1  }
0x236: {  	v2 =	vld [tilespmem:$0xF6D];
	_ =	sdelay $0x7  }
0x237: {  	[tilespmem:v2+s8+$0x0] =	vst.idx.add.f32.msk vm0, v1  }
0x238: {  	_ =	swait.ge [sflag:s9], $0x3E80  }
0x239: {  	[sflag:s9] =	ssyncset.done $0x0  }
0x23a: {  	s31 =	simm.s32 @!p0 $0x1000;
	s10 =	simm.s32 @!p0 $0x40;
	[sflag:s9] =	ssyncadd.s32 $0xFFFFC180  }
0x23b: {  	[tilespmem:s31], [sflag:$0x1] =	stream.indirect.gather @!p0 [hbm4b:s1+s10], $0x80, s29, s10, $0xb8;
	[tilespmem:$0x1F080] =	vst v63  }
0x23c: {  	s29 =	simm.s32 @!p0 $0x3D;
	s31 =	simm.s32 @!p0 $0x3000  }
0x23d: {  	[tilespmem:s31], [sflag:$0x1] =	stream.indirect.gather @!p0 [hbm4b:s1+s29], $0x80, s10, s29, $0xb8;
	[tilespmem:$0x1F080] =	vst v63  }
0x23e: {  	_ =	swait.ge [sflag:s23], $0x2000  }
0x23f: {  	[sflag:s23] =	ssyncset.done $0x0  }
0x240: {  	[sflag:s23] =	ssyncadd.s32 $0xFFFFE000  }
0x241: {  	_ =	swait.ge [sflag:s23], $0x1E80  }
0x242: {  	[sflag:s23] =	ssyncset.done $0x0  }
0x243: {  	[sflag:s23] =	ssyncadd.s32 $0xFFFFE180  }
0x244: {  	[spmem:s3] =	stream.indirect.scatter.add.f32 [tilespmem:s30], [sflag:$0x4], $0x80, s15, s0, $0xb8;
	[tilespmem:$0x1F080] =	vst v63  }
0x245: {  	v2 =	vld [tilespmem:$0xF80];
	_ =	sdelay $0x7  }
0x246: {  	[tilespmem:v2+s8+$0x0] =	vst.idx.add.f32.msk $0xffff, v1  }
0x247: {  	v2 =	vld [tilespmem:$0xF90];
	_ =	sdelay $0x7  }
0x248: {  	[tilespmem:v2+s8+$0x0] =	vst.idx.add.f32.msk $0xffff, v1  }
0x249: {  	v2 =	vld [tilespmem:$0xFA0];
	_ =	sdelay $0x7  }
0x24a: {  	[tilespmem:v2+s8+$0x0] =	vst.idx.add.f32.msk $0xffff, v1  }
0x24b: {  	v2 =	vld [tilespmem:$0xFB0];
	_ =	sdelay $0x7  }
0x24c: {  	[tilespmem:v2+s8+$0x0] =	vst.idx.add.f32.msk $0xffff, v1  }
0x24d: {  	v2 =	vld [tilespmem:$0xFC0];
	_ =	sdelay $0x7  }
0x24e: {  	[tilespmem:v2+s8+$0x0] =	vst.idx.add.f32.msk $0xffff, v1  }
0x24f: {  	v2 =	vld [tilespmem:$0xFD0];
	_ =	sdelay $0x7  }
0x250: {  	[tilespmem:v2+s8+$0x0] =	vst.idx.add.f32.msk $0xffff, v1  }
0x251: {  	v2 =	vld [tilespmem:$0xFE0];
	_ =	sdelay $0x7  }
0x252: {  	[tilespmem:v2+s8+$0x0] =	vst.idx.add.f32.msk $0xffff, v1  }
0x253: {  	v2 =	vld [tilespmem:$0xFED];
	_ =	sdelay $0x6  }
.Ltmp4:
0x254: {  	_ = 	snop;
	(pc) =	sbr.rel @p0 .LBB2_8-.Ltmp4, $4  }
0x255: {  	[tilespmem:v2+s8+$0x0] =	vst.idx.add.f32.msk vm0, v1  }
0x256: {  	_ =	swait.ge [sflag:s13], $0x3E80  }
0x257: {  	[sflag:s13] =	ssyncset.done $0x0  }
0x258: {  	[sflag:s13] =	ssyncadd.s32 $0xFFFFC180  }
.Ltmp5:
0x259: {  	(pc) =	sbr.rel .LBB2_6-.Ltmp5, $4  }
0x25a: {  	s10 =	simm.s32 $0x80  }
0x25b: {  	[tilespmem:s30], [sflag:$0x2] =	stream.indirect.gather [hbm4b:s1+s25], $0x80, s10, s25, $0xb8;
	[tilespmem:$0x1F080] =	vst v63  }
0x25c: {  	s31 =	simm.s32 $0xC0;
	s5 =	sadd.s32 $0x100, s5  }
0x25d: {  	[tilespmem:s2], [sflag:$0x2] =	stream.indirect.gather [hbm4b:s1+s26], $0x80, s31, s26, $0xb8;
	[tilespmem:$0x1F080] =	vst v63  }
.LBB2_9:
0x25e: {  	_ =	sfence.sel $0x180000  }
0x25f: {  	[bflag:$0x0] =	sbarrier.arrive $0xFFFF  }
0x260: {  	_ =	strace $0x90000047  }
0x261: {  	s0 =	stileid.u32;
	[bflag:$0x2] =	sbarrier.arrive $0xFFFF  }
0x262: {  	p0 =	sne.s32 s0, $0x0;
	s0 =	rddreg [dreg:$0x4]  }
0x263: {  	s0 =	sadd.s32 @!p0 $0x100000, s0  }
0x264: {  	[sflag:s0] =	ssyncadd.tile.s32 @!p0 $0x1;
	_ =	shalt  }
.Lfunc_end2:
_tile_overlayer_lowered:
.L_overlay_start_2:
0x265: {  	(tag) =	ssettag $0x2  }
0x266: {  	s0 =	rddreg [dreg:$0x0];
	s2 =	stileid.u32  }
0x267: {  	s1 =	rddreg [dreg:$0x1];
	p0 =	sne.s32 s2, $0x0  }
0x268: {  	s3 =	rddreg [dreg:$0x2];
	[bflag:$0x3] =	sbarrier.arrive $0xFFFF;
	s2 =	simm.s32 @!p0 $0x1C06  }
0x269: {  	[timem:s3], [sflag:s2] =	dma.local @!p0 [hbm:s0], s1  }
0x26a: {  	s0 =	simm.s32 @!p0 $0x6  }
0x26b: {  	_ =	swait.ge @!p0 [sflag:s0], s1  }
0x26c: {  	s1 =	ssub.s32 @!p0 $0x0, s1;
	[sflag:s0] =	ssyncset.done @!p0 $0x0  }
0x26d: {  	[sflag:s0] =	ssyncadd.s32 @!p0 s1  }
0x26e: {  	[bflag:$0x3] =	sbarrier.arrive $0xFFFF  }
0x26f: {  	_ =	shalt  }

</sc_bundles>
